<compile_context>
chip_gen: v7x
topology: tpu7x:2x2x1
jax: 0.10.2.dev20260603
libtpu: 0.0.44.dev20260713+nightly
codegen_flags: <defaults>
</compile_context>

<pallas_src>
import functools

import jax
import jax.numpy as jnp
from jax import lax
from jax.experimental import pallas as pl
from jax.experimental.pallas import tpu as pltpu
from jax.experimental.pallas import tpu_sc as plsc

_R = 64
_K = 8
_BT = 512
_NW = 32
_BS = 256
_NG = _BS // 16
_HALF_BLOCKS = 16


def _mm1_body(x_ref, a_ref, yt_ref):
    y = jax.lax.dot_general(
        x_ref[...], a_ref[...], (((1,), (1,)), ((), ())),
        preferred_element_type=jnp.float32)
    yt_ref[0] = y.T


def _mm2_body(act1_ref, act2_ref, b_ref, out_ref):
    i = pl.program_id(0)
    act_t = jnp.where(i < _HALF_BLOCKS, act1_ref[0], act2_ref[0])
    act = act_t.astype(jnp.bfloat16)
    out_ref[...] = jax.lax.dot_general(
        act, b_ref[...], (((0,), (1,)), ((), ())),
        preferred_element_type=jnp.float32)


def _sc_route(yt_hbm, d_hbm, act_hbm, y_v, d_v, act_v):
    wid = lax.axis_index("s") * 2 + lax.axis_index("c")
    blk = wid // 2
    off = (wid % 2) * _BS
    pltpu.sync_copy(yt_hbm.at[blk, :, pl.ds(off, _BS)], y_v)
    pltpu.sync_copy(d_hbm, d_v)

    def group(g, _):
        neg = jnp.full((16,), -jnp.inf, dtype=jnp.float32)
        t = (neg,) * _K

        def ins(e, t):
            t = list(t)
            v = jnp.abs(y_v[e, pl.ds(g * 16, 16)] + d_v[e, :])
            for k in range(_K):
                hi = jnp.maximum(t[k], v)
                v = jnp.minimum(t[k], v)
                t[k] = hi
            return tuple(t)

        t = lax.fori_loop(0, _R, ins, t, unroll=8)
        thr = t[_K - 1]

        def cnt_gt(e, c):
            a = jnp.abs(y_v[e, pl.ds(g * 16, 16)] + d_v[e, :])
            return c + jnp.where(a > thr, 1, 0).astype(jnp.int32)

        ngt = lax.fori_loop(0, _R, cnt_gt, jnp.zeros((16,), jnp.int32),
                            unroll=8)
        quota = jnp.full((16,), _K, jnp.int32) - ngt

        def emit(e, tc):
            yv = y_v[e, pl.ds(g * 16, 16)]
            a = jnp.abs(yv + d_v[e, :])
            tie = jnp.logical_and(a == thr, tc < quota)
            tc = tc + jnp.where(tie, 1, 0).astype(jnp.int32)
            sel = jnp.logical_or(a > thr, tie)
            act_v[e, pl.ds(g * 16, 16)] = jnp.where(sel, yv + yv, 0.0)
            return tc

        lax.fori_loop(0, _R, emit, jnp.zeros((16,), jnp.int32), unroll=8)
        return 0

    lax.fori_loop(0, _NG, group, 0)
    pltpu.sync_copy(act_v, act_hbm.at[blk, :, pl.ds(off, _BS)])


def _mm1(x, A, half):
    n, in_f = x.shape
    off = half * _HALF_BLOCKS
    return pl.pallas_call(
        _mm1_body,
        grid=(_HALF_BLOCKS,),
        in_specs=[
            pl.BlockSpec((_BT, in_f), lambda i: (i + off, 0)),
            pl.BlockSpec((_R, in_f), lambda i: (0, 0)),
        ],
        out_specs=pl.BlockSpec((1, _R, _BT), lambda i: (i, 0, 0)),
        out_shape=jax.ShapeDtypeStruct((_HALF_BLOCKS, _R, _BT), jnp.float32),
        compiler_params=pltpu.CompilerParams(
            dimension_semantics=("parallel",)),
    )(x, A)


@jax.jit
def kernel(x, A, B, d):
    n, in_f = x.shape
    out_f = B.shape[0]

    d16 = jnp.tile(d.reshape(_R, 1), (1, 16))
    route = functools.partial(
        pl.kernel,
        mesh=plsc.VectorSubcoreMesh(core_axis_name="c", subcore_axis_name="s"),
        out_type=jax.ShapeDtypeStruct((_HALF_BLOCKS, _R, _BT), jnp.float32),
        scratch_types=[
            pltpu.VMEM((_R, _BS), jnp.float32),
            pltpu.VMEM((_R, 16), jnp.float32),
            pltpu.VMEM((_R, _BS), jnp.float32),
        ],
    )(_sc_route)

    yt1 = _mm1(x, A, 0)
    act1 = route(yt1, d16)
    yt2 = _mm1(x, A, 1)
    act2 = route(yt2, d16)

    out = pl.pallas_call(
        _mm2_body,
        grid=(n // _BT,),
        in_specs=[
            pl.BlockSpec((1, _R, _BT),
                         lambda i: (jnp.minimum(i, _HALF_BLOCKS - 1), 0, 0)),
            pl.BlockSpec((1, _R, _BT),
                         lambda i: (jnp.maximum(i - _HALF_BLOCKS, 0), 0, 0)),
            pl.BlockSpec((out_f, _R), lambda i: (0, 0)),
        ],
        out_specs=pl.BlockSpec((_BT, out_f), lambda i: (i, 0)),
        out_shape=jax.ShapeDtypeStruct((n, out_f), jnp.float32),
        compiler_params=pltpu.CompilerParams(
            dimension_semantics=("parallel",)),
    )(act1, act2, B.astype(jnp.bfloat16))
    return out

# --- scband reference (transcript-rebuilt; emitter-appended) ---
"""Pipeline reference for scband-fly-lo-ralinear-32203664786073 (READ-ONLY COPY).

The authoritative reference and input builder live on the scoring server;
editing this copy changes nothing except your own understanding.
"""

import jax, jax.numpy as jnp
import numpy as np

IN_FEATURES = 4096
OUT_FEATURES = 4096
R = 64
K = 8
ALPHA = 2.0 * R
P = max(1, int(IN_FEATURES * (K / R)))  # sparsity_ratio = k/r
N_TOKENS = 16384


def setup_inputs(seed: int = 0) -> dict:
    key = jax.random.key(seed)
    kx, kB = jax.random.split(key, 2)
    x = jax.random.normal(kx, (N_TOKENS, IN_FEATURES), dtype=jnp.float32)
    # Frozen sparse random projection A: each row has P nonzeros scaled by 1/r
    rng = np.random.RandomState(0)
    A_np = np.zeros((R, IN_FEATURES), dtype=np.float32)
    for i in range(R):
        idx = rng.permutation(IN_FEATURES)[:P]
        A_np[i, idx] = rng.randn(P).astype(np.float32) * (1.0 / R)
    A = jnp.asarray(A_np)
    # B is a learned parameter (zero-init in the module; small random here for a
    # numerically non-trivial reference)
    B = jax.random.normal(kB, (OUT_FEATURES, R), dtype=jnp.float32) * 0.02
    # routing bias d (zero-init, updated out-of-band by update_bias)
    d = jnp.zeros((R,), dtype=jnp.float32)
    return {"x": x, "A": A, "B": B, "d": d}


def reference(x, A, B, d):
    # 1. project through frozen sparse A: y = x A^T
    y = x @ A.T  # [N, R]
    # 2. add routing bias
    y_biased = y + d
    # 3. top-k experts by |y_biased|
    _, indices = jax.lax.top_k(jnp.abs(y_biased), K)  # [N, K]
    # scatter 1.0 at top-k positions (mask)
    mask = jax.nn.one_hot(indices, R, dtype=y.dtype).sum(axis=-2)  # [N, R]
    # 4. compute output using only activated experts (eval mode: no count update)
    activated_y = y * mask
    output = (activated_y @ B.T) * (ALPHA / R)
    return output

if __name__ == "__main__":
    import jax
    _d = setup_inputs()
    print(jax.jit(kernel)(*tuple(_d.values())))

</pallas_src>

<mosaic_0001>
#map = affine_map<(d0, d1) -> (0, 0, 0)>
#map1 = affine_map<(d0, d1) -> (0, 0)>
module attributes {stable_mosaic.version = 14 : i64} {
  func.func @_sc_route(%arg0: i32, %arg1: i32, %arg2: memref<16x64x512xf32, #tpu.memory_space<hbm>>, %arg3: memref<64x16xf32, #tpu.memory_space<hbm>>, %arg4: memref<16x64x512xf32, #tpu.memory_space<hbm>>, %arg5: memref<64x256xf32, #tpu.memory_space<vmem>>, %arg6: memref<64x16xf32, #tpu.memory_space<vmem>>, %arg7: memref<64x256xf32, #tpu.memory_space<vmem>>) attributes {dimension_semantics = [#tpu.dimension_semantics<core_parallel>, #tpu.dimension_semantics<subcore_parallel>], iteration_bounds = array<i64: 2, 16>, scalar_prefetch = 0 : i64, scratch_operands = 3 : i64, tpu.core_type = #tpu.core_type<sc_vector_subcore>, window_params = [{transform_indices = #map}, {transform_indices = #map1}, {transform_indices = #map}]} {
    %mul3A = arith.constant 2 : i32
    %mul3A_0 = arith.muli %arg1, %mul3A : i32
    %add3A = arith.addi %mul3A_0, %arg0 : i32
    %jit3A = arith.constant 2 : i32
    %div3A = arith.divsi %add3A, %jit3A : i32
    %sign3A = arith.constant 0 : i32
    %sign3A_1 = arith.cmpi sgt, %add3A, %sign3A : i32
    %sign3A_2 = arith.extui %sign3A_1 : i1 to i32
    %sign3A_3 = arith.constant 0 : i32
    %sign3A_4 = arith.cmpi slt, %add3A, %sign3A_3 : i32
    %sign3A_5 = arith.extui %sign3A_4 : i1 to i32
    %sign3A_6 = arith.subi %sign3A_2, %sign3A_5 : i32
    %sign3A_7 = arith.constant 0 : i32
    %sign3A_8 = arith.cmpi sgt, %jit3A, %sign3A_7 : i32
    %sign3A_9 = arith.extui %sign3A_8 : i1 to i32
    %sign3A_10 = arith.constant 0 : i32
    %sign3A_11 = arith.cmpi slt, %jit3A, %sign3A_10 : i32
    %sign3A_12 = arith.extui %sign3A_11 : i1 to i32
    %sign3A_13 = arith.subi %sign3A_9, %sign3A_12 : i32
    %ne3A = arith.cmpi ne, %sign3A_6, %sign3A_13 : i32
    %rem3A = arith.remsi %add3A, %jit3A : i32
    %ne3A_14 = arith.constant 0 : i32
    %ne3A_15 = arith.cmpi ne, %rem3A, %ne3A_14 : i32
    %and3A = arith.andi %ne3A, %ne3A_15 : i1
    %sub3A = arith.constant 1 : i32
    %sub3A_16 = arith.subi %div3A, %sub3A : i32
    %select_n3A = arith.select %and3A, %sub3A_16, %div3A : i32
    %jit3A_17 = arith.constant 2 : i32
    %eq3A = arith.constant 0 : i32
    %eq3A_18 = arith.cmpi eq, %jit3A_17, %eq3A : i32
    %jit3A_19 = arith.constant 1 : i32
    %select_n3A_20 = arith.select %eq3A_18, %jit3A_19, %jit3A_17 : i32
    %rem3A_21 = arith.remsi %add3A, %select_n3A_20 : i32
    %ne3A_22 = arith.constant 0 : i32
    %ne3A_23 = arith.cmpi ne, %rem3A_21, %ne3A_22 : i32
    %lt3A = arith.constant 0 : i32
    %lt3A_24 = arith.cmpi slt, %rem3A_21, %lt3A : i32
    %lt3A_25 = arith.constant 0 : i32
    %lt3A_26 = arith.cmpi slt, %select_n3A_20, %lt3A_25 : i32
    %ne3A_27 = arith.xori %lt3A_24, %lt3A_26 : i1
    %and3A_28 = arith.andi %ne3A_27, %ne3A_23 : i1
    %add3A_29 = arith.addi %rem3A_21, %select_n3A_20 : i32
    %select_n3A_30 = arith.select %and3A_28, %add3A_29, %rem3A_21 : i32
    %mul3A_31 = arith.constant 256 : i32
    %mul3A_32 = arith.muli %select_n3A_30, %mul3A_31 : i32
    "tpu.region"() ({
      %run_scoped3A = tpu.sem_alloc : memref<!tpu.dma_semaphore, #tpu.memory_space<semaphore_mem>>
      %dma_start3A = arith.constant 0 : i32
      %dma_start3A_39 = tpu.memref_slice %arg2[%select_n3A, %dma_start3A, %mul3A_32] : memref<16x64x512xf32, #tpu.memory_space<hbm>> -> memref<1x64x256xf32, #tpu.memory_space<hbm>>
      %dma_start3A_40 = tpu.memref_squeeze %dma_start3A_39 : memref<1x64x256xf32, #tpu.memory_space<hbm>> -> memref<64x256xf32, #tpu.memory_space<hbm>>
      %dma_start3A_41 = arith.constant 0 : i32
      %dma_start3A_42 = tpu.memref_slice %arg2[%select_n3A, %dma_start3A_41, %mul3A_32] : memref<16x64x512xf32, #tpu.memory_space<hbm>> -> memref<1x64x256xf32, #tpu.memory_space<hbm>>
      %dma_start3A_43 = tpu.memref_squeeze %dma_start3A_42 : memref<1x64x256xf32, #tpu.memory_space<hbm>> -> memref<64x256xf32, #tpu.memory_space<hbm>>
      tpu.enqueue_dma source(%dma_start3A_43 : memref<64x256xf32, #tpu.memory_space<hbm>>) target(%arg5 : memref<64x256xf32, #tpu.memory_space<vmem>>) target_semaphore(%run_scoped3A : memref<!tpu.dma_semaphore, #tpu.memory_space<semaphore_mem>>)
      %dma_wait3A = arith.constant 0 : i32
      %dma_wait3A_44 = tpu.memref_slice %arg2[%select_n3A, %dma_wait3A, %mul3A_32] : memref<16x64x512xf32, #tpu.memory_space<hbm>> -> memref<1x64x256xf32, #tpu.memory_space<hbm>>
      %dma_wait3A_45 = tpu.memref_squeeze %dma_wait3A_44 : memref<1x64x256xf32, #tpu.memory_space<hbm>> -> memref<64x256xf32, #tpu.memory_space<hbm>>
      %dma_wait3A_46 = arith.constant 0 : i32
      %dma_wait3A_47 = tpu.memref_slice %arg2[%select_n3A, %dma_wait3A_46, %mul3A_32] : memref<16x64x512xf32, #tpu.memory_space<hbm>> -> memref<1x64x256xf32, #tpu.memory_space<hbm>>
      %dma_wait3A_48 = tpu.memref_squeeze %dma_wait3A_47 : memref<1x64x256xf32, #tpu.memory_space<hbm>> -> memref<64x256xf32, #tpu.memory_space<hbm>>
      tpu.wait_dma2 semaphore(%run_scoped3A : memref<!tpu.dma_semaphore, #tpu.memory_space<semaphore_mem>>) src(%dma_wait3A_48 : memref<64x256xf32, #tpu.memory_space<hbm>>) dst(%arg5 : memref<64x256xf32, #tpu.memory_space<vmem>>)
      tpu.yield
    }) : () -> ()
    "tpu.region"() ({
      %run_scoped3A = tpu.sem_alloc : memref<!tpu.dma_semaphore, #tpu.memory_space<semaphore_mem>>
      tpu.enqueue_dma source(%arg3 : memref<64x16xf32, #tpu.memory_space<hbm>>) target(%arg6 : memref<64x16xf32, #tpu.memory_space<vmem>>) target_semaphore(%run_scoped3A : memref<!tpu.dma_semaphore, #tpu.memory_space<semaphore_mem>>)
      tpu.wait_dma2 semaphore(%run_scoped3A : memref<!tpu.dma_semaphore, #tpu.memory_space<semaphore_mem>>) src(%arg3 : memref<64x16xf32, #tpu.memory_space<hbm>>) dst(%arg6 : memref<64x16xf32, #tpu.memory_space<vmem>>)
      tpu.yield
    }) : () -> ()
    %scan3A = arith.constant 0 : i32
    %scan3A_33 = arith.constant 0 : i32
    %scan3A_34 = arith.constant 16 : i32
    %scan3A_35 = arith.addi %scan3A_33, %scan3A_34 : i32
    %scan3A_36 = arith.constant 1 : i32
    %scan3A_37 = scf.for %scan3A_39 = %scan3A_33 to %scan3A_35 step %scan3A_36 iter_args(%scan3A_40 = %scan3A) -> (i32)  : i32 {
      %broadcast_in_dim3A = arith.constant 0xFF800000 : f32
      %broadcast_in_dim3A_41 = vector.broadcast %broadcast_in_dim3A : f32 to vector<16xf32>
      %scan3A_42 = arith.constant 0 : i32
      %scan3A_43 = arith.constant 64 : i32
      %scan3A_44 = arith.addi %scan3A_42, %scan3A_43 : i32
      %scan3A_45 = arith.constant 8 : i32
      %scan3A_46:8 = scf.for %scan3A_68 = %scan3A_42 to %scan3A_44 step %scan3A_45 iter_args(%scan3A_69 = %broadcast_in_dim3A_41, %scan3A_70 = %broadcast_in_dim3A_41, %scan3A_71 = %broadcast_in_dim3A_41, %scan3A_72 = %broadcast_in_dim3A_41, %scan3A_73 = %broadcast_in_dim3A_41, %scan3A_74 = %broadcast_in_dim3A_41, %scan3A_75 = %broadcast_in_dim3A_41, %scan3A_76 = %broadcast_in_dim3A_41) -> (vector<16xf32>, vector<16xf32>, vector<16xf32>, vector<16xf32>, vector<16xf32>, vector<16xf32>, vector<16xf32>, vector<16xf32>)  : i32 {
        %mul3A_77 = arith.constant 16 : i32
        %mul3A_78 = arith.muli %scan3A_39, %mul3A_77 : i32
        %get3A = arith.index_cast %scan3A_68 : i32 to index
        %get3A_79 = arith.index_cast %mul3A_78 : i32 to index
        %get3A_80 = tpu.vector_load %arg5[%get3A, %get3A_79] {strides = array<i32>} : memref<64x256xf32, #tpu.memory_space<vmem>>, vector<1x16xf32>,
        %get3A_81 = vector.shape_cast %get3A_80 : vector<1x16xf32> to vector<16xf32>
        %get3A_82 = arith.index_cast %scan3A_68 : i32 to index
        %get3A_83 = arith.constant 0 : index
        %get3A_84 = tpu.vector_load %arg6[%get3A_82, %get3A_83] {strides = array<i32>} : memref<64x16xf32, #tpu.memory_space<vmem>>, vector<1x16xf32>,
        %get3A_85 = vector.shape_cast %get3A_84 : vector<1x16xf32> to vector<16xf32>
        %add3A_86 = arith.addf %get3A_81, %get3A_85 : vector<16xf32>
        %abs3A = math.absf %add3A_86 : vector<16xf32>
        %max3A = arith.maximumf %scan3A_69, %abs3A : vector<16xf32>
        %min3A = arith.minimumf %scan3A_69, %abs3A : vector<16xf32>
        %max3A_87 = arith.maximumf %scan3A_70, %min3A : vector<16xf32>
        %min3A_88 = arith.minimumf %scan3A_70, %min3A : vector<16xf32>
        %max3A_89 = arith.maximumf %scan3A_71, %min3A_88 : vector<16xf32>
        %min3A_90 = arith.minimumf %scan3A_71, %min3A_88 : vector<16xf32>
        %max3A_91 = arith.maximumf %scan3A_72, %min3A_90 : vector<16xf32>
        %min3A_92 = arith.minimumf %scan3A_72, %min3A_90 : vector<16xf32>
        %max3A_93 = arith.maximumf %scan3A_73, %min3A_92 : vector<16xf32>
        %min3A_94 = arith.minimumf %scan3A_73, %min3A_92 : vector<16xf32>
        %max3A_95 = arith.maximumf %scan3A_74, %min3A_94 : vector<16xf32>
        %min3A_96 = arith.minimumf %scan3A_74, %min3A_94 : vector<16xf32>
        %max3A_97 = arith.maximumf %scan3A_75, %min3A_96 : vector<16xf32>
        %min3A_98 = arith.minimumf %scan3A_75, %min3A_96 : vector<16xf32>
        %max3A_99 = arith.maximumf %scan3A_76, %min3A_98 : vector<16xf32>
        %min3A_100 = arith.minimumf %scan3A_76, %min3A_98 : vector<16xf32>
        %scan3A_101 = arith.constant 1 : i32
        %scan3A_102 = arith.addi %scan3A_68, %scan3A_101 : i32
        %mul3A_103 = arith.constant 16 : i32
        %mul3A_104 = arith.muli %scan3A_39, %mul3A_103 : i32
        %get3A_105 = arith.index_cast %scan3A_102 : i32 to index
        %get3A_106 = arith.index_cast %mul3A_104 : i32 to index
        %get3A_107 = tpu.vector_load %arg5[%get3A_105, %get3A_106] {strides = array<i32>} : memref<64x256xf32, #tpu.memory_space<vmem>>, vector<1x16xf32>,
        %get3A_108 = vector.shape_cast %get3A_107 : vector<1x16xf32> to vector<16xf32>
        %get3A_109 = arith.index_cast %scan3A_102 : i32 to index
        %get3A_110 = arith.constant 0 : index
        %get3A_111 = tpu.vector_load %arg6[%get3A_109, %get3A_110] {strides = array<i32>} : memref<64x16xf32, #tpu.memory_space<vmem>>, vector<1x16xf32>,
        %get3A_112 = vector.shape_cast %get3A_111 : vector<1x16xf32> to vector<16xf32>
        %add3A_113 = arith.addf %get3A_108, %get3A_112 : vector<16xf32>
        %abs3A_114 = math.absf %add3A_113 : vector<16xf32>
        %max3A_115 = arith.maximumf %max3A, %abs3A_114 : vector<16xf32>
        %min3A_116 = arith.minimumf %max3A, %abs3A_114 : vector<16xf32>
        %max3A_117 = arith.maximumf %max3A_87, %min3A_116 : vector<16xf32>
        %min3A_118 = arith.minimumf %max3A_87, %min3A_116 : vector<16xf32>
        %max3A_119 = arith.maximumf %max3A_89, %min3A_118 : vector<16xf32>
        %min3A_120 = arith.minimumf %max3A_89, %min3A_118 : vector<16xf32>
        %max3A_121 = arith.maximumf %max3A_91, %min3A_120 : vector<16xf32>
        %min3A_122 = arith.minimumf %max3A_91, %min3A_120 : vector<16xf32>
        %max3A_123 = arith.maximumf %max3A_93, %min3A_122 : vector<16xf32>
        %min3A_124 = arith.minimumf %max3A_93, %min3A_122 : vector<16xf32>
        %max3A_125 = arith.maximumf %max3A_95, %min3A_124 : vector<16xf32>
        %min3A_126 = arith.minimumf %max3A_95, %min3A_124 : vector<16xf32>
        %max3A_127 = arith.maximumf %max3A_97, %min3A_126 : vector<16xf32>
        %min3A_128 = arith.minimumf %max3A_97, %min3A_126 : vector<16xf32>
        %max3A_129 = arith.maximumf %max3A_99, %min3A_128 : vector<16xf32>
        %min3A_130 = arith.minimumf %max3A_99, %min3A_128 : vector<16xf32>
        %scan3A_131 = arith.constant 2 : i32
        %scan3A_132 = arith.addi %scan3A_68, %scan3A_131 : i32
        %mul3A_133 = arith.constant 16 : i32
        %mul3A_134 = arith.muli %scan3A_39, %mul3A_133 : i32
        %get3A_135 = arith.index_cast %scan3A_132 : i32 to index
        %get3A_136 = arith.index_cast %mul3A_134 : i32 to index
        %get3A_137 = tpu.vector_load %arg5[%get3A_135, %get3A_136] {strides = array<i32>} : memref<64x256xf32, #tpu.memory_space<vmem>>, vector<1x16xf32>,
        %get3A_138 = vector.shape_cast %get3A_137 : vector<1x16xf32> to vector<16xf32>
        %get3A_139 = arith.index_cast %scan3A_132 : i32 to index
        %get3A_140 = arith.constant 0 : index
        %get3A_141 = tpu.vector_load %arg6[%get3A_139, %get3A_140] {strides = array<i32>} : memref<64x16xf32, #tpu.memory_space<vmem>>, vector<1x16xf32>,
        %get3A_142 = vector.shape_cast %get3A_141 : vector<1x16xf32> to vector<16xf32>
        %add3A_143 = arith.addf %get3A_138, %get3A_142 : vector<16xf32>
        %abs3A_144 = math.absf %add3A_143 : vector<16xf32>
        %max3A_145 = arith.maximumf %max3A_115, %abs3A_144 : vector<16xf32>
        %min3A_146 = arith.minimumf %max3A_115, %abs3A_144 : vector<16xf32>
        %max3A_147 = arith.maximumf %max3A_117, %min3A_146 : vector<16xf32>
        %min3A_148 = arith.minimumf %max3A_117, %min3A_146 : vector<16xf32>
        %max3A_149 = arith.maximumf %max3A_119, %min3A_148 : vector<16xf32>
        %min3A_150 = arith.minimumf %max3A_119, %min3A_148 : vector<16xf32>
        %max3A_151 = arith.maximumf %max3A_121, %min3A_150 : vector<16xf32>
        %min3A_152 = arith.minimumf %max3A_121, %min3A_150 : vector<16xf32>
        %max3A_153 = arith.maximumf %max3A_123, %min3A_152 : vector<16xf32>
        %min3A_154 = arith.minimumf %max3A_123, %min3A_152 : vector<16xf32>
        %max3A_155 = arith.maximumf %max3A_125, %min3A_154 : vector<16xf32>
        %min3A_156 = arith.minimumf %max3A_125, %min3A_154 : vector<16xf32>
        %max3A_157 = arith.maximumf %max3A_127, %min3A_156 : vector<16xf32>
        %min3A_158 = arith.minimumf %max3A_127, %min3A_156 : vector<16xf32>
        %max3A_159 = arith.maximumf %max3A_129, %min3A_158 : vector<16xf32>
        %min3A_160 = arith.minimumf %max3A_129, %min3A_158 : vector<16xf32>
        %scan3A_161 = arith.constant 3 : i32
        %scan3A_162 = arith.addi %scan3A_68, %scan3A_161 : i32
        %mul3A_163 = arith.constant 16 : i32
        %mul3A_164 = arith.muli %scan3A_39, %mul3A_163 : i32
        %get3A_165 = arith.index_cast %scan3A_162 : i32 to index
        %get3A_166 = arith.index_cast %mul3A_164 : i32 to index
        %get3A_167 = tpu.vector_load %arg5[%get3A_165, %get3A_166] {strides = array<i32>} : memref<64x256xf32, #tpu.memory_space<vmem>>, vector<1x16xf32>,
        %get3A_168 = vector.shape_cast %get3A_167 : vector<1x16xf32> to vector<16xf32>
        %get3A_169 = arith.index_cast %scan3A_162 : i32 to index
        %get3A_170 = arith.constant 0 : index
        %get3A_171 = tpu.vector_load %arg6[%get3A_169, %get3A_170] {strides = array<i32>} : memref<64x16xf32, #tpu.memory_space<vmem>>, vector<1x16xf32>,
        %get3A_172 = vector.shape_cast %get3A_171 : vector<1x16xf32> to vector<16xf32>
        %add3A_173 = arith.addf %get3A_168, %get3A_172 : vector<16xf32>
        %abs3A_174 = math.absf %add3A_173 : vector<16xf32>
        %max3A_175 = arith.maximumf %max3A_145, %abs3A_174 : vector<16xf32>
        %min3A_176 = arith.minimumf %max3A_145, %abs3A_174 : vector<16xf32>
        %max3A_177 = arith.maximumf %max3A_147, %min3A_176 : vector<16xf32>
        %min3A_178 = arith.minimumf %max3A_147, %min3A_176 : vector<16xf32>
        %max3A_179 = arith.maximumf %max3A_149, %min3A_178 : vector<16xf32>
        %min3A_180 = arith.minimumf %max3A_149, %min3A_178 : vector<16xf32>
        %max3A_181 = arith.maximumf %max3A_151, %min3A_180 : vector<16xf32>
        %min3A_182 = arith.minimumf %max3A_151, %min3A_180 : vector<16xf32>
        %max3A_183 = arith.maximumf %max3A_153, %min3A_182 : vector<16xf32>
        %min3A_184 = arith.minimumf %max3A_153, %min3A_182 : vector<16xf32>
        %max3A_185 = arith.maximumf %max3A_155, %min3A_184 : vector<16xf32>
        %min3A_186 = arith.minimumf %max3A_155, %min3A_184 : vector<16xf32>
        %max3A_187 = arith.maximumf %max3A_157, %min3A_186 : vector<16xf32>
        %min3A_188 = arith.minimumf %max3A_157, %min3A_186 : vector<16xf32>
        %max3A_189 = arith.maximumf %max3A_159, %min3A_188 : vector<16xf32>
        %min3A_190 = arith.minimumf %max3A_159, %min3A_188 : vector<16xf32>
        %scan3A_191 = arith.constant 4 : i32
        %scan3A_192 = arith.addi %scan3A_68, %scan3A_191 : i32
        %mul3A_193 = arith.constant 16 : i32
        %mul3A_194 = arith.muli %scan3A_39, %mul3A_193 : i32
        %get3A_195 = arith.index_cast %scan3A_192 : i32 to index
        %get3A_196 = arith.index_cast %mul3A_194 : i32 to index
        %get3A_197 = tpu.vector_load %arg5[%get3A_195, %get3A_196] {strides = array<i32>} : memref<64x256xf32, #tpu.memory_space<vmem>>, vector<1x16xf32>,
        %get3A_198 = vector.shape_cast %get3A_197 : vector<1x16xf32> to vector<16xf32>
        %get3A_199 = arith.index_cast %scan3A_192 : i32 to index
        %get3A_200 = arith.constant 0 : index
        %get3A_201 = tpu.vector_load %arg6[%get3A_199, %get3A_200] {strides = array<i32>} : memref<64x16xf32, #tpu.memory_space<vmem>>, vector<1x16xf32>,
        %get3A_202 = vector.shape_cast %get3A_201 : vector<1x16xf32> to vector<16xf32>
        %add3A_203 = arith.addf %get3A_198, %get3A_202 : vector<16xf32>
        %abs3A_204 = math.absf %add3A_203 : vector<16xf32>
        %max3A_205 = arith.maximumf %max3A_175, %abs3A_204 : vector<16xf32>
        %min3A_206 = arith.minimumf %max3A_175, %abs3A_204 : vector<16xf32>
        %max3A_207 = arith.maximumf %max3A_177, %min3A_206 : vector<16xf32>
        %min3A_208 = arith.minimumf %max3A_177, %min3A_206 : vector<16xf32>
        %max3A_209 = arith.maximumf %max3A_179, %min3A_208 : vector<16xf32>
        %min3A_210 = arith.minimumf %max3A_179, %min3A_208 : vector<16xf32>
        %max3A_211 = arith.maximumf %max3A_181, %min3A_210 : vector<16xf32>
        %min3A_212 = arith.minimumf %max3A_181, %min3A_210 : vector<16xf32>
        %max3A_213 = arith.maximumf %max3A_183, %min3A_212 : vector<16xf32>
        %min3A_214 = arith.minimumf %max3A_183, %min3A_212 : vector<16xf32>
        %max3A_215 = arith.maximumf %max3A_185, %min3A_214 : vector<16xf32>
        %min3A_216 = arith.minimumf %max3A_185, %min3A_214 : vector<16xf32>
        %max3A_217 = arith.maximumf %max3A_187, %min3A_216 : vector<16xf32>
        %min3A_218 = arith.minimumf %max3A_187, %min3A_216 : vector<16xf32>
        %max3A_219 = arith.maximumf %max3A_189, %min3A_218 : vector<16xf32>
        %min3A_220 = arith.minimumf %max3A_189, %min3A_218 : vector<16xf32>
        %scan3A_221 = arith.constant 5 : i32
        %scan3A_222 = arith.addi %scan3A_68, %scan3A_221 : i32
        %mul3A_223 = arith.constant 16 : i32
        %mul3A_224 = arith.muli %scan3A_39, %mul3A_223 : i32
        %get3A_225 = arith.index_cast %scan3A_222 : i32 to index
        %get3A_226 = arith.index_cast %mul3A_224 : i32 to index
        %get3A_227 = tpu.vector_load %arg5[%get3A_225, %get3A_226] {strides = array<i32>} : memref<64x256xf32, #tpu.memory_space<vmem>>, vector<1x16xf32>,
        %get3A_228 = vector.shape_cast %get3A_227 : vector<1x16xf32> to vector<16xf32>
        %get3A_229 = arith.index_cast %scan3A_222 : i32 to index
        %get3A_230 = arith.constant 0 : index
        %get3A_231 = tpu.vector_load %arg6[%get3A_229, %get3A_230] {strides = array<i32>} : memref<64x16xf32, #tpu.memory_space<vmem>>, vector<1x16xf32>,
        %get3A_232 = vector.shape_cast %get3A_231 : vector<1x16xf32> to vector<16xf32>
        %add3A_233 = arith.addf %get3A_228, %get3A_232 : vector<16xf32>
        %abs3A_234 = math.absf %add3A_233 : vector<16xf32>
        %max3A_235 = arith.maximumf %max3A_205, %abs3A_234 : vector<16xf32>
        %min3A_236 = arith.minimumf %max3A_205, %abs3A_234 : vector<16xf32>
        %max3A_237 = arith.maximumf %max3A_207, %min3A_236 : vector<16xf32>
        %min3A_238 = arith.minimumf %max3A_207, %min3A_236 : vector<16xf32>
        %max3A_239 = arith.maximumf %max3A_209, %min3A_238 : vector<16xf32>
        %min3A_240 = arith.minimumf %max3A_209, %min3A_238 : vector<16xf32>
        %max3A_241 = arith.maximumf %max3A_211, %min3A_240 : vector<16xf32>
        %min3A_242 = arith.minimumf %max3A_211, %min3A_240 : vector<16xf32>
        %max3A_243 = arith.maximumf %max3A_213, %min3A_242 : vector<16xf32>
        %min3A_244 = arith.minimumf %max3A_213, %min3A_242 : vector<16xf32>
        %max3A_245 = arith.maximumf %max3A_215, %min3A_244 : vector<16xf32>
        %min3A_246 = arith.minimumf %max3A_215, %min3A_244 : vector<16xf32>
        %max3A_247 = arith.maximumf %max3A_217, %min3A_246 : vector<16xf32>
        %min3A_248 = arith.minimumf %max3A_217, %min3A_246 : vector<16xf32>
        %max3A_249 = arith.maximumf %max3A_219, %min3A_248 : vector<16xf32>
        %min3A_250 = arith.minimumf %max3A_219, %min3A_248 : vector<16xf32>
        %scan3A_251 = arith.constant 6 : i32
        %scan3A_252 = arith.addi %scan3A_68, %scan3A_251 : i32
        %mul3A_253 = arith.constant 16 : i32
        %mul3A_254 = arith.muli %scan3A_39, %mul3A_253 : i32
        %get3A_255 = arith.index_cast %scan3A_252 : i32 to index
        %get3A_256 = arith.index_cast %mul3A_254 : i32 to index
        %get3A_257 = tpu.vector_load %arg5[%get3A_255, %get3A_256] {strides = array<i32>} : memref<64x256xf32, #tpu.memory_space<vmem>>, vector<1x16xf32>,
        %get3A_258 = vector.shape_cast %get3A_257 : vector<1x16xf32> to vector<16xf32>
        %get3A_259 = arith.index_cast %scan3A_252 : i32 to index
        %get3A_260 = arith.constant 0 : index
        %get3A_261 = tpu.vector_load %arg6[%get3A_259, %get3A_260] {strides = array<i32>} : memref<64x16xf32, #tpu.memory_space<vmem>>, vector<1x16xf32>,
        %get3A_262 = vector.shape_cast %get3A_261 : vector<1x16xf32> to vector<16xf32>
        %add3A_263 = arith.addf %get3A_258, %get3A_262 : vector<16xf32>
        %abs3A_264 = math.absf %add3A_263 : vector<16xf32>
        %max3A_265 = arith.maximumf %max3A_235, %abs3A_264 : vector<16xf32>
        %min3A_266 = arith.minimumf %max3A_235, %abs3A_264 : vector<16xf32>
        %max3A_267 = arith.maximumf %max3A_237, %min3A_266 : vector<16xf32>
        %min3A_268 = arith.minimumf %max3A_237, %min3A_266 : vector<16xf32>
        %max3A_269 = arith.maximumf %max3A_239, %min3A_268 : vector<16xf32>
        %min3A_270 = arith.minimumf %max3A_239, %min3A_268 : vector<16xf32>
        %max3A_271 = arith.maximumf %max3A_241, %min3A_270 : vector<16xf32>
        %min3A_272 = arith.minimumf %max3A_241, %min3A_270 : vector<16xf32>
        %max3A_273 = arith.maximumf %max3A_243, %min3A_272 : vector<16xf32>
        %min3A_274 = arith.minimumf %max3A_243, %min3A_272 : vector<16xf32>
        %max3A_275 = arith.maximumf %max3A_245, %min3A_274 : vector<16xf32>
        %min3A_276 = arith.minimumf %max3A_245, %min3A_274 : vector<16xf32>
        %max3A_277 = arith.maximumf %max3A_247, %min3A_276 : vector<16xf32>
        %min3A_278 = arith.minimumf %max3A_247, %min3A_276 : vector<16xf32>
        %max3A_279 = arith.maximumf %max3A_249, %min3A_278 : vector<16xf32>
        %min3A_280 = arith.minimumf %max3A_249, %min3A_278 : vector<16xf32>
        %scan3A_281 = arith.constant 7 : i32
        %scan3A_282 = arith.addi %scan3A_68, %scan3A_281 : i32
        %mul3A_283 = arith.constant 16 : i32
        %mul3A_284 = arith.muli %scan3A_39, %mul3A_283 : i32
        %get3A_285 = arith.index_cast %scan3A_282 : i32 to index
        %get3A_286 = arith.index_cast %mul3A_284 : i32 to index
        %get3A_287 = tpu.vector_load %arg5[%get3A_285, %get3A_286] {strides = array<i32>} : memref<64x256xf32, #tpu.memory_space<vmem>>, vector<1x16xf32>,
        %get3A_288 = vector.shape_cast %get3A_287 : vector<1x16xf32> to vector<16xf32>
        %get3A_289 = arith.index_cast %scan3A_282 : i32 to index
        %get3A_290 = arith.constant 0 : index
        %get3A_291 = tpu.vector_load %arg6[%get3A_289, %get3A_290] {strides = array<i32>} : memref<64x16xf32, #tpu.memory_space<vmem>>, vector<1x16xf32>,
        %get3A_292 = vector.shape_cast %get3A_291 : vector<1x16xf32> to vector<16xf32>
        %add3A_293 = arith.addf %get3A_288, %get3A_292 : vector<16xf32>
        %abs3A_294 = math.absf %add3A_293 : vector<16xf32>
        %max3A_295 = arith.maximumf %max3A_265, %abs3A_294 : vector<16xf32>
        %min3A_296 = arith.minimumf %max3A_265, %abs3A_294 : vector<16xf32>
        %max3A_297 = arith.maximumf %max3A_267, %min3A_296 : vector<16xf32>
        %min3A_298 = arith.minimumf %max3A_267, %min3A_296 : vector<16xf32>
        %max3A_299 = arith.maximumf %max3A_269, %min3A_298 : vector<16xf32>
        %min3A_300 = arith.minimumf %max3A_269, %min3A_298 : vector<16xf32>
        %max3A_301 = arith.maximumf %max3A_271, %min3A_300 : vector<16xf32>
        %min3A_302 = arith.minimumf %max3A_271, %min3A_300 : vector<16xf32>
        %max3A_303 = arith.maximumf %max3A_273, %min3A_302 : vector<16xf32>
        %min3A_304 = arith.minimumf %max3A_273, %min3A_302 : vector<16xf32>
        %max3A_305 = arith.maximumf %max3A_275, %min3A_304 : vector<16xf32>
        %min3A_306 = arith.minimumf %max3A_275, %min3A_304 : vector<16xf32>
        %max3A_307 = arith.maximumf %max3A_277, %min3A_306 : vector<16xf32>
        %min3A_308 = arith.minimumf %max3A_277, %min3A_306 : vector<16xf32>
        %max3A_309 = arith.maximumf %max3A_279, %min3A_308 : vector<16xf32>
        %min3A_310 = arith.minimumf %max3A_279, %min3A_308 : vector<16xf32>
        scf.yield %max3A_295, %max3A_297, %max3A_299, %max3A_301, %max3A_303, %max3A_305, %max3A_307, %max3A_309 : vector<16xf32>, vector<16xf32>, vector<16xf32>, vector<16xf32>, vector<16xf32>, vector<16xf32>, vector<16xf32>, vector<16xf32>
      }
      %scan3A_47 = arith.constant 64 : i32
      %broadcast_in_dim3A_48 = arith.constant 0 : i32
      %broadcast_in_dim3A_49 = vector.broadcast %broadcast_in_dim3A_48 : i32 to vector<16xi32>
      %scan3A_50 = arith.constant 0 : i32
      %scan3A_51 = arith.constant 64 : i32
      %scan3A_52 = arith.addi %scan3A_50, %scan3A_51 : i32
      %scan3A_53 = arith.constant 8 : i32
      %scan3A_54 = scf.for %scan3A_68 = %scan3A_50 to %scan3A_52 step %scan3A_53 iter_args(%scan3A_69 = %broadcast_in_dim3A_49) -> (vector<16xi32>)  : i32 {
        %mul3A_70 = arith.constant 16 : i32
        %mul3A_71 = arith.muli %scan3A_39, %mul3A_70 : i32
        %get3A = arith.index_cast %scan3A_68 : i32 to index
        %get3A_72 = arith.index_cast %mul3A_71 : i32 to index
        %get3A_73 = tpu.vector_load %arg5[%get3A, %get3A_72] {strides = array<i32>} : memref<64x256xf32, #tpu.memory_space<vmem>>, vector<1x16xf32>,
        %get3A_74 = vector.shape_cast %get3A_73 : vector<1x16xf32> to vector<16xf32>
        %get3A_75 = arith.index_cast %scan3A_68 : i32 to index
        %get3A_76 = arith.constant 0 : index
        %get3A_77 = tpu.vector_load %arg6[%get3A_75, %get3A_76] {strides = array<i32>} : memref<64x16xf32, #tpu.memory_space<vmem>>, vector<1x16xf32>,
        %get3A_78 = vector.shape_cast %get3A_77 : vector<1x16xf32> to vector<16xf32>
        %add3A_79 = arith.addf %get3A_74, %get3A_78 : vector<16xf32>
        %abs3A = math.absf %add3A_79 : vector<16xf32>
        %gt3A = arith.cmpf ogt, %abs3A, %scan3A_46#7 : vector<16xf32>
        %jit3A_80 = arith.constant 1 : i32
        %jit3A_81 = arith.constant 0 : i32
        %broadcast_in_dim3A_82 = vector.broadcast %jit3A_80 : i32 to vector<16xi32>
        %broadcast_in_dim3A_83 = vector.broadcast %jit3A_81 : i32 to vector<16xi32>
        %select_n3A_84 = arith.select %gt3A, %broadcast_in_dim3A_82, %broadcast_in_dim3A_83 : vector<16xi1>, vector<16xi32>
        %add3A_85 = arith.addi %scan3A_69, %select_n3A_84 : vector<16xi32>
        %scan3A_86 = arith.constant 1 : i32
        %scan3A_87 = arith.addi %scan3A_68, %scan3A_86 : i32
        %mul3A_88 = arith.constant 16 : i32
        %mul3A_89 = arith.muli %scan3A_39, %mul3A_88 : i32
        %get3A_90 = arith.index_cast %scan3A_87 : i32 to index
        %get3A_91 = arith.index_cast %mul3A_89 : i32 to index
        %get3A_92 = tpu.vector_load %arg5[%get3A_90, %get3A_91] {strides = array<i32>} : memref<64x256xf32, #tpu.memory_space<vmem>>, vector<1x16xf32>,
        %get3A_93 = vector.shape_cast %get3A_92 : vector<1x16xf32> to vector<16xf32>
        %get3A_94 = arith.index_cast %scan3A_87 : i32 to index
        %get3A_95 = arith.constant 0 : index
        %get3A_96 = tpu.vector_load %arg6[%get3A_94, %get3A_95] {strides = array<i32>} : memref<64x16xf32, #tpu.memory_space<vmem>>, vector<1x16xf32>,
        %get3A_97 = vector.shape_cast %get3A_96 : vector<1x16xf32> to vector<16xf32>
        %add3A_98 = arith.addf %get3A_93, %get3A_97 : vector<16xf32>
        %abs3A_99 = math.absf %add3A_98 : vector<16xf32>
        %gt3A_100 = arith.cmpf ogt, %abs3A_99, %scan3A_46#7 : vector<16xf32>
        %jit3A_101 = arith.constant 1 : i32
        %jit3A_102 = arith.constant 0 : i32
        %broadcast_in_dim3A_103 = vector.broadcast %jit3A_101 : i32 to vector<16xi32>
        %broadcast_in_dim3A_104 = vector.broadcast %jit3A_102 : i32 to vector<16xi32>
        %select_n3A_105 = arith.select %gt3A_100, %broadcast_in_dim3A_103, %broadcast_in_dim3A_104 : vector<16xi1>, vector<16xi32>
        %add3A_106 = arith.addi %add3A_85, %select_n3A_105 : vector<16xi32>
        %scan3A_107 = arith.constant 2 : i32
        %scan3A_108 = arith.addi %scan3A_68, %scan3A_107 : i32
        %mul3A_109 = arith.constant 16 : i32
        %mul3A_110 = arith.muli %scan3A_39, %mul3A_109 : i32
        %get3A_111 = arith.index_cast %scan3A_108 : i32 to index
        %get3A_112 = arith.index_cast %mul3A_110 : i32 to index
        %get3A_113 = tpu.vector_load %arg5[%get3A_111, %get3A_112] {strides = array<i32>} : memref<64x256xf32, #tpu.memory_space<vmem>>, vector<1x16xf32>,
        %get3A_114 = vector.shape_cast %get3A_113 : vector<1x16xf32> to vector<16xf32>
        %get3A_115 = arith.index_cast %scan3A_108 : i32 to index
        %get3A_116 = arith.constant 0 : index
        %get3A_117 = tpu.vector_load %arg6[%get3A_115, %get3A_116] {strides = array<i32>} : memref<64x16xf32, #tpu.memory_space<vmem>>, vector<1x16xf32>,
        %get3A_118 = vector.shape_cast %get3A_117 : vector<1x16xf32> to vector<16xf32>
        %add3A_119 = arith.addf %get3A_114, %get3A_118 : vector<16xf32>
        %abs3A_120 = math.absf %add3A_119 : vector<16xf32>
        %gt3A_121 = arith.cmpf ogt, %abs3A_120, %scan3A_46#7 : vector<16xf32>
        %jit3A_122 = arith.constant 1 : i32
        %jit3A_123 = arith.constant 0 : i32
        %broadcast_in_dim3A_124 = vector.broadcast %jit3A_122 : i32 to vector<16xi32>
        %broadcast_in_dim3A_125 = vector.broadcast %jit3A_123 : i32 to vector<16xi32>
        %select_n3A_126 = arith.select %gt3A_121, %broadcast_in_dim3A_124, %broadcast_in_dim3A_125 : vector<16xi1>, vector<16xi32>
        %add3A_127 = arith.addi %add3A_106, %select_n3A_126 : vector<16xi32>
        %scan3A_128 = arith.constant 3 : i32
        %scan3A_129 = arith.addi %scan3A_68, %scan3A_128 : i32
        %mul3A_130 = arith.constant 16 : i32
        %mul3A_131 = arith.muli %scan3A_39, %mul3A_130 : i32
        %get3A_132 = arith.index_cast %scan3A_129 : i32 to index
        %get3A_133 = arith.index_cast %mul3A_131 : i32 to index
        %get3A_134 = tpu.vector_load %arg5[%get3A_132, %get3A_133] {strides = array<i32>} : memref<64x256xf32, #tpu.memory_space<vmem>>, vector<1x16xf32>,
        %get3A_135 = vector.shape_cast %get3A_134 : vector<1x16xf32> to vector<16xf32>
        %get3A_136 = arith.index_cast %scan3A_129 : i32 to index
        %get3A_137 = arith.constant 0 : index
        %get3A_138 = tpu.vector_load %arg6[%get3A_136, %get3A_137] {strides = array<i32>} : memref<64x16xf32, #tpu.memory_space<vmem>>, vector<1x16xf32>,
        %get3A_139 = vector.shape_cast %get3A_138 : vector<1x16xf32> to vector<16xf32>
        %add3A_140 = arith.addf %get3A_135, %get3A_139 : vector<16xf32>
        %abs3A_141 = math.absf %add3A_140 : vector<16xf32>
        %gt3A_142 = arith.cmpf ogt, %abs3A_141, %scan3A_46#7 : vector<16xf32>
        %jit3A_143 = arith.constant 1 : i32
        %jit3A_144 = arith.constant 0 : i32
        %broadcast_in_dim3A_145 = vector.broadcast %jit3A_143 : i32 to vector<16xi32>
        %broadcast_in_dim3A_146 = vector.broadcast %jit3A_144 : i32 to vector<16xi32>
        %select_n3A_147 = arith.select %gt3A_142, %broadcast_in_dim3A_145, %broadcast_in_dim3A_146 : vector<16xi1>, vector<16xi32>
        %add3A_148 = arith.addi %add3A_127, %select_n3A_147 : vector<16xi32>
        %scan3A_149 = arith.constant 4 : i32
        %scan3A_150 = arith.addi %scan3A_68, %scan3A_149 : i32
        %mul3A_151 = arith.constant 16 : i32
        %mul3A_152 = arith.muli %scan3A_39, %mul3A_151 : i32
        %get3A_153 = arith.index_cast %scan3A_150 : i32 to index
        %get3A_154 = arith.index_cast %mul3A_152 : i32 to index
        %get3A_155 = tpu.vector_load %arg5[%get3A_153, %get3A_154] {strides = array<i32>} : memref<64x256xf32, #tpu.memory_space<vmem>>, vector<1x16xf32>,
        %get3A_156 = vector.shape_cast %get3A_155 : vector<1x16xf32> to vector<16xf32>
        %get3A_157 = arith.index_cast %scan3A_150 : i32 to index
        %get3A_158 = arith.constant 0 : index
        %get3A_159 = tpu.vector_load %arg6[%get3A_157, %get3A_158] {strides = array<i32>} : memref<64x16xf32, #tpu.memory_space<vmem>>, vector<1x16xf32>,
        %get3A_160 = vector.shape_cast %get3A_159 : vector<1x16xf32> to vector<16xf32>
        %add3A_161 = arith.addf %get3A_156, %get3A_160 : vector<16xf32>
        %abs3A_162 = math.absf %add3A_161 : vector<16xf32>
        %gt3A_163 = arith.cmpf ogt, %abs3A_162, %scan3A_46#7 : vector<16xf32>
        %jit3A_164 = arith.constant 1 : i32
        %jit3A_165 = arith.constant 0 : i32
        %broadcast_in_dim3A_166 = vector.broadcast %jit3A_164 : i32 to vector<16xi32>
        %broadcast_in_dim3A_167 = vector.broadcast %jit3A_165 : i32 to vector<16xi32>
        %select_n3A_168 = arith.select %gt3A_163, %broadcast_in_dim3A_166, %broadcast_in_dim3A_167 : vector<16xi1>, vector<16xi32>
        %add3A_169 = arith.addi %add3A_148, %select_n3A_168 : vector<16xi32>
        %scan3A_170 = arith.constant 5 : i32
        %scan3A_171 = arith.addi %scan3A_68, %scan3A_170 : i32
        %mul3A_172 = arith.constant 16 : i32
        %mul3A_173 = arith.muli %scan3A_39, %mul3A_172 : i32
        %get3A_174 = arith.index_cast %scan3A_171 : i32 to index
        %get3A_175 = arith.index_cast %mul3A_173 : i32 to index
        %get3A_176 = tpu.vector_load %arg5[%get3A_174, %get3A_175] {strides = array<i32>} : memref<64x256xf32, #tpu.memory_space<vmem>>, vector<1x16xf32>,
        %get3A_177 = vector.shape_cast %get3A_176 : vector<1x16xf32> to vector<16xf32>
        %get3A_178 = arith.index_cast %scan3A_171 : i32 to index
        %get3A_179 = arith.constant 0 : index
        %get3A_180 = tpu.vector_load %arg6[%get3A_178, %get3A_179] {strides = array<i32>} : memref<64x16xf32, #tpu.memory_space<vmem>>, vector<1x16xf32>,
        %get3A_181 = vector.shape_cast %get3A_180 : vector<1x16xf32> to vector<16xf32>
        %add3A_182 = arith.addf %get3A_177, %get3A_181 : vector<16xf32>
        %abs3A_183 = math.absf %add3A_182 : vector<16xf32>
        %gt3A_184 = arith.cmpf ogt, %abs3A_183, %scan3A_46#7 : vector<16xf32>
        %jit3A_185 = arith.constant 1 : i32
        %jit3A_186 = arith.constant 0 : i32
        %broadcast_in_dim3A_187 = vector.broadcast %jit3A_185 : i32 to vector<16xi32>
        %broadcast_in_dim3A_188 = vector.broadcast %jit3A_186 : i32 to vector<16xi32>
        %select_n3A_189 = arith.select %gt3A_184, %broadcast_in_dim3A_187, %broadcast_in_dim3A_188 : vector<16xi1>, vector<16xi32>
        %add3A_190 = arith.addi %add3A_169, %select_n3A_189 : vector<16xi32>
        %scan3A_191 = arith.constant 6 : i32
        %scan3A_192 = arith.addi %scan3A_68, %scan3A_191 : i32
        %mul3A_193 = arith.constant 16 : i32
        %mul3A_194 = arith.muli %scan3A_39, %mul3A_193 : i32
        %get3A_195 = arith.index_cast %scan3A_192 : i32 to index
        %get3A_196 = arith.index_cast %mul3A_194 : i32 to index
        %get3A_197 = tpu.vector_load %arg5[%get3A_195, %get3A_196] {strides = array<i32>} : memref<64x256xf32, #tpu.memory_space<vmem>>, vector<1x16xf32>,
        %get3A_198 = vector.shape_cast %get3A_197 : vector<1x16xf32> to vector<16xf32>
        %get3A_199 = arith.index_cast %scan3A_192 : i32 to index
        %get3A_200 = arith.constant 0 : index
        %get3A_201 = tpu.vector_load %arg6[%get3A_199, %get3A_200] {strides = array<i32>} : memref<64x16xf32, #tpu.memory_space<vmem>>, vector<1x16xf32>,
        %get3A_202 = vector.shape_cast %get3A_201 : vector<1x16xf32> to vector<16xf32>
        %add3A_203 = arith.addf %get3A_198, %get3A_202 : vector<16xf32>
        %abs3A_204 = math.absf %add3A_203 : vector<16xf32>
        %gt3A_205 = arith.cmpf ogt, %abs3A_204, %scan3A_46#7 : vector<16xf32>
        %jit3A_206 = arith.constant 1 : i32
        %jit3A_207 = arith.constant 0 : i32
        %broadcast_in_dim3A_208 = vector.broadcast %jit3A_206 : i32 to vector<16xi32>
        %broadcast_in_dim3A_209 = vector.broadcast %jit3A_207 : i32 to vector<16xi32>
        %select_n3A_210 = arith.select %gt3A_205, %broadcast_in_dim3A_208, %broadcast_in_dim3A_209 : vector<16xi1>, vector<16xi32>
        %add3A_211 = arith.addi %add3A_190, %select_n3A_210 : vector<16xi32>
        %scan3A_212 = arith.constant 7 : i32
        %scan3A_213 = arith.addi %scan3A_68, %scan3A_212 : i32
        %mul3A_214 = arith.constant 16 : i32
        %mul3A_215 = arith.muli %scan3A_39, %mul3A_214 : i32
        %get3A_216 = arith.index_cast %scan3A_213 : i32 to index
        %get3A_217 = arith.index_cast %mul3A_215 : i32 to index
        %get3A_218 = tpu.vector_load %arg5[%get3A_216, %get3A_217] {strides = array<i32>} : memref<64x256xf32, #tpu.memory_space<vmem>>, vector<1x16xf32>,
        %get3A_219 = vector.shape_cast %get3A_218 : vector<1x16xf32> to vector<16xf32>
        %get3A_220 = arith.index_cast %scan3A_213 : i32 to index
        %get3A_221 = arith.constant 0 : index
        %get3A_222 = tpu.vector_load %arg6[%get3A_220, %get3A_221] {strides = array<i32>} : memref<64x16xf32, #tpu.memory_space<vmem>>, vector<1x16xf32>,
        %get3A_223 = vector.shape_cast %get3A_222 : vector<1x16xf32> to vector<16xf32>
        %add3A_224 = arith.addf %get3A_219, %get3A_223 : vector<16xf32>
        %abs3A_225 = math.absf %add3A_224 : vector<16xf32>
        %gt3A_226 = arith.cmpf ogt, %abs3A_225, %scan3A_46#7 : vector<16xf32>
        %jit3A_227 = arith.constant 1 : i32
        %jit3A_228 = arith.constant 0 : i32
        %broadcast_in_dim3A_229 = vector.broadcast %jit3A_227 : i32 to vector<16xi32>
        %broadcast_in_dim3A_230 = vector.broadcast %jit3A_228 : i32 to vector<16xi32>
        %select_n3A_231 = arith.select %gt3A_226, %broadcast_in_dim3A_229, %broadcast_in_dim3A_230 : vector<16xi1>, vector<16xi32>
        %add3A_232 = arith.addi %add3A_211, %select_n3A_231 : vector<16xi32>
        scf.yield %add3A_232 : vector<16xi32>
      }
      %scan3A_55 = arith.constant 64 : i32
      %broadcast_in_dim3A_56 = arith.constant 8 : i32
      %broadcast_in_dim3A_57 = vector.broadcast %broadcast_in_dim3A_56 : i32 to vector<16xi32>
      %sub3A_58 = arith.subi %broadcast_in_dim3A_57, %scan3A_54 : vector<16xi32>
      %broadcast_in_dim3A_59 = arith.constant 0 : i32
      %broadcast_in_dim3A_60 = vector.broadcast %broadcast_in_dim3A_59 : i32 to vector<16xi32>
      %scan3A_61 = arith.constant 0 : i32
      %scan3A_62 = arith.constant 64 : i32
      %scan3A_63 = arith.addi %scan3A_61, %scan3A_62 : i32
      %scan3A_64 = arith.constant 8 : i32
      %scan3A_65 = scf.for %scan3A_68 = %scan3A_61 to %scan3A_63 step %scan3A_64 iter_args(%scan3A_69 = %broadcast_in_dim3A_60) -> (vector<16xi32>)  : i32 {
        %mul3A_70 = arith.constant 16 : i32
        %mul3A_71 = arith.muli %scan3A_39, %mul3A_70 : i32
        %get3A = arith.index_cast %scan3A_68 : i32 to index
        %get3A_72 = arith.index_cast %mul3A_71 : i32 to index
        %get3A_73 = tpu.vector_load %arg5[%get3A, %get3A_72] {strides = array<i32>} : memref<64x256xf32, #tpu.memory_space<vmem>>, vector<1x16xf32>,
        %get3A_74 = vector.shape_cast %get3A_73 : vector<1x16xf32> to vector<16xf32>
        %get3A_75 = arith.index_cast %scan3A_68 : i32 to index
        %get3A_76 = arith.constant 0 : index
        %get3A_77 = tpu.vector_load %arg6[%get3A_75, %get3A_76] {strides = array<i32>} : memref<64x16xf32, #tpu.memory_space<vmem>>, vector<1x16xf32>,
        %get3A_78 = vector.shape_cast %get3A_77 : vector<1x16xf32> to vector<16xf32>
        %add3A_79 = arith.addf %get3A_74, %get3A_78 : vector<16xf32>
        %abs3A = math.absf %add3A_79 : vector<16xf32>
        %eq3A_80 = arith.cmpf oeq, %abs3A, %scan3A_46#7 : vector<16xf32>
        %lt3A_81 = arith.cmpi slt, %scan3A_69, %sub3A_58 : vector<16xi32>
        %and3A_82 = arith.andi %eq3A_80, %lt3A_81 : vector<16xi1>
        %jit3A_83 = arith.constant 1 : i32
        %jit3A_84 = arith.constant 0 : i32
        %broadcast_in_dim3A_85 = vector.broadcast %jit3A_83 : i32 to vector<16xi32>
        %broadcast_in_dim3A_86 = vector.broadcast %jit3A_84 : i32 to vector<16xi32>
        %select_n3A_87 = arith.select %and3A_82, %broadcast_in_dim3A_85, %broadcast_in_dim3A_86 : vector<16xi1>, vector<16xi32>
        %add3A_88 = arith.addi %scan3A_69, %select_n3A_87 : vector<16xi32>
        %gt3A = arith.cmpf ogt, %abs3A, %scan3A_46#7 : vector<16xf32>
        %or3A = arith.ori %gt3A, %and3A_82 : vector<16xi1>
        %add3A_89 = arith.addf %get3A_74, %get3A_74 : vector<16xf32>
        %jit3A_90 = arith.constant 0.000000e+00 : f32
        %broadcast_in_dim3A_91 = vector.broadcast %jit3A_90 : f32 to vector<16xf32>
        %select_n3A_92 = arith.select %or3A, %add3A_89, %broadcast_in_dim3A_91 : vector<16xi1>, vector<16xf32>
        %mul3A_93 = arith.constant 16 : i32
        %mul3A_94 = arith.muli %scan3A_39, %mul3A_93 : i32
        %swap3A = arith.index_cast %scan3A_68 : i32 to index
        %swap3A_95 = arith.index_cast %mul3A_94 : i32 to index
        %swap3A_96 = tpu.vector_load %arg7[%swap3A, %swap3A_95] {strides = array<i32>} : memref<64x256xf32, #tpu.memory_space<vmem>>, vector<1x16xf32>,
        %swap3A_97 = vector.shape_cast %swap3A_96 : vector<1x16xf32> to vector<16xf32>
        %swap3A_98 = vector.shape_cast %select_n3A_92 : vector<16xf32> to vector<1x16xf32>
        tpu.vector_store %arg7[%swap3A, %swap3A_95], %swap3A_98 {strides = array<i32>} : memref<64x256xf32, #tpu.memory_space<vmem>>, vector<1x16xf32>,
        %scan3A_99 = arith.constant 1 : i32
        %scan3A_100 = arith.addi %scan3A_68, %scan3A_99 : i32
        %mul3A_101 = arith.constant 16 : i32
        %mul3A_102 = arith.muli %scan3A_39, %mul3A_101 : i32
        %get3A_103 = arith.index_cast %scan3A_100 : i32 to index
        %get3A_104 = arith.index_cast %mul3A_102 : i32 to index
        %get3A_105 = tpu.vector_load %arg5[%get3A_103, %get3A_104] {strides = array<i32>} : memref<64x256xf32, #tpu.memory_space<vmem>>, vector<1x16xf32>,
        %get3A_106 = vector.shape_cast %get3A_105 : vector<1x16xf32> to vector<16xf32>
        %get3A_107 = arith.index_cast %scan3A_100 : i32 to index
        %get3A_108 = arith.constant 0 : index
        %get3A_109 = tpu.vector_load %arg6[%get3A_107, %get3A_108] {strides = array<i32>} : memref<64x16xf32, #tpu.memory_space<vmem>>, vector<1x16xf32>,
        %get3A_110 = vector.shape_cast %get3A_109 : vector<1x16xf32> to vector<16xf32>
        %add3A_111 = arith.addf %get3A_106, %get3A_110 : vector<16xf32>
        %abs3A_112 = math.absf %add3A_111 : vector<16xf32>
        %eq3A_113 = arith.cmpf oeq, %abs3A_112, %scan3A_46#7 : vector<16xf32>
        %lt3A_114 = arith.cmpi slt, %add3A_88, %sub3A_58 : vector<16xi32>
        %and3A_115 = arith.andi %eq3A_113, %lt3A_114 : vector<16xi1>
        %jit3A_116 = arith.constant 1 : i32
        %jit3A_117 = arith.constant 0 : i32
        %broadcast_in_dim3A_118 = vector.broadcast %jit3A_116 : i32 to vector<16xi32>
        %broadcast_in_dim3A_119 = vector.broadcast %jit3A_117 : i32 to vector<16xi32>
        %select_n3A_120 = arith.select %and3A_115, %broadcast_in_dim3A_118, %broadcast_in_dim3A_119 : vector<16xi1>, vector<16xi32>
        %add3A_121 = arith.addi %add3A_88, %select_n3A_120 : vector<16xi32>
        %gt3A_122 = arith.cmpf ogt, %abs3A_112, %scan3A_46#7 : vector<16xf32>
        %or3A_123 = arith.ori %gt3A_122, %and3A_115 : vector<16xi1>
        %add3A_124 = arith.addf %get3A_106, %get3A_106 : vector<16xf32>
        %jit3A_125 = arith.constant 0.000000e+00 : f32
        %broadcast_in_dim3A_126 = vector.broadcast %jit3A_125 : f32 to vector<16xf32>
        %select_n3A_127 = arith.select %or3A_123, %add3A_124, %broadcast_in_dim3A_126 : vector<16xi1>, vector<16xf32>
        %mul3A_128 = arith.constant 16 : i32
        %mul3A_129 = arith.muli %scan3A_39, %mul3A_128 : i32
        %swap3A_130 = arith.index_cast %scan3A_100 : i32 to index
        %swap3A_131 = arith.index_cast %mul3A_129 : i32 to index
        %swap3A_132 = tpu.vector_load %arg7[%swap3A_130, %swap3A_131] {strides = array<i32>} : memref<64x256xf32, #tpu.memory_space<vmem>>, vector<1x16xf32>,
        %swap3A_133 = vector.shape_cast %swap3A_132 : vector<1x16xf32> to vector<16xf32>
        %swap3A_134 = vector.shape_cast %select_n3A_127 : vector<16xf32> to vector<1x16xf32>
        tpu.vector_store %arg7[%swap3A_130, %swap3A_131], %swap3A_134 {strides = array<i32>} : memref<64x256xf32, #tpu.memory_space<vmem>>, vector<1x16xf32>,
        %scan3A_135 = arith.constant 2 : i32
        %scan3A_136 = arith.addi %scan3A_68, %scan3A_135 : i32
        %mul3A_137 = arith.constant 16 : i32
        %mul3A_138 = arith.muli %scan3A_39, %mul3A_137 : i32
        %get3A_139 = arith.index_cast %scan3A_136 : i32 to index
        %get3A_140 = arith.index_cast %mul3A_138 : i32 to index
        %get3A_141 = tpu.vector_load %arg5[%get3A_139, %get3A_140] {strides = array<i32>} : memref<64x256xf32, #tpu.memory_space<vmem>>, vector<1x16xf32>,
        %get3A_142 = vector.shape_cast %get3A_141 : vector<1x16xf32> to vector<16xf32>
        %get3A_143 = arith.index_cast %scan3A_136 : i32 to index
        %get3A_144 = arith.constant 0 : index
        %get3A_145 = tpu.vector_load %arg6[%get3A_143, %get3A_144] {strides = array<i32>} : memref<64x16xf32, #tpu.memory_space<vmem>>, vector<1x16xf32>,
        %get3A_146 = vector.shape_cast %get3A_145 : vector<1x16xf32> to vector<16xf32>
        %add3A_147 = arith.addf %get3A_142, %get3A_146 : vector<16xf32>
        %abs3A_148 = math.absf %add3A_147 : vector<16xf32>
        %eq3A_149 = arith.cmpf oeq, %abs3A_148, %scan3A_46#7 : vector<16xf32>
        %lt3A_150 = arith.cmpi slt, %add3A_121, %sub3A_58 : vector<16xi32>
        %and3A_151 = arith.andi %eq3A_149, %lt3A_150 : vector<16xi1>
        %jit3A_152 = arith.constant 1 : i32
        %jit3A_153 = arith.constant 0 : i32
        %broadcast_in_dim3A_154 = vector.broadcast %jit3A_152 : i32 to vector<16xi32>
        %broadcast_in_dim3A_155 = vector.broadcast %jit3A_153 : i32 to vector<16xi32>
        %select_n3A_156 = arith.select %and3A_151, %broadcast_in_dim3A_154, %broadcast_in_dim3A_155 : vector<16xi1>, vector<16xi32>
        %add3A_157 = arith.addi %add3A_121, %select_n3A_156 : vector<16xi32>
        %gt3A_158 = arith.cmpf ogt, %abs3A_148, %scan3A_46#7 : vector<16xf32>
        %or3A_159 = arith.ori %gt3A_158, %and3A_151 : vector<16xi1>
        %add3A_160 = arith.addf %get3A_142, %get3A_142 : vector<16xf32>
        %jit3A_161 = arith.constant 0.000000e+00 : f32
        %broadcast_in_dim3A_162 = vector.broadcast %jit3A_161 : f32 to vector<16xf32>
        %select_n3A_163 = arith.select %or3A_159, %add3A_160, %broadcast_in_dim3A_162 : vector<16xi1>, vector<16xf32>
        %mul3A_164 = arith.constant 16 : i32
        %mul3A_165 = arith.muli %scan3A_39, %mul3A_164 : i32
        %swap3A_166 = arith.index_cast %scan3A_136 : i32 to index
        %swap3A_167 = arith.index_cast %mul3A_165 : i32 to index
        %swap3A_168 = tpu.vector_load %arg7[%swap3A_166, %swap3A_167] {strides = array<i32>} : memref<64x256xf32, #tpu.memory_space<vmem>>, vector<1x16xf32>,
        %swap3A_169 = vector.shape_cast %swap3A_168 : vector<1x16xf32> to vector<16xf32>
        %swap3A_170 = vector.shape_cast %select_n3A_163 : vector<16xf32> to vector<1x16xf32>
        tpu.vector_store %arg7[%swap3A_166, %swap3A_167], %swap3A_170 {strides = array<i32>} : memref<64x256xf32, #tpu.memory_space<vmem>>, vector<1x16xf32>,
        %scan3A_171 = arith.constant 3 : i32
        %scan3A_172 = arith.addi %scan3A_68, %scan3A_171 : i32
        %mul3A_173 = arith.constant 16 : i32
        %mul3A_174 = arith.muli %scan3A_39, %mul3A_173 : i32
        %get3A_175 = arith.index_cast %scan3A_172 : i32 to index
        %get3A_176 = arith.index_cast %mul3A_174 : i32 to index
        %get3A_177 = tpu.vector_load %arg5[%get3A_175, %get3A_176] {strides = array<i32>} : memref<64x256xf32, #tpu.memory_space<vmem>>, vector<1x16xf32>,
        %get3A_178 = vector.shape_cast %get3A_177 : vector<1x16xf32> to vector<16xf32>
        %get3A_179 = arith.index_cast %scan3A_172 : i32 to index
        %get3A_180 = arith.constant 0 : index
        %get3A_181 = tpu.vector_load %arg6[%get3A_179, %get3A_180] {strides = array<i32>} : memref<64x16xf32, #tpu.memory_space<vmem>>, vector<1x16xf32>,
        %get3A_182 = vector.shape_cast %get3A_181 : vector<1x16xf32> to vector<16xf32>
        %add3A_183 = arith.addf %get3A_178, %get3A_182 : vector<16xf32>
        %abs3A_184 = math.absf %add3A_183 : vector<16xf32>
        %eq3A_185 = arith.cmpf oeq, %abs3A_184, %scan3A_46#7 : vector<16xf32>
        %lt3A_186 = arith.cmpi slt, %add3A_157, %sub3A_58 : vector<16xi32>
        %and3A_187 = arith.andi %eq3A_185, %lt3A_186 : vector<16xi1>
        %jit3A_188 = arith.constant 1 : i32
        %jit3A_189 = arith.constant 0 : i32
        %broadcast_in_dim3A_190 = vector.broadcast %jit3A_188 : i32 to vector<16xi32>
        %broadcast_in_dim3A_191 = vector.broadcast %jit3A_189 : i32 to vector<16xi32>
        %select_n3A_192 = arith.select %and3A_187, %broadcast_in_dim3A_190, %broadcast_in_dim3A_191 : vector<16xi1>, vector<16xi32>
        %add3A_193 = arith.addi %add3A_157, %select_n3A_192 : vector<16xi32>
        %gt3A_194 = arith.cmpf ogt, %abs3A_184, %scan3A_46#7 : vector<16xf32>
        %or3A_195 = arith.ori %gt3A_194, %and3A_187 : vector<16xi1>
        %add3A_196 = arith.addf %get3A_178, %get3A_178 : vector<16xf32>
        %jit3A_197 = arith.constant 0.000000e+00 : f32
        %broadcast_in_dim3A_198 = vector.broadcast %jit3A_197 : f32 to vector<16xf32>
        %select_n3A_199 = arith.select %or3A_195, %add3A_196, %broadcast_in_dim3A_198 : vector<16xi1>, vector<16xf32>
        %mul3A_200 = arith.constant 16 : i32
        %mul3A_201 = arith.muli %scan3A_39, %mul3A_200 : i32
        %swap3A_202 = arith.index_cast %scan3A_172 : i32 to index
        %swap3A_203 = arith.index_cast %mul3A_201 : i32 to index
        %swap3A_204 = tpu.vector_load %arg7[%swap3A_202, %swap3A_203] {strides = array<i32>} : memref<64x256xf32, #tpu.memory_space<vmem>>, vector<1x16xf32>,
        %swap3A_205 = vector.shape_cast %swap3A_204 : vector<1x16xf32> to vector<16xf32>
        %swap3A_206 = vector.shape_cast %select_n3A_199 : vector<16xf32> to vector<1x16xf32>
        tpu.vector_store %arg7[%swap3A_202, %swap3A_203], %swap3A_206 {strides = array<i32>} : memref<64x256xf32, #tpu.memory_space<vmem>>, vector<1x16xf32>,
        %scan3A_207 = arith.constant 4 : i32
        %scan3A_208 = arith.addi %scan3A_68, %scan3A_207 : i32
        %mul3A_209 = arith.constant 16 : i32
        %mul3A_210 = arith.muli %scan3A_39, %mul3A_209 : i32
        %get3A_211 = arith.index_cast %scan3A_208 : i32 to index
        %get3A_212 = arith.index_cast %mul3A_210 : i32 to index
        %get3A_213 = tpu.vector_load %arg5[%get3A_211, %get3A_212] {strides = array<i32>} : memref<64x256xf32, #tpu.memory_space<vmem>>, vector<1x16xf32>,
        %get3A_214 = vector.shape_cast %get3A_213 : vector<1x16xf32> to vector<16xf32>
        %get3A_215 = arith.index_cast %scan3A_208 : i32 to index
        %get3A_216 = arith.constant 0 : index
        %get3A_217 = tpu.vector_load %arg6[%get3A_215, %get3A_216] {strides = array<i32>} : memref<64x16xf32, #tpu.memory_space<vmem>>, vector<1x16xf32>,
        %get3A_218 = vector.shape_cast %get3A_217 : vector<1x16xf32> to vector<16xf32>
        %add3A_219 = arith.addf %get3A_214, %get3A_218 : vector<16xf32>
        %abs3A_220 = math.absf %add3A_219 : vector<16xf32>
        %eq3A_221 = arith.cmpf oeq, %abs3A_220, %scan3A_46#7 : vector<16xf32>
        %lt3A_222 = arith.cmpi slt, %add3A_193, %sub3A_58 : vector<16xi32>
        %and3A_223 = arith.andi %eq3A_221, %lt3A_222 : vector<16xi1>
        %jit3A_224 = arith.constant 1 : i32
        %jit3A_225 = arith.constant 0 : i32
        %broadcast_in_dim3A_226 = vector.broadcast %jit3A_224 : i32 to vector<16xi32>
        %broadcast_in_dim3A_227 = vector.broadcast %jit3A_225 : i32 to vector<16xi32>
        %select_n3A_228 = arith.select %and3A_223, %broadcast_in_dim3A_226, %broadcast_in_dim3A_227 : vector<16xi1>, vector<16xi32>
        %add3A_229 = arith.addi %add3A_193, %select_n3A_228 : vector<16xi32>
        %gt3A_230 = arith.cmpf ogt, %abs3A_220, %scan3A_46#7 : vector<16xf32>
        %or3A_231 = arith.ori %gt3A_230, %and3A_223 : vector<16xi1>
        %add3A_232 = arith.addf %get3A_214, %get3A_214 : vector<16xf32>
        %jit3A_233 = arith.constant 0.000000e+00 : f32
        %broadcast_in_dim3A_234 = vector.broadcast %jit3A_233 : f32 to vector<16xf32>
        %select_n3A_235 = arith.select %or3A_231, %add3A_232, %broadcast_in_dim3A_234 : vector<16xi1>, vector<16xf32>
        %mul3A_236 = arith.constant 16 : i32
        %mul3A_237 = arith.muli %scan3A_39, %mul3A_236 : i32
        %swap3A_238 = arith.index_cast %scan3A_208 : i32 to index
        %swap3A_239 = arith.index_cast %mul3A_237 : i32 to index
        %swap3A_240 = tpu.vector_load %arg7[%swap3A_238, %swap3A_239] {strides = array<i32>} : memref<64x256xf32, #tpu.memory_space<vmem>>, vector<1x16xf32>,
        %swap3A_241 = vector.shape_cast %swap3A_240 : vector<1x16xf32> to vector<16xf32>
        %swap3A_242 = vector.shape_cast %select_n3A_235 : vector<16xf32> to vector<1x16xf32>
        tpu.vector_store %arg7[%swap3A_238, %swap3A_239], %swap3A_242 {strides = array<i32>} : memref<64x256xf32, #tpu.memory_space<vmem>>, vector<1x16xf32>,
        %scan3A_243 = arith.constant 5 : i32
        %scan3A_244 = arith.addi %scan3A_68, %scan3A_243 : i32
        %mul3A_245 = arith.constant 16 : i32
        %mul3A_246 = arith.muli %scan3A_39, %mul3A_245 : i32
        %get3A_247 = arith.index_cast %scan3A_244 : i32 to index
        %get3A_248 = arith.index_cast %mul3A_246 : i32 to index
        %get3A_249 = tpu.vector_load %arg5[%get3A_247, %get3A_248] {strides = array<i32>} : memref<64x256xf32, #tpu.memory_space<vmem>>, vector<1x16xf32>,
        %get3A_250 = vector.shape_cast %get3A_249 : vector<1x16xf32> to vector<16xf32>
        %get3A_251 = arith.index_cast %scan3A_244 : i32 to index
        %get3A_252 = arith.constant 0 : index
        %get3A_253 = tpu.vector_load %arg6[%get3A_251, %get3A_252] {strides = array<i32>} : memref<64x16xf32, #tpu.memory_space<vmem>>, vector<1x16xf32>,
        %get3A_254 = vector.shape_cast %get3A_253 : vector<1x16xf32> to vector<16xf32>
        %add3A_255 = arith.addf %get3A_250, %get3A_254 : vector<16xf32>
        %abs3A_256 = math.absf %add3A_255 : vector<16xf32>
        %eq3A_257 = arith.cmpf oeq, %abs3A_256, %scan3A_46#7 : vector<16xf32>
        %lt3A_258 = arith.cmpi slt, %add3A_229, %sub3A_58 : vector<16xi32>
        %and3A_259 = arith.andi %eq3A_257, %lt3A_258 : vector<16xi1>
        %jit3A_260 = arith.constant 1 : i32
        %jit3A_261 = arith.constant 0 : i32
        %broadcast_in_dim3A_262 = vector.broadcast %jit3A_260 : i32 to vector<16xi32>
        %broadcast_in_dim3A_263 = vector.broadcast %jit3A_261 : i32 to vector<16xi32>
        %select_n3A_264 = arith.select %and3A_259, %broadcast_in_dim3A_262, %broadcast_in_dim3A_263 : vector<16xi1>, vector<16xi32>
        %add3A_265 = arith.addi %add3A_229, %select_n3A_264 : vector<16xi32>
        %gt3A_266 = arith.cmpf ogt, %abs3A_256, %scan3A_46#7 : vector<16xf32>
        %or3A_267 = arith.ori %gt3A_266, %and3A_259 : vector<16xi1>
        %add3A_268 = arith.addf %get3A_250, %get3A_250 : vector<16xf32>
        %jit3A_269 = arith.constant 0.000000e+00 : f32
        %broadcast_in_dim3A_270 = vector.broadcast %jit3A_269 : f32 to vector<16xf32>
        %select_n3A_271 = arith.select %or3A_267, %add3A_268, %broadcast_in_dim3A_270 : vector<16xi1>, vector<16xf32>
        %mul3A_272 = arith.constant 16 : i32
        %mul3A_273 = arith.muli %scan3A_39, %mul3A_272 : i32
        %swap3A_274 = arith.index_cast %scan3A_244 : i32 to index
        %swap3A_275 = arith.index_cast %mul3A_273 : i32 to index
        %swap3A_276 = tpu.vector_load %arg7[%swap3A_274, %swap3A_275] {strides = array<i32>} : memref<64x256xf32, #tpu.memory_space<vmem>>, vector<1x16xf32>,
        %swap3A_277 = vector.shape_cast %swap3A_276 : vector<1x16xf32> to vector<16xf32>
        %swap3A_278 = vector.shape_cast %select_n3A_271 : vector<16xf32> to vector<1x16xf32>
        tpu.vector_store %arg7[%swap3A_274, %swap3A_275], %swap3A_278 {strides = array<i32>} : memref<64x256xf32, #tpu.memory_space<vmem>>, vector<1x16xf32>,
        %scan3A_279 = arith.constant 6 : i32
        %scan3A_280 = arith.addi %scan3A_68, %scan3A_279 : i32
        %mul3A_281 = arith.constant 16 : i32
        %mul3A_282 = arith.muli %scan3A_39, %mul3A_281 : i32
        %get3A_283 = arith.index_cast %scan3A_280 : i32 to index
        %get3A_284 = arith.index_cast %mul3A_282 : i32 to index
        %get3A_285 = tpu.vector_load %arg5[%get3A_283, %get3A_284] {strides = array<i32>} : memref<64x256xf32, #tpu.memory_space<vmem>>, vector<1x16xf32>,
        %get3A_286 = vector.shape_cast %get3A_285 : vector<1x16xf32> to vector<16xf32>
        %get3A_287 = arith.index_cast %scan3A_280 : i32 to index
        %get3A_288 = arith.constant 0 : index
        %get3A_289 = tpu.vector_load %arg6[%get3A_287, %get3A_288] {strides = array<i32>} : memref<64x16xf32, #tpu.memory_space<vmem>>, vector<1x16xf32>,
        %get3A_290 = vector.shape_cast %get3A_289 : vector<1x16xf32> to vector<16xf32>
        %add3A_291 = arith.addf %get3A_286, %get3A_290 : vector<16xf32>
        %abs3A_292 = math.absf %add3A_291 : vector<16xf32>
        %eq3A_293 = arith.cmpf oeq, %abs3A_292, %scan3A_46#7 : vector<16xf32>
        %lt3A_294 = arith.cmpi slt, %add3A_265, %sub3A_58 : vector<16xi32>
        %and3A_295 = arith.andi %eq3A_293, %lt3A_294 : vector<16xi1>
        %jit3A_296 = arith.constant 1 : i32
        %jit3A_297 = arith.constant 0 : i32
        %broadcast_in_dim3A_298 = vector.broadcast %jit3A_296 : i32 to vector<16xi32>
        %broadcast_in_dim3A_299 = vector.broadcast %jit3A_297 : i32 to vector<16xi32>
        %select_n3A_300 = arith.select %and3A_295, %broadcast_in_dim3A_298, %broadcast_in_dim3A_299 : vector<16xi1>, vector<16xi32>
        %add3A_301 = arith.addi %add3A_265, %select_n3A_300 : vector<16xi32>
        %gt3A_302 = arith.cmpf ogt, %abs3A_292, %scan3A_46#7 : vector<16xf32>
        %or3A_303 = arith.ori %gt3A_302, %and3A_295 : vector<16xi1>
        %add3A_304 = arith.addf %get3A_286, %get3A_286 : vector<16xf32>
        %jit3A_305 = arith.constant 0.000000e+00 : f32
        %broadcast_in_dim3A_306 = vector.broadcast %jit3A_305 : f32 to vector<16xf32>
        %select_n3A_307 = arith.select %or3A_303, %add3A_304, %broadcast_in_dim3A_306 : vector<16xi1>, vector<16xf32>
        %mul3A_308 = arith.constant 16 : i32
        %mul3A_309 = arith.muli %scan3A_39, %mul3A_308 : i32
        %swap3A_310 = arith.index_cast %scan3A_280 : i32 to index
        %swap3A_311 = arith.index_cast %mul3A_309 : i32 to index
        %swap3A_312 = tpu.vector_load %arg7[%swap3A_310, %swap3A_311] {strides = array<i32>} : memref<64x256xf32, #tpu.memory_space<vmem>>, vector<1x16xf32>,
        %swap3A_313 = vector.shape_cast %swap3A_312 : vector<1x16xf32> to vector<16xf32>
        %swap3A_314 = vector.shape_cast %select_n3A_307 : vector<16xf32> to vector<1x16xf32>
        tpu.vector_store %arg7[%swap3A_310, %swap3A_311], %swap3A_314 {strides = array<i32>} : memref<64x256xf32, #tpu.memory_space<vmem>>, vector<1x16xf32>,
        %scan3A_315 = arith.constant 7 : i32
        %scan3A_316 = arith.addi %scan3A_68, %scan3A_315 : i32
        %mul3A_317 = arith.constant 16 : i32
        %mul3A_318 = arith.muli %scan3A_39, %mul3A_317 : i32
        %get3A_319 = arith.index_cast %scan3A_316 : i32 to index
        %get3A_320 = arith.index_cast %mul3A_318 : i32 to index
        %get3A_321 = tpu.vector_load %arg5[%get3A_319, %get3A_320] {strides = array<i32>} : memref<64x256xf32, #tpu.memory_space<vmem>>, vector<1x16xf32>,
        %get3A_322 = vector.shape_cast %get3A_321 : vector<1x16xf32> to vector<16xf32>
        %get3A_323 = arith.index_cast %scan3A_316 : i32 to index
        %get3A_324 = arith.constant 0 : index
        %get3A_325 = tpu.vector_load %arg6[%get3A_323, %get3A_324] {strides = array<i32>} : memref<64x16xf32, #tpu.memory_space<vmem>>, vector<1x16xf32>,
        %get3A_326 = vector.shape_cast %get3A_325 : vector<1x16xf32> to vector<16xf32>
        %add3A_327 = arith.addf %get3A_322, %get3A_326 : vector<16xf32>
        %abs3A_328 = math.absf %add3A_327 : vector<16xf32>
        %eq3A_329 = arith.cmpf oeq, %abs3A_328, %scan3A_46#7 : vector<16xf32>
        %lt3A_330 = arith.cmpi slt, %add3A_301, %sub3A_58 : vector<16xi32>
        %and3A_331 = arith.andi %eq3A_329, %lt3A_330 : vector<16xi1>
        %jit3A_332 = arith.constant 1 : i32
        %jit3A_333 = arith.constant 0 : i32
        %broadcast_in_dim3A_334 = vector.broadcast %jit3A_332 : i32 to vector<16xi32>
        %broadcast_in_dim3A_335 = vector.broadcast %jit3A_333 : i32 to vector<16xi32>
        %select_n3A_336 = arith.select %and3A_331, %broadcast_in_dim3A_334, %broadcast_in_dim3A_335 : vector<16xi1>, vector<16xi32>
        %add3A_337 = arith.addi %add3A_301, %select_n3A_336 : vector<16xi32>
        %gt3A_338 = arith.cmpf ogt, %abs3A_328, %scan3A_46#7 : vector<16xf32>
        %or3A_339 = arith.ori %gt3A_338, %and3A_331 : vector<16xi1>
        %add3A_340 = arith.addf %get3A_322, %get3A_322 : vector<16xf32>
        %jit3A_341 = arith.constant 0.000000e+00 : f32
        %broadcast_in_dim3A_342 = vector.broadcast %jit3A_341 : f32 to vector<16xf32>
        %select_n3A_343 = arith.select %or3A_339, %add3A_340, %broadcast_in_dim3A_342 : vector<16xi1>, vector<16xf32>
        %mul3A_344 = arith.constant 16 : i32
        %mul3A_345 = arith.muli %scan3A_39, %mul3A_344 : i32
        %swap3A_346 = arith.index_cast %scan3A_316 : i32 to index
        %swap3A_347 = arith.index_cast %mul3A_345 : i32 to index
        %swap3A_348 = tpu.vector_load %arg7[%swap3A_346, %swap3A_347] {strides = array<i32>} : memref<64x256xf32, #tpu.memory_space<vmem>>, vector<1x16xf32>,
        %swap3A_349 = vector.shape_cast %swap3A_348 : vector<1x16xf32> to vector<16xf32>
        %swap3A_350 = vector.shape_cast %select_n3A_343 : vector<16xf32> to vector<1x16xf32>
        tpu.vector_store %arg7[%swap3A_346, %swap3A_347], %swap3A_350 {strides = array<i32>} : memref<64x256xf32, #tpu.memory_space<vmem>>, vector<1x16xf32>,
        scf.yield %add3A_337 : vector<16xi32>
      }
      %scan3A_66 = arith.constant 64 : i32
      %scan3A_67 = arith.constant 0 : i32
      scf.yield %scan3A_67 : i32
    }
    %scan3A_38 = arith.constant 16 : i32
    "tpu.region"() ({
      %run_scoped3A = tpu.sem_alloc : memref<!tpu.dma_semaphore, #tpu.memory_space<semaphore_mem>>
      %dma_start3A = arith.constant 0 : i32
      %dma_start3A_39 = tpu.memref_slice %arg4[%select_n3A, %dma_start3A, %mul3A_32] : memref<16x64x512xf32, #tpu.memory_space<hbm>> -> memref<1x64x256xf32, #tpu.memory_space<hbm>>
      %dma_start3A_40 = tpu.memref_squeeze %dma_start3A_39 : memref<1x64x256xf32, #tpu.memory_space<hbm>> -> memref<64x256xf32, #tpu.memory_space<hbm>>
      %dma_start3A_41 = arith.constant 0 : i32
      %dma_start3A_42 = tpu.memref_slice %arg4[%select_n3A, %dma_start3A_41, %mul3A_32] : memref<16x64x512xf32, #tpu.memory_space<hbm>> -> memref<1x64x256xf32, #tpu.memory_space<hbm>>
      %dma_start3A_43 = tpu.memref_squeeze %dma_start3A_42 : memref<1x64x256xf32, #tpu.memory_space<hbm>> -> memref<64x256xf32, #tpu.memory_space<hbm>>
      tpu.enqueue_dma source(%arg7 : memref<64x256xf32, #tpu.memory_space<vmem>>) target(%dma_start3A_43 : memref<64x256xf32, #tpu.memory_space<hbm>>) target_semaphore(%run_scoped3A : memref<!tpu.dma_semaphore, #tpu.memory_space<semaphore_mem>>)
      %dma_wait3A = arith.constant 0 : i32
      %dma_wait3A_44 = tpu.memref_slice %arg4[%select_n3A, %dma_wait3A, %mul3A_32] : memref<16x64x512xf32, #tpu.memory_space<hbm>> -> memref<1x64x256xf32, #tpu.memory_space<hbm>>
      %dma_wait3A_45 = tpu.memref_squeeze %dma_wait3A_44 : memref<1x64x256xf32, #tpu.memory_space<hbm>> -> memref<64x256xf32, #tpu.memory_space<hbm>>
      %dma_wait3A_46 = arith.constant 0 : i32
      %dma_wait3A_47 = tpu.memref_slice %arg4[%select_n3A, %dma_wait3A_46, %mul3A_32] : memref<16x64x512xf32, #tpu.memory_space<hbm>> -> memref<1x64x256xf32, #tpu.memory_space<hbm>>
      %dma_wait3A_48 = tpu.memref_squeeze %dma_wait3A_47 : memref<1x64x256xf32, #tpu.memory_space<hbm>> -> memref<64x256xf32, #tpu.memory_space<hbm>>
      tpu.wait_dma2 semaphore(%run_scoped3A : memref<!tpu.dma_semaphore, #tpu.memory_space<semaphore_mem>>) src(%arg7 : memref<64x256xf32, #tpu.memory_space<vmem>>) dst(%dma_wait3A_48 : memref<64x256xf32, #tpu.memory_space<hbm>>)
      tpu.yield
    }) : () -> ()
    return
  }
}

#map = affine_map<(d0, d1) -> (0, 0, 0)>
#map1 = affine_map<(d0, d1) -> (0, 0)>
module attributes {stable_mosaic.version = 14 : i64} {
  func.func @_sc_route(%arg0: i32, %arg1: i32, %arg2: memref<16x64x512xf32, #tpu.memory_space<hbm>>, %arg3: memref<64x16xf32, #tpu.memory_space<hbm>>, %arg4: memref<16x64x512xf32, #tpu.memory_space<hbm>>, %arg5: memref<64x256xf32, #tpu.memory_space<vmem>>, %arg6: memref<64x16xf32, #tpu.memory_space<vmem>>, %arg7: memref<64x256xf32, #tpu.memory_space<vmem>>) attributes {dimension_semantics = [#tpu.dimension_semantics<core_parallel>, #tpu.dimension_semantics<subcore_parallel>], iteration_bounds = array<i64: 2, 16>, scalar_prefetch = 0 : i64, scratch_operands = 3 : i64, tpu.core_type = #tpu.core_type<sc_vector_subcore>, window_params = [{transform_indices = #map}, {transform_indices = #map1}, {transform_indices = #map}]} {
    %mul3A = arith.constant 2 : i32
    %mul3A_0 = arith.muli %arg1, %mul3A : i32
    %add3A = arith.addi %mul3A_0, %arg0 : i32
    %jit3A = arith.constant 2 : i32
    %div3A = arith.divsi %add3A, %jit3A : i32
    %sign3A = arith.constant 0 : i32
    %sign3A_1 = arith.cmpi sgt, %add3A, %sign3A : i32
    %sign3A_2 = arith.extui %sign3A_1 : i1 to i32
    %sign3A_3 = arith.constant 0 : i32
    %sign3A_4 = arith.cmpi slt, %add3A, %sign3A_3 : i32
    %sign3A_5 = arith.extui %sign3A_4 : i1 to i32
    %sign3A_6 = arith.subi %sign3A_2, %sign3A_5 : i32
    %sign3A_7 = arith.constant 0 : i32
    %sign3A_8 = arith.cmpi sgt, %jit3A, %sign3A_7 : i32
    %sign3A_9 = arith.extui %sign3A_8 : i1 to i32
    %sign3A_10 = arith.constant 0 : i32
    %sign3A_11 = arith.cmpi slt, %jit3A, %sign3A_10 : i32
    %sign3A_12 = arith.extui %sign3A_11 : i1 to i32
    %sign3A_13 = arith.subi %sign3A_9, %sign3A_12 : i32
    %ne3A = arith.cmpi ne, %sign3A_6, %sign3A_13 : i32
    %rem3A = arith.remsi %add3A, %jit3A : i32
    %ne3A_14 = arith.constant 0 : i32
    %ne3A_15 = arith.cmpi ne, %rem3A, %ne3A_14 : i32
    %and3A = arith.andi %ne3A, %ne3A_15 : i1
    %sub3A = arith.constant 1 : i32
    %sub3A_16 = arith.subi %div3A, %sub3A : i32
    %select_n3A = arith.select %and3A, %sub3A_16, %div3A : i32
    %jit3A_17 = arith.constant 2 : i32
    %eq3A = arith.constant 0 : i32
    %eq3A_18 = arith.cmpi eq, %jit3A_17, %eq3A : i32
    %jit3A_19 = arith.constant 1 : i32
    %select_n3A_20 = arith.select %eq3A_18, %jit3A_19, %jit3A_17 : i32
    %rem3A_21 = arith.remsi %add3A, %select_n3A_20 : i32
    %ne3A_22 = arith.constant 0 : i32
    %ne3A_23 = arith.cmpi ne, %rem3A_21, %ne3A_22 : i32
    %lt3A = arith.constant 0 : i32
    %lt3A_24 = arith.cmpi slt, %rem3A_21, %lt3A : i32
    %lt3A_25 = arith.constant 0 : i32
    %lt3A_26 = arith.cmpi slt, %select_n3A_20, %lt3A_25 : i32
    %ne3A_27 = arith.xori %lt3A_24, %lt3A_26 : i1
    %and3A_28 = arith.andi %ne3A_27, %ne3A_23 : i1
    %add3A_29 = arith.addi %rem3A_21, %select_n3A_20 : i32
    %select_n3A_30 = arith.select %and3A_28, %add3A_29, %rem3A_21 : i32
    %mul3A_31 = arith.constant 256 : i32
    %mul3A_32 = arith.muli %select_n3A_30, %mul3A_31 : i32
    "tpu.region"() ({
      %run_scoped3A = tpu.sem_alloc : memref<!tpu.dma_semaphore, #tpu.memory_space<semaphore_mem>>
      %dma_start3A = arith.constant 0 : i32
      %dma_start3A_39 = tpu.memref_slice %arg2[%select_n3A, %dma_start3A, %mul3A_32] : memref<16x64x512xf32, #tpu.memory_space<hbm>> -> memref<1x64x256xf32, #tpu.memory_space<hbm>>
      %dma_start3A_40 = tpu.memref_squeeze %dma_start3A_39 : memref<1x64x256xf32, #tpu.memory_space<hbm>> -> memref<64x256xf32, #tpu.memory_space<hbm>>
      %dma_start3A_41 = arith.constant 0 : i32
      %dma_start3A_42 = tpu.memref_slice %arg2[%select_n3A, %dma_start3A_41, %mul3A_32] : memref<16x64x512xf32, #tpu.memory_space<hbm>> -> memref<1x64x256xf32, #tpu.memory_space<hbm>>
      %dma_start3A_43 = tpu.memref_squeeze %dma_start3A_42 : memref<1x64x256xf32, #tpu.memory_space<hbm>> -> memref<64x256xf32, #tpu.memory_space<hbm>>
      tpu.enqueue_dma source(%dma_start3A_43 : memref<64x256xf32, #tpu.memory_space<hbm>>) target(%arg5 : memref<64x256xf32, #tpu.memory_space<vmem>>) target_semaphore(%run_scoped3A : memref<!tpu.dma_semaphore, #tpu.memory_space<semaphore_mem>>)
      %dma_wait3A = arith.constant 0 : i32
      %dma_wait3A_44 = tpu.memref_slice %arg2[%select_n3A, %dma_wait3A, %mul3A_32] : memref<16x64x512xf32, #tpu.memory_space<hbm>> -> memref<1x64x256xf32, #tpu.memory_space<hbm>>
      %dma_wait3A_45 = tpu.memref_squeeze %dma_wait3A_44 : memref<1x64x256xf32, #tpu.memory_space<hbm>> -> memref<64x256xf32, #tpu.memory_space<hbm>>
      %dma_wait3A_46 = arith.constant 0 : i32
      %dma_wait3A_47 = tpu.memref_slice %arg2[%select_n3A, %dma_wait3A_46, %mul3A_32] : memref<16x64x512xf32, #tpu.memory_space<hbm>> -> memref<1x64x256xf32, #tpu.memory_space<hbm>>
      %dma_wait3A_48 = tpu.memref_squeeze %dma_wait3A_47 : memref<1x64x256xf32, #tpu.memory_space<hbm>> -> memref<64x256xf32, #tpu.memory_space<hbm>>
      tpu.wait_dma2 semaphore(%run_scoped3A : memref<!tpu.dma_semaphore, #tpu.memory_space<semaphore_mem>>) src(%dma_wait3A_48 : memref<64x256xf32, #tpu.memory_space<hbm>>) dst(%arg5 : memref<64x256xf32, #tpu.memory_space<vmem>>)
      tpu.yield
    }) : () -> ()
    "tpu.region"() ({
      %run_scoped3A = tpu.sem_alloc : memref<!tpu.dma_semaphore, #tpu.memory_space<semaphore_mem>>
      tpu.enqueue_dma source(%arg3 : memref<64x16xf32, #tpu.memory_space<hbm>>) target(%arg6 : memref<64x16xf32, #tpu.memory_space<vmem>>) target_semaphore(%run_scoped3A : memref<!tpu.dma_semaphore, #tpu.memory_space<semaphore_mem>>)
      tpu.wait_dma2 semaphore(%run_scoped3A : memref<!tpu.dma_semaphore, #tpu.memory_space<semaphore_mem>>) src(%arg3 : memref<64x16xf32, #tpu.memory_space<hbm>>) dst(%arg6 : memref<64x16xf32, #tpu.memory_space<vmem>>)
      tpu.yield
    }) : () -> ()
    %scan3A = arith.constant 0 : i32
    %scan3A_33 = arith.constant 0 : i32
    %scan3A_34 = arith.constant 16 : i32
    %scan3A_35 = arith.addi %scan3A_33, %scan3A_34 : i32
    %scan3A_36 = arith.constant 1 : i32
    %scan3A_37 = scf.for %scan3A_39 = %scan3A_33 to %scan3A_35 step %scan3A_36 iter_args(%scan3A_40 = %scan3A) -> (i32)  : i32 {
      %broadcast_in_dim3A = arith.constant 0xFF800000 : f32
      %broadcast_in_dim3A_41 = vector.broadcast %broadcast_in_dim3A : f32 to vector<16xf32>
      %scan3A_42 = arith.constant 0 : i32
      %scan3A_43 = arith.constant 64 : i32
      %scan3A_44 = arith.addi %scan3A_42, %scan3A_43 : i32
      %scan3A_45 = arith.constant 8 : i32
      %scan3A_46:8 = scf.for %scan3A_68 = %scan3A_42 to %scan3A_44 step %scan3A_45 iter_args(%scan3A_69 = %broadcast_in_dim3A_41, %scan3A_70 = %broadcast_in_dim3A_41, %scan3A_71 = %broadcast_in_dim3A_41, %scan3A_72 = %broadcast_in_dim3A_41, %scan3A_73 = %broadcast_in_dim3A_41, %scan3A_74 = %broadcast_in_dim3A_41, %scan3A_75 = %broadcast_in_dim3A_41, %scan3A_76 = %broadcast_in_dim3A_41) -> (vector<16xf32>, vector<16xf32>, vector<16xf32>, vector<16xf32>, vector<16xf32>, vector<16xf32>, vector<16xf32>, vector<16xf32>)  : i32 {
        %mul3A_77 = arith.constant 16 : i32
        %mul3A_78 = arith.muli %scan3A_39, %mul3A_77 : i32
        %get3A = arith.index_cast %scan3A_68 : i32 to index
        %get3A_79 = arith.index_cast %mul3A_78 : i32 to index
        %get3A_80 = tpu.vector_load %arg5[%get3A, %get3A_79] {strides = array<i32>} : memref<64x256xf32, #tpu.memory_space<vmem>>, vector<1x16xf32>,
        %get3A_81 = vector.shape_cast %get3A_80 : vector<1x16xf32> to vector<16xf32>
        %get3A_82 = arith.index_cast %scan3A_68 : i32 to index
        %get3A_83 = arith.constant 0 : index
        %get3A_84 = tpu.vector_load %arg6[%get3A_82, %get3A_83] {strides = array<i32>} : memref<64x16xf32, #tpu.memory_space<vmem>>, vector<1x16xf32>,
        %get3A_85 = vector.shape_cast %get3A_84 : vector<1x16xf32> to vector<16xf32>
        %add3A_86 = arith.addf %get3A_81, %get3A_85 : vector<16xf32>
        %abs3A = math.absf %add3A_86 : vector<16xf32>
        %max3A = arith.maximumf %scan3A_69, %abs3A : vector<16xf32>
        %min3A = arith.minimumf %scan3A_69, %abs3A : vector<16xf32>
        %max3A_87 = arith.maximumf %scan3A_70, %min3A : vector<16xf32>
        %min3A_88 = arith.minimumf %scan3A_70, %min3A : vector<16xf32>
        %max3A_89 = arith.maximumf %scan3A_71, %min3A_88 : vector<16xf32>
        %min3A_90 = arith.minimumf %scan3A_71, %min3A_88 : vector<16xf32>
        %max3A_91 = arith.maximumf %scan3A_72, %min3A_90 : vector<16xf32>
        %min3A_92 = arith.minimumf %scan3A_72, %min3A_90 : vector<16xf32>
        %max3A_93 = arith.maximumf %scan3A_73, %min3A_92 : vector<16xf32>
        %min3A_94 = arith.minimumf %scan3A_73, %min3A_92 : vector<16xf32>
        %max3A_95 = arith.maximumf %scan3A_74, %min3A_94 : vector<16xf32>
        %min3A_96 = arith.minimumf %scan3A_74, %min3A_94 : vector<16xf32>
        %max3A_97 = arith.maximumf %scan3A_75, %min3A_96 : vector<16xf32>
        %min3A_98 = arith.minimumf %scan3A_75, %min3A_96 : vector<16xf32>
        %max3A_99 = arith.maximumf %scan3A_76, %min3A_98 : vector<16xf32>
        %min3A_100 = arith.minimumf %scan3A_76, %min3A_98 : vector<16xf32>
        %scan3A_101 = arith.constant 1 : i32
        %scan3A_102 = arith.addi %scan3A_68, %scan3A_101 : i32
        %mul3A_103 = arith.constant 16 : i32
        %mul3A_104 = arith.muli %scan3A_39, %mul3A_103 : i32
        %get3A_105 = arith.index_cast %scan3A_102 : i32 to index
        %get3A_106 = arith.index_cast %mul3A_104 : i32 to index
        %get3A_107 = tpu.vector_load %arg5[%get3A_105, %get3A_106] {strides = array<i32>} : memref<64x256xf32, #tpu.memory_space<vmem>>, vector<1x16xf32>,
        %get3A_108 = vector.shape_cast %get3A_107 : vector<1x16xf32> to vector<16xf32>
        %get3A_109 = arith.index_cast %scan3A_102 : i32 to index
        %get3A_110 = arith.constant 0 : index
        %get3A_111 = tpu.vector_load %arg6[%get3A_109, %get3A_110] {strides = array<i32>} : memref<64x16xf32, #tpu.memory_space<vmem>>, vector<1x16xf32>,
        %get3A_112 = vector.shape_cast %get3A_111 : vector<1x16xf32> to vector<16xf32>
        %add3A_113 = arith.addf %get3A_108, %get3A_112 : vector<16xf32>
        %abs3A_114 = math.absf %add3A_113 : vector<16xf32>
        %max3A_115 = arith.maximumf %max3A, %abs3A_114 : vector<16xf32>
        %min3A_116 = arith.minimumf %max3A, %abs3A_114 : vector<16xf32>
        %max3A_117 = arith.maximumf %max3A_87, %min3A_116 : vector<16xf32>
        %min3A_118 = arith.minimumf %max3A_87, %min3A_116 : vector<16xf32>
        %max3A_119 = arith.maximumf %max3A_89, %min3A_118 : vector<16xf32>
        %min3A_120 = arith.minimumf %max3A_89, %min3A_118 : vector<16xf32>
        %max3A_121 = arith.maximumf %max3A_91, %min3A_120 : vector<16xf32>
        %min3A_122 = arith.minimumf %max3A_91, %min3A_120 : vector<16xf32>
        %max3A_123 = arith.maximumf %max3A_93, %min3A_122 : vector<16xf32>
        %min3A_124 = arith.minimumf %max3A_93, %min3A_122 : vector<16xf32>
        %max3A_125 = arith.maximumf %max3A_95, %min3A_124 : vector<16xf32>
        %min3A_126 = arith.minimumf %max3A_95, %min3A_124 : vector<16xf32>
        %max3A_127 = arith.maximumf %max3A_97, %min3A_126 : vector<16xf32>
        %min3A_128 = arith.minimumf %max3A_97, %min3A_126 : vector<16xf32>
        %max3A_129 = arith.maximumf %max3A_99, %min3A_128 : vector<16xf32>
        %min3A_130 = arith.minimumf %max3A_99, %min3A_128 : vector<16xf32>
        %scan3A_131 = arith.constant 2 : i32
        %scan3A_132 = arith.addi %scan3A_68, %scan3A_131 : i32
        %mul3A_133 = arith.constant 16 : i32
        %mul3A_134 = arith.muli %scan3A_39, %mul3A_133 : i32
        %get3A_135 = arith.index_cast %scan3A_132 : i32 to index
        %get3A_136 = arith.index_cast %mul3A_134 : i32 to index
        %get3A_137 = tpu.vector_load %arg5[%get3A_135, %get3A_136] {strides = array<i32>} : memref<64x256xf32, #tpu.memory_space<vmem>>, vector<1x16xf32>,
        %get3A_138 = vector.shape_cast %get3A_137 : vector<1x16xf32> to vector<16xf32>
        %get3A_139 = arith.index_cast %scan3A_132 : i32 to index
        %get3A_140 = arith.constant 0 : index
        %get3A_141 = tpu.vector_load %arg6[%get3A_139, %get3A_140] {strides = array<i32>} : memref<64x16xf32, #tpu.memory_space<vmem>>, vector<1x16xf32>,
        %get3A_142 = vector.shape_cast %get3A_141 : vector<1x16xf32> to vector<16xf32>
        %add3A_143 = arith.addf %get3A_138, %get3A_142 : vector<16xf32>
        %abs3A_144 = math.absf %add3A_143 : vector<16xf32>
        %max3A_145 = arith.maximumf %max3A_115, %abs3A_144 : vector<16xf32>
        %min3A_146 = arith.minimumf %max3A_115, %abs3A_144 : vector<16xf32>
        %max3A_147 = arith.maximumf %max3A_117, %min3A_146 : vector<16xf32>
        %min3A_148 = arith.minimumf %max3A_117, %min3A_146 : vector<16xf32>
        %max3A_149 = arith.maximumf %max3A_119, %min3A_148 : vector<16xf32>
        %min3A_150 = arith.minimumf %max3A_119, %min3A_148 : vector<16xf32>
        %max3A_151 = arith.maximumf %max3A_121, %min3A_150 : vector<16xf32>
        %min3A_152 = arith.minimumf %max3A_121, %min3A_150 : vector<16xf32>
        %max3A_153 = arith.maximumf %max3A_123, %min3A_152 : vector<16xf32>
        %min3A_154 = arith.minimumf %max3A_123, %min3A_152 : vector<16xf32>
        %max3A_155 = arith.maximumf %max3A_125, %min3A_154 : vector<16xf32>
        %min3A_156 = arith.minimumf %max3A_125, %min3A_154 : vector<16xf32>
        %max3A_157 = arith.maximumf %max3A_127, %min3A_156 : vector<16xf32>
        %min3A_158 = arith.minimumf %max3A_127, %min3A_156 : vector<16xf32>
        %max3A_159 = arith.maximumf %max3A_129, %min3A_158 : vector<16xf32>
        %min3A_160 = arith.minimumf %max3A_129, %min3A_158 : vector<16xf32>
        %scan3A_161 = arith.constant 3 : i32
        %scan3A_162 = arith.addi %scan3A_68, %scan3A_161 : i32
        %mul3A_163 = arith.constant 16 : i32
        %mul3A_164 = arith.muli %scan3A_39, %mul3A_163 : i32
        %get3A_165 = arith.index_cast %scan3A_162 : i32 to index
        %get3A_166 = arith.index_cast %mul3A_164 : i32 to index
        %get3A_167 = tpu.vector_load %arg5[%get3A_165, %get3A_166] {strides = array<i32>} : memref<64x256xf32, #tpu.memory_space<vmem>>, vector<1x16xf32>,
        %get3A_168 = vector.shape_cast %get3A_167 : vector<1x16xf32> to vector<16xf32>
        %get3A_169 = arith.index_cast %scan3A_162 : i32 to index
        %get3A_170 = arith.constant 0 : index
        %get3A_171 = tpu.vector_load %arg6[%get3A_169, %get3A_170] {strides = array<i32>} : memref<64x16xf32, #tpu.memory_space<vmem>>, vector<1x16xf32>,
        %get3A_172 = vector.shape_cast %get3A_171 : vector<1x16xf32> to vector<16xf32>
        %add3A_173 = arith.addf %get3A_168, %get3A_172 : vector<16xf32>
        %abs3A_174 = math.absf %add3A_173 : vector<16xf32>
        %max3A_175 = arith.maximumf %max3A_145, %abs3A_174 : vector<16xf32>
        %min3A_176 = arith.minimumf %max3A_145, %abs3A_174 : vector<16xf32>
        %max3A_177 = arith.maximumf %max3A_147, %min3A_176 : vector<16xf32>
        %min3A_178 = arith.minimumf %max3A_147, %min3A_176 : vector<16xf32>
        %max3A_179 = arith.maximumf %max3A_149, %min3A_178 : vector<16xf32>
        %min3A_180 = arith.minimumf %max3A_149, %min3A_178 : vector<16xf32>
        %max3A_181 = arith.maximumf %max3A_151, %min3A_180 : vector<16xf32>
        %min3A_182 = arith.minimumf %max3A_151, %min3A_180 : vector<16xf32>
        %max3A_183 = arith.maximumf %max3A_153, %min3A_182 : vector<16xf32>
        %min3A_184 = arith.minimumf %max3A_153, %min3A_182 : vector<16xf32>
        %max3A_185 = arith.maximumf %max3A_155, %min3A_184 : vector<16xf32>
        %min3A_186 = arith.minimumf %max3A_155, %min3A_184 : vector<16xf32>
        %max3A_187 = arith.maximumf %max3A_157, %min3A_186 : vector<16xf32>
        %min3A_188 = arith.minimumf %max3A_157, %min3A_186 : vector<16xf32>
        %max3A_189 = arith.maximumf %max3A_159, %min3A_188 : vector<16xf32>
        %min3A_190 = arith.minimumf %max3A_159, %min3A_188 : vector<16xf32>
        %scan3A_191 = arith.constant 4 : i32
        %scan3A_192 = arith.addi %scan3A_68, %scan3A_191 : i32
        %mul3A_193 = arith.constant 16 : i32
        %mul3A_194 = arith.muli %scan3A_39, %mul3A_193 : i32
        %get3A_195 = arith.index_cast %scan3A_192 : i32 to index
        %get3A_196 = arith.index_cast %mul3A_194 : i32 to index
        %get3A_197 = tpu.vector_load %arg5[%get3A_195, %get3A_196] {strides = array<i32>} : memref<64x256xf32, #tpu.memory_space<vmem>>, vector<1x16xf32>,
        %get3A_198 = vector.shape_cast %get3A_197 : vector<1x16xf32> to vector<16xf32>
        %get3A_199 = arith.index_cast %scan3A_192 : i32 to index
        %get3A_200 = arith.constant 0 : index
        %get3A_201 = tpu.vector_load %arg6[%get3A_199, %get3A_200] {strides = array<i32>} : memref<64x16xf32, #tpu.memory_space<vmem>>, vector<1x16xf32>,
        %get3A_202 = vector.shape_cast %get3A_201 : vector<1x16xf32> to vector<16xf32>
        %add3A_203 = arith.addf %get3A_198, %get3A_202 : vector<16xf32>
        %abs3A_204 = math.absf %add3A_203 : vector<16xf32>
        %max3A_205 = arith.maximumf %max3A_175, %abs3A_204 : vector<16xf32>
        %min3A_206 = arith.minimumf %max3A_175, %abs3A_204 : vector<16xf32>
        %max3A_207 = arith.maximumf %max3A_177, %min3A_206 : vector<16xf32>
        %min3A_208 = arith.minimumf %max3A_177, %min3A_206 : vector<16xf32>
        %max3A_209 = arith.maximumf %max3A_179, %min3A_208 : vector<16xf32>
        %min3A_210 = arith.minimumf %max3A_179, %min3A_208 : vector<16xf32>
        %max3A_211 = arith.maximumf %max3A_181, %min3A_210 : vector<16xf32>
        %min3A_212 = arith.minimumf %max3A_181, %min3A_210 : vector<16xf32>
        %max3A_213 = arith.maximumf %max3A_183, %min3A_212 : vector<16xf32>
        %min3A_214 = arith.minimumf %max3A_183, %min3A_212 : vector<16xf32>
        %max3A_215 = arith.maximumf %max3A_185, %min3A_214 : vector<16xf32>
        %min3A_216 = arith.minimumf %max3A_185, %min3A_214 : vector<16xf32>
        %max3A_217 = arith.maximumf %max3A_187, %min3A_216 : vector<16xf32>
        %min3A_218 = arith.minimumf %max3A_187, %min3A_216 : vector<16xf32>
        %max3A_219 = arith.maximumf %max3A_189, %min3A_218 : vector<16xf32>
        %min3A_220 = arith.minimumf %max3A_189, %min3A_218 : vector<16xf32>
        %scan3A_221 = arith.constant 5 : i32
        %scan3A_222 = arith.addi %scan3A_68, %scan3A_221 : i32
        %mul3A_223 = arith.constant 16 : i32
        %mul3A_224 = arith.muli %scan3A_39, %mul3A_223 : i32
        %get3A_225 = arith.index_cast %scan3A_222 : i32 to index
        %get3A_226 = arith.index_cast %mul3A_224 : i32 to index
        %get3A_227 = tpu.vector_load %arg5[%get3A_225, %get3A_226] {strides = array<i32>} : memref<64x256xf32, #tpu.memory_space<vmem>>, vector<1x16xf32>,
        %get3A_228 = vector.shape_cast %get3A_227 : vector<1x16xf32> to vector<16xf32>
        %get3A_229 = arith.index_cast %scan3A_222 : i32 to index
        %get3A_230 = arith.constant 0 : index
        %get3A_231 = tpu.vector_load %arg6[%get3A_229, %get3A_230] {strides = array<i32>} : memref<64x16xf32, #tpu.memory_space<vmem>>, vector<1x16xf32>,
        %get3A_232 = vector.shape_cast %get3A_231 : vector<1x16xf32> to vector<16xf32>
        %add3A_233 = arith.addf %get3A_228, %get3A_232 : vector<16xf32>
        %abs3A_234 = math.absf %add3A_233 : vector<16xf32>
        %max3A_235 = arith.maximumf %max3A_205, %abs3A_234 : vector<16xf32>
        %min3A_236 = arith.minimumf %max3A_205, %abs3A_234 : vector<16xf32>
        %max3A_237 = arith.maximumf %max3A_207, %min3A_236 : vector<16xf32>
        %min3A_238 = arith.minimumf %max3A_207, %min3A_236 : vector<16xf32>
        %max3A_239 = arith.maximumf %max3A_209, %min3A_238 : vector<16xf32>
        %min3A_240 = arith.minimumf %max3A_209, %min3A_238 : vector<16xf32>
        %max3A_241 = arith.maximumf %max3A_211, %min3A_240 : vector<16xf32>
        %min3A_242 = arith.minimumf %max3A_211, %min3A_240 : vector<16xf32>
        %max3A_243 = arith.maximumf %max3A_213, %min3A_242 : vector<16xf32>
        %min3A_244 = arith.minimumf %max3A_213, %min3A_242 : vector<16xf32>
        %max3A_245 = arith.maximumf %max3A_215, %min3A_244 : vector<16xf32>
        %min3A_246 = arith.minimumf %max3A_215, %min3A_244 : vector<16xf32>
        %max3A_247 = arith.maximumf %max3A_217, %min3A_246 : vector<16xf32>
        %min3A_248 = arith.minimumf %max3A_217, %min3A_246 : vector<16xf32>
        %max3A_249 = arith.maximumf %max3A_219, %min3A_248 : vector<16xf32>
        %min3A_250 = arith.minimumf %max3A_219, %min3A_248 : vector<16xf32>
        %scan3A_251 = arith.constant 6 : i32
        %scan3A_252 = arith.addi %scan3A_68, %scan3A_251 : i32
        %mul3A_253 = arith.constant 16 : i32
        %mul3A_254 = arith.muli %scan3A_39, %mul3A_253 : i32
        %get3A_255 = arith.index_cast %scan3A_252 : i32 to index
        %get3A_256 = arith.index_cast %mul3A_254 : i32 to index
        %get3A_257 = tpu.vector_load %arg5[%get3A_255, %get3A_256] {strides = array<i32>} : memref<64x256xf32, #tpu.memory_space<vmem>>, vector<1x16xf32>,
        %get3A_258 = vector.shape_cast %get3A_257 : vector<1x16xf32> to vector<16xf32>
        %get3A_259 = arith.index_cast %scan3A_252 : i32 to index
        %get3A_260 = arith.constant 0 : index
        %get3A_261 = tpu.vector_load %arg6[%get3A_259, %get3A_260] {strides = array<i32>} : memref<64x16xf32, #tpu.memory_space<vmem>>, vector<1x16xf32>,
        %get3A_262 = vector.shape_cast %get3A_261 : vector<1x16xf32> to vector<16xf32>
        %add3A_263 = arith.addf %get3A_258, %get3A_262 : vector<16xf32>
        %abs3A_264 = math.absf %add3A_263 : vector<16xf32>
        %max3A_265 = arith.maximumf %max3A_235, %abs3A_264 : vector<16xf32>
        %min3A_266 = arith.minimumf %max3A_235, %abs3A_264 : vector<16xf32>
        %max3A_267 = arith.maximumf %max3A_237, %min3A_266 : vector<16xf32>
        %min3A_268 = arith.minimumf %max3A_237, %min3A_266 : vector<16xf32>
        %max3A_269 = arith.maximumf %max3A_239, %min3A_268 : vector<16xf32>
        %min3A_270 = arith.minimumf %max3A_239, %min3A_268 : vector<16xf32>
        %max3A_271 = arith.maximumf %max3A_241, %min3A_270 : vector<16xf32>
        %min3A_272 = arith.minimumf %max3A_241, %min3A_270 : vector<16xf32>
        %max3A_273 = arith.maximumf %max3A_243, %min3A_272 : vector<16xf32>
        %min3A_274 = arith.minimumf %max3A_243, %min3A_272 : vector<16xf32>
        %max3A_275 = arith.maximumf %max3A_245, %min3A_274 : vector<16xf32>
        %min3A_276 = arith.minimumf %max3A_245, %min3A_274 : vector<16xf32>
        %max3A_277 = arith.maximumf %max3A_247, %min3A_276 : vector<16xf32>
        %min3A_278 = arith.minimumf %max3A_247, %min3A_276 : vector<16xf32>
        %max3A_279 = arith.maximumf %max3A_249, %min3A_278 : vector<16xf32>
        %min3A_280 = arith.minimumf %max3A_249, %min3A_278 : vector<16xf32>
        %scan3A_281 = arith.constant 7 : i32
        %scan3A_282 = arith.addi %scan3A_68, %scan3A_281 : i32
        %mul3A_283 = arith.constant 16 : i32
        %mul3A_284 = arith.muli %scan3A_39, %mul3A_283 : i32
        %get3A_285 = arith.index_cast %scan3A_282 : i32 to index
        %get3A_286 = arith.index_cast %mul3A_284 : i32 to index
        %get3A_287 = tpu.vector_load %arg5[%get3A_285, %get3A_286] {strides = array<i32>} : memref<64x256xf32, #tpu.memory_space<vmem>>, vector<1x16xf32>,
        %get3A_288 = vector.shape_cast %get3A_287 : vector<1x16xf32> to vector<16xf32>
        %get3A_289 = arith.index_cast %scan3A_282 : i32 to index
        %get3A_290 = arith.constant 0 : index
        %get3A_291 = tpu.vector_load %arg6[%get3A_289, %get3A_290] {strides = array<i32>} : memref<64x16xf32, #tpu.memory_space<vmem>>, vector<1x16xf32>,
        %get3A_292 = vector.shape_cast %get3A_291 : vector<1x16xf32> to vector<16xf32>
        %add3A_293 = arith.addf %get3A_288, %get3A_292 : vector<16xf32>
        %abs3A_294 = math.absf %add3A_293 : vector<16xf32>
        %max3A_295 = arith.maximumf %max3A_265, %abs3A_294 : vector<16xf32>
        %min3A_296 = arith.minimumf %max3A_265, %abs3A_294 : vector<16xf32>
        %max3A_297 = arith.maximumf %max3A_267, %min3A_296 : vector<16xf32>
        %min3A_298 = arith.minimumf %max3A_267, %min3A_296 : vector<16xf32>
        %max3A_299 = arith.maximumf %max3A_269, %min3A_298 : vector<16xf32>
        %min3A_300 = arith.minimumf %max3A_269, %min3A_298 : vector<16xf32>
        %max3A_301 = arith.maximumf %max3A_271, %min3A_300 : vector<16xf32>
        %min3A_302 = arith.minimumf %max3A_271, %min3A_300 : vector<16xf32>
        %max3A_303 = arith.maximumf %max3A_273, %min3A_302 : vector<16xf32>
        %min3A_304 = arith.minimumf %max3A_273, %min3A_302 : vector<16xf32>
        %max3A_305 = arith.maximumf %max3A_275, %min3A_304 : vector<16xf32>
        %min3A_306 = arith.minimumf %max3A_275, %min3A_304 : vector<16xf32>
        %max3A_307 = arith.maximumf %max3A_277, %min3A_306 : vector<16xf32>
        %min3A_308 = arith.minimumf %max3A_277, %min3A_306 : vector<16xf32>
        %max3A_309 = arith.maximumf %max3A_279, %min3A_308 : vector<16xf32>
        %min3A_310 = arith.minimumf %max3A_279, %min3A_308 : vector<16xf32>
        scf.yield %max3A_295, %max3A_297, %max3A_299, %max3A_301, %max3A_303, %max3A_305, %max3A_307, %max3A_309 : vector<16xf32>, vector<16xf32>, vector<16xf32>, vector<16xf32>, vector<16xf32>, vector<16xf32>, vector<16xf32>, vector<16xf32>
      }
      %scan3A_47 = arith.constant 64 : i32
      %broadcast_in_dim3A_48 = arith.constant 0 : i32
      %broadcast_in_dim3A_49 = vector.broadcast %broadcast_in_dim3A_48 : i32 to vector<16xi32>
      %scan3A_50 = arith.constant 0 : i32
      %scan3A_51 = arith.constant 64 : i32
      %scan3A_52 = arith.addi %scan3A_50, %scan3A_51 : i32
      %scan3A_53 = arith.constant 8 : i32
      %scan3A_54 = scf.for %scan3A_68 = %scan3A_50 to %scan3A_52 step %scan3A_53 iter_args(%scan3A_69 = %broadcast_in_dim3A_49) -> (vector<16xi32>)  : i32 {
        %mul3A_70 = arith.constant 16 : i32
        %mul3A_71 = arith.muli %scan3A_39, %mul3A_70 : i32
        %get3A = arith.index_cast %scan3A_68 : i32 to index
        %get3A_72 = arith.index_cast %mul3A_71 : i32 to index
        %get3A_73 = tpu.vector_load %arg5[%get3A, %get3A_72] {strides = array<i32>} : memref<64x256xf32, #tpu.memory_space<vmem>>, vector<1x16xf32>,
        %get3A_74 = vector.shape_cast %get3A_73 : vector<1x16xf32> to vector<16xf32>
        %get3A_75 = arith.index_cast %scan3A_68 : i32 to index
        %get3A_76 = arith.constant 0 : index
        %get3A_77 = tpu.vector_load %arg6[%get3A_75, %get3A_76] {strides = array<i32>} : memref<64x16xf32, #tpu.memory_space<vmem>>, vector<1x16xf32>,
        %get3A_78 = vector.shape_cast %get3A_77 : vector<1x16xf32> to vector<16xf32>
        %add3A_79 = arith.addf %get3A_74, %get3A_78 : vector<16xf32>
        %abs3A = math.absf %add3A_79 : vector<16xf32>
        %gt3A = arith.cmpf ogt, %abs3A, %scan3A_46#7 : vector<16xf32>
        %jit3A_80 = arith.constant 1 : i32
        %jit3A_81 = arith.constant 0 : i32
        %broadcast_in_dim3A_82 = vector.broadcast %jit3A_80 : i32 to vector<16xi32>
        %broadcast_in_dim3A_83 = vector.broadcast %jit3A_81 : i32 to vector<16xi32>
        %select_n3A_84 = arith.select %gt3A, %broadcast_in_dim3A_82, %broadcast_in_dim3A_83 : vector<16xi1>, vector<16xi32>
        %add3A_85 = arith.addi %scan3A_69, %select_n3A_84 : vector<16xi32>
        %scan3A_86 = arith.constant 1 : i32
        %scan3A_87 = arith.addi %scan3A_68, %scan3A_86 : i32
        %mul3A_88 = arith.constant 16 : i32
        %mul3A_89 = arith.muli %scan3A_39, %mul3A_88 : i32
        %get3A_90 = arith.index_cast %scan3A_87 : i32 to index
        %get3A_91 = arith.index_cast %mul3A_89 : i32 to index
        %get3A_92 = tpu.vector_load %arg5[%get3A_90, %get3A_91] {strides = array<i32>} : memref<64x256xf32, #tpu.memory_space<vmem>>, vector<1x16xf32>,
        %get3A_93 = vector.shape_cast %get3A_92 : vector<1x16xf32> to vector<16xf32>
        %get3A_94 = arith.index_cast %scan3A_87 : i32 to index
        %get3A_95 = arith.constant 0 : index
        %get3A_96 = tpu.vector_load %arg6[%get3A_94, %get3A_95] {strides = array<i32>} : memref<64x16xf32, #tpu.memory_space<vmem>>, vector<1x16xf32>,
        %get3A_97 = vector.shape_cast %get3A_96 : vector<1x16xf32> to vector<16xf32>
        %add3A_98 = arith.addf %get3A_93, %get3A_97 : vector<16xf32>
        %abs3A_99 = math.absf %add3A_98 : vector<16xf32>
        %gt3A_100 = arith.cmpf ogt, %abs3A_99, %scan3A_46#7 : vector<16xf32>
        %jit3A_101 = arith.constant 1 : i32
        %jit3A_102 = arith.constant 0 : i32
        %broadcast_in_dim3A_103 = vector.broadcast %jit3A_101 : i32 to vector<16xi32>
        %broadcast_in_dim3A_104 = vector.broadcast %jit3A_102 : i32 to vector<16xi32>
        %select_n3A_105 = arith.select %gt3A_100, %broadcast_in_dim3A_103, %broadcast_in_dim3A_104 : vector<16xi1>, vector<16xi32>
        %add3A_106 = arith.addi %add3A_85, %select_n3A_105 : vector<16xi32>
        %scan3A_107 = arith.constant 2 : i32
        %scan3A_108 = arith.addi %scan3A_68, %scan3A_107 : i32
        %mul3A_109 = arith.constant 16 : i32
        %mul3A_110 = arith.muli %scan3A_39, %mul3A_109 : i32
        %get3A_111 = arith.index_cast %scan3A_108 : i32 to index
        %get3A_112 = arith.index_cast %mul3A_110 : i32 to index
        %get3A_113 = tpu.vector_load %arg5[%get3A_111, %get3A_112] {strides = array<i32>} : memref<64x256xf32, #tpu.memory_space<vmem>>, vector<1x16xf32>,
        %get3A_114 = vector.shape_cast %get3A_113 : vector<1x16xf32> to vector<16xf32>
        %get3A_115 = arith.index_cast %scan3A_108 : i32 to index
        %get3A_116 = arith.constant 0 : index
        %get3A_117 = tpu.vector_load %arg6[%get3A_115, %get3A_116] {strides = array<i32>} : memref<64x16xf32, #tpu.memory_space<vmem>>, vector<1x16xf32>,
        %get3A_118 = vector.shape_cast %get3A_117 : vector<1x16xf32> to vector<16xf32>
        %add3A_119 = arith.addf %get3A_114, %get3A_118 : vector<16xf32>
        %abs3A_120 = math.absf %add3A_119 : vector<16xf32>
        %gt3A_121 = arith.cmpf ogt, %abs3A_120, %scan3A_46#7 : vector<16xf32>
        %jit3A_122 = arith.constant 1 : i32
        %jit3A_123 = arith.constant 0 : i32
        %broadcast_in_dim3A_124 = vector.broadcast %jit3A_122 : i32 to vector<16xi32>
        %broadcast_in_dim3A_125 = vector.broadcast %jit3A_123 : i32 to vector<16xi32>
        %select_n3A_126 = arith.select %gt3A_121, %broadcast_in_dim3A_124, %broadcast_in_dim3A_125 : vector<16xi1>, vector<16xi32>
        %add3A_127 = arith.addi %add3A_106, %select_n3A_126 : vector<16xi32>
        %scan3A_128 = arith.constant 3 : i32
        %scan3A_129 = arith.addi %scan3A_68, %scan3A_128 : i32
        %mul3A_130 = arith.constant 16 : i32
        %mul3A_131 = arith.muli %scan3A_39, %mul3A_130 : i32
        %get3A_132 = arith.index_cast %scan3A_129 : i32 to index
        %get3A_133 = arith.index_cast %mul3A_131 : i32 to index
        %get3A_134 = tpu.vector_load %arg5[%get3A_132, %get3A_133] {strides = array<i32>} : memref<64x256xf32, #tpu.memory_space<vmem>>, vector<1x16xf32>,
        %get3A_135 = vector.shape_cast %get3A_134 : vector<1x16xf32> to vector<16xf32>
        %get3A_136 = arith.index_cast %scan3A_129 : i32 to index
        %get3A_137 = arith.constant 0 : index
        %get3A_138 = tpu.vector_load %arg6[%get3A_136, %get3A_137] {strides = array<i32>} : memref<64x16xf32, #tpu.memory_space<vmem>>, vector<1x16xf32>,
        %get3A_139 = vector.shape_cast %get3A_138 : vector<1x16xf32> to vector<16xf32>
        %add3A_140 = arith.addf %get3A_135, %get3A_139 : vector<16xf32>
        %abs3A_141 = math.absf %add3A_140 : vector<16xf32>
        %gt3A_142 = arith.cmpf ogt, %abs3A_141, %scan3A_46#7 : vector<16xf32>
        %jit3A_143 = arith.constant 1 : i32
        %jit3A_144 = arith.constant 0 : i32
        %broadcast_in_dim3A_145 = vector.broadcast %jit3A_143 : i32 to vector<16xi32>
        %broadcast_in_dim3A_146 = vector.broadcast %jit3A_144 : i32 to vector<16xi32>
        %select_n3A_147 = arith.select %gt3A_142, %broadcast_in_dim3A_145, %broadcast_in_dim3A_146 : vector<16xi1>, vector<16xi32>
        %add3A_148 = arith.addi %add3A_127, %select_n3A_147 : vector<16xi32>
        %scan3A_149 = arith.constant 4 : i32
        %scan3A_150 = arith.addi %scan3A_68, %scan3A_149 : i32
        %mul3A_151 = arith.constant 16 : i32
        %mul3A_152 = arith.muli %scan3A_39, %mul3A_151 : i32
        %get3A_153 = arith.index_cast %scan3A_150 : i32 to index
        %get3A_154 = arith.index_cast %mul3A_152 : i32 to index
        %get3A_155 = tpu.vector_load %arg5[%get3A_153, %get3A_154] {strides = array<i32>} : memref<64x256xf32, #tpu.memory_space<vmem>>, vector<1x16xf32>,
        %get3A_156 = vector.shape_cast %get3A_155 : vector<1x16xf32> to vector<16xf32>
        %get3A_157 = arith.index_cast %scan3A_150 : i32 to index
        %get3A_158 = arith.constant 0 : index
        %get3A_159 = tpu.vector_load %arg6[%get3A_157, %get3A_158] {strides = array<i32>} : memref<64x16xf32, #tpu.memory_space<vmem>>, vector<1x16xf32>,
        %get3A_160 = vector.shape_cast %get3A_159 : vector<1x16xf32> to vector<16xf32>
        %add3A_161 = arith.addf %get3A_156, %get3A_160 : vector<16xf32>
        %abs3A_162 = math.absf %add3A_161 : vector<16xf32>
        %gt3A_163 = arith.cmpf ogt, %abs3A_162, %scan3A_46#7 : vector<16xf32>
        %jit3A_164 = arith.constant 1 : i32
        %jit3A_165 = arith.constant 0 : i32
        %broadcast_in_dim3A_166 = vector.broadcast %jit3A_164 : i32 to vector<16xi32>
        %broadcast_in_dim3A_167 = vector.broadcast %jit3A_165 : i32 to vector<16xi32>
        %select_n3A_168 = arith.select %gt3A_163, %broadcast_in_dim3A_166, %broadcast_in_dim3A_167 : vector<16xi1>, vector<16xi32>
        %add3A_169 = arith.addi %add3A_148, %select_n3A_168 : vector<16xi32>
        %scan3A_170 = arith.constant 5 : i32
        %scan3A_171 = arith.addi %scan3A_68, %scan3A_170 : i32
        %mul3A_172 = arith.constant 16 : i32
        %mul3A_173 = arith.muli %scan3A_39, %mul3A_172 : i32
        %get3A_174 = arith.index_cast %scan3A_171 : i32 to index
        %get3A_175 = arith.index_cast %mul3A_173 : i32 to index
        %get3A_176 = tpu.vector_load %arg5[%get3A_174, %get3A_175] {strides = array<i32>} : memref<64x256xf32, #tpu.memory_space<vmem>>, vector<1x16xf32>,
        %get3A_177 = vector.shape_cast %get3A_176 : vector<1x16xf32> to vector<16xf32>
        %get3A_178 = arith.index_cast %scan3A_171 : i32 to index
        %get3A_179 = arith.constant 0 : index
        %get3A_180 = tpu.vector_load %arg6[%get3A_178, %get3A_179] {strides = array<i32>} : memref<64x16xf32, #tpu.memory_space<vmem>>, vector<1x16xf32>,
        %get3A_181 = vector.shape_cast %get3A_180 : vector<1x16xf32> to vector<16xf32>
        %add3A_182 = arith.addf %get3A_177, %get3A_181 : vector<16xf32>
        %abs3A_183 = math.absf %add3A_182 : vector<16xf32>
        %gt3A_184 = arith.cmpf ogt, %abs3A_183, %scan3A_46#7 : vector<16xf32>
        %jit3A_185 = arith.constant 1 : i32
        %jit3A_186 = arith.constant 0 : i32
        %broadcast_in_dim3A_187 = vector.broadcast %jit3A_185 : i32 to vector<16xi32>
        %broadcast_in_dim3A_188 = vector.broadcast %jit3A_186 : i32 to vector<16xi32>
        %select_n3A_189 = arith.select %gt3A_184, %broadcast_in_dim3A_187, %broadcast_in_dim3A_188 : vector<16xi1>, vector<16xi32>
        %add3A_190 = arith.addi %add3A_169, %select_n3A_189 : vector<16xi32>
        %scan3A_191 = arith.constant 6 : i32
        %scan3A_192 = arith.addi %scan3A_68, %scan3A_191 : i32
        %mul3A_193 = arith.constant 16 : i32
        %mul3A_194 = arith.muli %scan3A_39, %mul3A_193 : i32
        %get3A_195 = arith.index_cast %scan3A_192 : i32 to index
        %get3A_196 = arith.index_cast %mul3A_194 : i32 to index
        %get3A_197 = tpu.vector_load %arg5[%get3A_195, %get3A_196] {strides = array<i32>} : memref<64x256xf32, #tpu.memory_space<vmem>>, vector<1x16xf32>,
        %get3A_198 = vector.shape_cast %get3A_197 : vector<1x16xf32> to vector<16xf32>
        %get3A_199 = arith.index_cast %scan3A_192 : i32 to index
        %get3A_200 = arith.constant 0 : index
        %get3A_201 = tpu.vector_load %arg6[%get3A_199, %get3A_200] {strides = array<i32>} : memref<64x16xf32, #tpu.memory_space<vmem>>, vector<1x16xf32>,
        %get3A_202 = vector.shape_cast %get3A_201 : vector<1x16xf32> to vector<16xf32>
        %add3A_203 = arith.addf %get3A_198, %get3A_202 : vector<16xf32>
        %abs3A_204 = math.absf %add3A_203 : vector<16xf32>
        %gt3A_205 = arith.cmpf ogt, %abs3A_204, %scan3A_46#7 : vector<16xf32>
        %jit3A_206 = arith.constant 1 : i32
        %jit3A_207 = arith.constant 0 : i32
        %broadcast_in_dim3A_208 = vector.broadcast %jit3A_206 : i32 to vector<16xi32>
        %broadcast_in_dim3A_209 = vector.broadcast %jit3A_207 : i32 to vector<16xi32>
        %select_n3A_210 = arith.select %gt3A_205, %broadcast_in_dim3A_208, %broadcast_in_dim3A_209 : vector<16xi1>, vector<16xi32>
        %add3A_211 = arith.addi %add3A_190, %select_n3A_210 : vector<16xi32>
        %scan3A_212 = arith.constant 7 : i32
        %scan3A_213 = arith.addi %scan3A_68, %scan3A_212 : i32
        %mul3A_214 = arith.constant 16 : i32
        %mul3A_215 = arith.muli %scan3A_39, %mul3A_214 : i32
        %get3A_216 = arith.index_cast %scan3A_213 : i32 to index
        %get3A_217 = arith.index_cast %mul3A_215 : i32 to index
        %get3A_218 = tpu.vector_load %arg5[%get3A_216, %get3A_217] {strides = array<i32>} : memref<64x256xf32, #tpu.memory_space<vmem>>, vector<1x16xf32>,
        %get3A_219 = vector.shape_cast %get3A_218 : vector<1x16xf32> to vector<16xf32>
        %get3A_220 = arith.index_cast %scan3A_213 : i32 to index
        %get3A_221 = arith.constant 0 : index
        %get3A_222 = tpu.vector_load %arg6[%get3A_220, %get3A_221] {strides = array<i32>} : memref<64x16xf32, #tpu.memory_space<vmem>>, vector<1x16xf32>,
        %get3A_223 = vector.shape_cast %get3A_222 : vector<1x16xf32> to vector<16xf32>
        %add3A_224 = arith.addf %get3A_219, %get3A_223 : vector<16xf32>
        %abs3A_225 = math.absf %add3A_224 : vector<16xf32>
        %gt3A_226 = arith.cmpf ogt, %abs3A_225, %scan3A_46#7 : vector<16xf32>
        %jit3A_227 = arith.constant 1 : i32
        %jit3A_228 = arith.constant 0 : i32
        %broadcast_in_dim3A_229 = vector.broadcast %jit3A_227 : i32 to vector<16xi32>
        %broadcast_in_dim3A_230 = vector.broadcast %jit3A_228 : i32 to vector<16xi32>
        %select_n3A_231 = arith.select %gt3A_226, %broadcast_in_dim3A_229, %broadcast_in_dim3A_230 : vector<16xi1>, vector<16xi32>
        %add3A_232 = arith.addi %add3A_211, %select_n3A_231 : vector<16xi32>
        scf.yield %add3A_232 : vector<16xi32>
      }
      %scan3A_55 = arith.constant 64 : i32
      %broadcast_in_dim3A_56 = arith.constant 8 : i32
      %broadcast_in_dim3A_57 = vector.broadcast %broadcast_in_dim3A_56 : i32 to vector<16xi32>
      %sub3A_58 = arith.subi %broadcast_in_dim3A_57, %scan3A_54 : vector<16xi32>
      %broadcast_in_dim3A_59 = arith.constant 0 : i32
      %broadcast_in_dim3A_60 = vector.broadcast %broadcast_in_dim3A_59 : i32 to vector<16xi32>
      %scan3A_61 = arith.constant 0 : i32
      %scan3A_62 = arith.constant 64 : i32
      %scan3A_63 = arith.addi %scan3A_61, %scan3A_62 : i32
      %scan3A_64 = arith.constant 8 : i32
      %scan3A_65 = scf.for %scan3A_68 = %scan3A_61 to %scan3A_63 step %scan3A_64 iter_args(%scan3A_69 = %broadcast_in_dim3A_60) -> (vector<16xi32>)  : i32 {
        %mul3A_70 = arith.constant 16 : i32
        %mul3A_71 = arith.muli %scan3A_39, %mul3A_70 : i32
        %get3A = arith.index_cast %scan3A_68 : i32 to index
        %get3A_72 = arith.index_cast %mul3A_71 : i32 to index
        %get3A_73 = tpu.vector_load %arg5[%get3A, %get3A_72] {strides = array<i32>} : memref<64x256xf32, #tpu.memory_space<vmem>>, vector<1x16xf32>,
        %get3A_74 = vector.shape_cast %get3A_73 : vector<1x16xf32> to vector<16xf32>
        %get3A_75 = arith.index_cast %scan3A_68 : i32 to index
        %get3A_76 = arith.constant 0 : index
        %get3A_77 = tpu.vector_load %arg6[%get3A_75, %get3A_76] {strides = array<i32>} : memref<64x16xf32, #tpu.memory_space<vmem>>, vector<1x16xf32>,
        %get3A_78 = vector.shape_cast %get3A_77 : vector<1x16xf32> to vector<16xf32>
        %add3A_79 = arith.addf %get3A_74, %get3A_78 : vector<16xf32>
        %abs3A = math.absf %add3A_79 : vector<16xf32>
        %eq3A_80 = arith.cmpf oeq, %abs3A, %scan3A_46#7 : vector<16xf32>
        %lt3A_81 = arith.cmpi slt, %scan3A_69, %sub3A_58 : vector<16xi32>
        %and3A_82 = arith.andi %eq3A_80, %lt3A_81 : vector<16xi1>
        %jit3A_83 = arith.constant 1 : i32
        %jit3A_84 = arith.constant 0 : i32
        %broadcast_in_dim3A_85 = vector.broadcast %jit3A_83 : i32 to vector<16xi32>
        %broadcast_in_dim3A_86 = vector.broadcast %jit3A_84 : i32 to vector<16xi32>
        %select_n3A_87 = arith.select %and3A_82, %broadcast_in_dim3A_85, %broadcast_in_dim3A_86 : vector<16xi1>, vector<16xi32>
        %add3A_88 = arith.addi %scan3A_69, %select_n3A_87 : vector<16xi32>
        %gt3A = arith.cmpf ogt, %abs3A, %scan3A_46#7 : vector<16xf32>
        %or3A = arith.ori %gt3A, %and3A_82 : vector<16xi1>
        %add3A_89 = arith.addf %get3A_74, %get3A_74 : vector<16xf32>
        %jit3A_90 = arith.constant 0.000000e+00 : f32
        %broadcast_in_dim3A_91 = vector.broadcast %jit3A_90 : f32 to vector<16xf32>
        %select_n3A_92 = arith.select %or3A, %add3A_89, %broadcast_in_dim3A_91 : vector<16xi1>, vector<16xf32>
        %mul3A_93 = arith.constant 16 : i32
        %mul3A_94 = arith.muli %scan3A_39, %mul3A_93 : i32
        %swap3A = arith.index_cast %scan3A_68 : i32 to index
        %swap3A_95 = arith.index_cast %mul3A_94 : i32 to index
        %swap3A_96 = tpu.vector_load %arg7[%swap3A, %swap3A_95] {strides = array<i32>} : memref<64x256xf32, #tpu.memory_space<vmem>>, vector<1x16xf32>,
        %swap3A_97 = vector.shape_cast %swap3A_96 : vector<1x16xf32> to vector<16xf32>
        %swap3A_98 = vector.shape_cast %select_n3A_92 : vector<16xf32> to vector<1x16xf32>
        tpu.vector_store %arg7[%swap3A, %swap3A_95], %swap3A_98 {strides = array<i32>} : memref<64x256xf32, #tpu.memory_space<vmem>>, vector<1x16xf32>,
        %scan3A_99 = arith.constant 1 : i32
        %scan3A_100 = arith.addi %scan3A_68, %scan3A_99 : i32
        %mul3A_101 = arith.constant 16 : i32
        %mul3A_102 = arith.muli %scan3A_39, %mul3A_101 : i32
        %get3A_103 = arith.index_cast %scan3A_100 : i32 to index
        %get3A_104 = arith.index_cast %mul3A_102 : i32 to index
        %get3A_105 = tpu.vector_load %arg5[%get3A_103, %get3A_104] {strides = array<i32>} : memref<64x256xf32, #tpu.memory_space<vmem>>, vector<1x16xf32>,
        %get3A_106 = vector.shape_cast %get3A_105 : vector<1x16xf32> to vector<16xf32>
        %get3A_107 = arith.index_cast %scan3A_100 : i32 to index
        %get3A_108 = arith.constant 0 : index
        %get3A_109 = tpu.vector_load %arg6[%get3A_107, %get3A_108] {strides = array<i32>} : memref<64x16xf32, #tpu.memory_space<vmem>>, vector<1x16xf32>,
        %get3A_110 = vector.shape_cast %get3A_109 : vector<1x16xf32> to vector<16xf32>
        %add3A_111 = arith.addf %get3A_106, %get3A_110 : vector<16xf32>
        %abs3A_112 = math.absf %add3A_111 : vector<16xf32>
        %eq3A_113 = arith.cmpf oeq, %abs3A_112, %scan3A_46#7 : vector<16xf32>
        %lt3A_114 = arith.cmpi slt, %add3A_88, %sub3A_58 : vector<16xi32>
        %and3A_115 = arith.andi %eq3A_113, %lt3A_114 : vector<16xi1>
        %jit3A_116 = arith.constant 1 : i32
        %jit3A_117 = arith.constant 0 : i32
        %broadcast_in_dim3A_118 = vector.broadcast %jit3A_116 : i32 to vector<16xi32>
        %broadcast_in_dim3A_119 = vector.broadcast %jit3A_117 : i32 to vector<16xi32>
        %select_n3A_120 = arith.select %and3A_115, %broadcast_in_dim3A_118, %broadcast_in_dim3A_119 : vector<16xi1>, vector<16xi32>
        %add3A_121 = arith.addi %add3A_88, %select_n3A_120 : vector<16xi32>
        %gt3A_122 = arith.cmpf ogt, %abs3A_112, %scan3A_46#7 : vector<16xf32>
        %or3A_123 = arith.ori %gt3A_122, %and3A_115 : vector<16xi1>
        %add3A_124 = arith.addf %get3A_106, %get3A_106 : vector<16xf32>
        %jit3A_125 = arith.constant 0.000000e+00 : f32
        %broadcast_in_dim3A_126 = vector.broadcast %jit3A_125 : f32 to vector<16xf32>
        %select_n3A_127 = arith.select %or3A_123, %add3A_124, %broadcast_in_dim3A_126 : vector<16xi1>, vector<16xf32>
        %mul3A_128 = arith.constant 16 : i32
        %mul3A_129 = arith.muli %scan3A_39, %mul3A_128 : i32
        %swap3A_130 = arith.index_cast %scan3A_100 : i32 to index
        %swap3A_131 = arith.index_cast %mul3A_129 : i32 to index
        %swap3A_132 = tpu.vector_load %arg7[%swap3A_130, %swap3A_131] {strides = array<i32>} : memref<64x256xf32, #tpu.memory_space<vmem>>, vector<1x16xf32>,
        %swap3A_133 = vector.shape_cast %swap3A_132 : vector<1x16xf32> to vector<16xf32>
        %swap3A_134 = vector.shape_cast %select_n3A_127 : vector<16xf32> to vector<1x16xf32>
        tpu.vector_store %arg7[%swap3A_130, %swap3A_131], %swap3A_134 {strides = array<i32>} : memref<64x256xf32, #tpu.memory_space<vmem>>, vector<1x16xf32>,
        %scan3A_135 = arith.constant 2 : i32
        %scan3A_136 = arith.addi %scan3A_68, %scan3A_135 : i32
        %mul3A_137 = arith.constant 16 : i32
        %mul3A_138 = arith.muli %scan3A_39, %mul3A_137 : i32
        %get3A_139 = arith.index_cast %scan3A_136 : i32 to index
        %get3A_140 = arith.index_cast %mul3A_138 : i32 to index
        %get3A_141 = tpu.vector_load %arg5[%get3A_139, %get3A_140] {strides = array<i32>} : memref<64x256xf32, #tpu.memory_space<vmem>>, vector<1x16xf32>,
        %get3A_142 = vector.shape_cast %get3A_141 : vector<1x16xf32> to vector<16xf32>
        %get3A_143 = arith.index_cast %scan3A_136 : i32 to index
        %get3A_144 = arith.constant 0 : index
        %get3A_145 = tpu.vector_load %arg6[%get3A_143, %get3A_144] {strides = array<i32>} : memref<64x16xf32, #tpu.memory_space<vmem>>, vector<1x16xf32>,
        %get3A_146 = vector.shape_cast %get3A_145 : vector<1x16xf32> to vector<16xf32>
        %add3A_147 = arith.addf %get3A_142, %get3A_146 : vector<16xf32>
        %abs3A_148 = math.absf %add3A_147 : vector<16xf32>
        %eq3A_149 = arith.cmpf oeq, %abs3A_148, %scan3A_46#7 : vector<16xf32>
        %lt3A_150 = arith.cmpi slt, %add3A_121, %sub3A_58 : vector<16xi32>
        %and3A_151 = arith.andi %eq3A_149, %lt3A_150 : vector<16xi1>
        %jit3A_152 = arith.constant 1 : i32
        %jit3A_153 = arith.constant 0 : i32
        %broadcast_in_dim3A_154 = vector.broadcast %jit3A_152 : i32 to vector<16xi32>
        %broadcast_in_dim3A_155 = vector.broadcast %jit3A_153 : i32 to vector<16xi32>
        %select_n3A_156 = arith.select %and3A_151, %broadcast_in_dim3A_154, %broadcast_in_dim3A_155 : vector<16xi1>, vector<16xi32>
        %add3A_157 = arith.addi %add3A_121, %select_n3A_156 : vector<16xi32>
        %gt3A_158 = arith.cmpf ogt, %abs3A_148, %scan3A_46#7 : vector<16xf32>
        %or3A_159 = arith.ori %gt3A_158, %and3A_151 : vector<16xi1>
        %add3A_160 = arith.addf %get3A_142, %get3A_142 : vector<16xf32>
        %jit3A_161 = arith.constant 0.000000e+00 : f32
        %broadcast_in_dim3A_162 = vector.broadcast %jit3A_161 : f32 to vector<16xf32>
        %select_n3A_163 = arith.select %or3A_159, %add3A_160, %broadcast_in_dim3A_162 : vector<16xi1>, vector<16xf32>
        %mul3A_164 = arith.constant 16 : i32
        %mul3A_165 = arith.muli %scan3A_39, %mul3A_164 : i32
        %swap3A_166 = arith.index_cast %scan3A_136 : i32 to index
        %swap3A_167 = arith.index_cast %mul3A_165 : i32 to index
        %swap3A_168 = tpu.vector_load %arg7[%swap3A_166, %swap3A_167] {strides = array<i32>} : memref<64x256xf32, #tpu.memory_space<vmem>>, vector<1x16xf32>,
        %swap3A_169 = vector.shape_cast %swap3A_168 : vector<1x16xf32> to vector<16xf32>
        %swap3A_170 = vector.shape_cast %select_n3A_163 : vector<16xf32> to vector<1x16xf32>
        tpu.vector_store %arg7[%swap3A_166, %swap3A_167], %swap3A_170 {strides = array<i32>} : memref<64x256xf32, #tpu.memory_space<vmem>>, vector<1x16xf32>,
        %scan3A_171 = arith.constant 3 : i32
        %scan3A_172 = arith.addi %scan3A_68, %scan3A_171 : i32
        %mul3A_173 = arith.constant 16 : i32
        %mul3A_174 = arith.muli %scan3A_39, %mul3A_173 : i32
        %get3A_175 = arith.index_cast %scan3A_172 : i32 to index
        %get3A_176 = arith.index_cast %mul3A_174 : i32 to index
        %get3A_177 = tpu.vector_load %arg5[%get3A_175, %get3A_176] {strides = array<i32>} : memref<64x256xf32, #tpu.memory_space<vmem>>, vector<1x16xf32>,
        %get3A_178 = vector.shape_cast %get3A_177 : vector<1x16xf32> to vector<16xf32>
        %get3A_179 = arith.index_cast %scan3A_172 : i32 to index
        %get3A_180 = arith.constant 0 : index
        %get3A_181 = tpu.vector_load %arg6[%get3A_179, %get3A_180] {strides = array<i32>} : memref<64x16xf32, #tpu.memory_space<vmem>>, vector<1x16xf32>,
        %get3A_182 = vector.shape_cast %get3A_181 : vector<1x16xf32> to vector<16xf32>
        %add3A_183 = arith.addf %get3A_178, %get3A_182 : vector<16xf32>
        %abs3A_184 = math.absf %add3A_183 : vector<16xf32>
        %eq3A_185 = arith.cmpf oeq, %abs3A_184, %scan3A_46#7 : vector<16xf32>
        %lt3A_186 = arith.cmpi slt, %add3A_157, %sub3A_58 : vector<16xi32>
        %and3A_187 = arith.andi %eq3A_185, %lt3A_186 : vector<16xi1>
        %jit3A_188 = arith.constant 1 : i32
        %jit3A_189 = arith.constant 0 : i32
        %broadcast_in_dim3A_190 = vector.broadcast %jit3A_188 : i32 to vector<16xi32>
        %broadcast_in_dim3A_191 = vector.broadcast %jit3A_189 : i32 to vector<16xi32>
        %select_n3A_192 = arith.select %and3A_187, %broadcast_in_dim3A_190, %broadcast_in_dim3A_191 : vector<16xi1>, vector<16xi32>
        %add3A_193 = arith.addi %add3A_157, %select_n3A_192 : vector<16xi32>
        %gt3A_194 = arith.cmpf ogt, %abs3A_184, %scan3A_46#7 : vector<16xf32>
        %or3A_195 = arith.ori %gt3A_194, %and3A_187 : vector<16xi1>
        %add3A_196 = arith.addf %get3A_178, %get3A_178 : vector<16xf32>
        %jit3A_197 = arith.constant 0.000000e+00 : f32
        %broadcast_in_dim3A_198 = vector.broadcast %jit3A_197 : f32 to vector<16xf32>
        %select_n3A_199 = arith.select %or3A_195, %add3A_196, %broadcast_in_dim3A_198 : vector<16xi1>, vector<16xf32>
        %mul3A_200 = arith.constant 16 : i32
        %mul3A_201 = arith.muli %scan3A_39, %mul3A_200 : i32
        %swap3A_202 = arith.index_cast %scan3A_172 : i32 to index
        %swap3A_203 = arith.index_cast %mul3A_201 : i32 to index
        %swap3A_204 = tpu.vector_load %arg7[%swap3A_202, %swap3A_203] {strides = array<i32>} : memref<64x256xf32, #tpu.memory_space<vmem>>, vector<1x16xf32>,
        %swap3A_205 = vector.shape_cast %swap3A_204 : vector<1x16xf32> to vector<16xf32>
        %swap3A_206 = vector.shape_cast %select_n3A_199 : vector<16xf32> to vector<1x16xf32>
        tpu.vector_store %arg7[%swap3A_202, %swap3A_203], %swap3A_206 {strides = array<i32>} : memref<64x256xf32, #tpu.memory_space<vmem>>, vector<1x16xf32>,
        %scan3A_207 = arith.constant 4 : i32
        %scan3A_208 = arith.addi %scan3A_68, %scan3A_207 : i32
        %mul3A_209 = arith.constant 16 : i32
        %mul3A_210 = arith.muli %scan3A_39, %mul3A_209 : i32
        %get3A_211 = arith.index_cast %scan3A_208 : i32 to index
        %get3A_212 = arith.index_cast %mul3A_210 : i32 to index
        %get3A_213 = tpu.vector_load %arg5[%get3A_211, %get3A_212] {strides = array<i32>} : memref<64x256xf32, #tpu.memory_space<vmem>>, vector<1x16xf32>,
        %get3A_214 = vector.shape_cast %get3A_213 : vector<1x16xf32> to vector<16xf32>
        %get3A_215 = arith.index_cast %scan3A_208 : i32 to index
        %get3A_216 = arith.constant 0 : index
        %get3A_217 = tpu.vector_load %arg6[%get3A_215, %get3A_216] {strides = array<i32>} : memref<64x16xf32, #tpu.memory_space<vmem>>, vector<1x16xf32>,
        %get3A_218 = vector.shape_cast %get3A_217 : vector<1x16xf32> to vector<16xf32>
        %add3A_219 = arith.addf %get3A_214, %get3A_218 : vector<16xf32>
        %abs3A_220 = math.absf %add3A_219 : vector<16xf32>
        %eq3A_221 = arith.cmpf oeq, %abs3A_220, %scan3A_46#7 : vector<16xf32>
        %lt3A_222 = arith.cmpi slt, %add3A_193, %sub3A_58 : vector<16xi32>
        %and3A_223 = arith.andi %eq3A_221, %lt3A_222 : vector<16xi1>
        %jit3A_224 = arith.constant 1 : i32
        %jit3A_225 = arith.constant 0 : i32
        %broadcast_in_dim3A_226 = vector.broadcast %jit3A_224 : i32 to vector<16xi32>
        %broadcast_in_dim3A_227 = vector.broadcast %jit3A_225 : i32 to vector<16xi32>
        %select_n3A_228 = arith.select %and3A_223, %broadcast_in_dim3A_226, %broadcast_in_dim3A_227 : vector<16xi1>, vector<16xi32>
        %add3A_229 = arith.addi %add3A_193, %select_n3A_228 : vector<16xi32>
        %gt3A_230 = arith.cmpf ogt, %abs3A_220, %scan3A_46#7 : vector<16xf32>
        %or3A_231 = arith.ori %gt3A_230, %and3A_223 : vector<16xi1>
        %add3A_232 = arith.addf %get3A_214, %get3A_214 : vector<16xf32>
        %jit3A_233 = arith.constant 0.000000e+00 : f32
        %broadcast_in_dim3A_234 = vector.broadcast %jit3A_233 : f32 to vector<16xf32>
        %select_n3A_235 = arith.select %or3A_231, %add3A_232, %broadcast_in_dim3A_234 : vector<16xi1>, vector<16xf32>
        %mul3A_236 = arith.constant 16 : i32
        %mul3A_237 = arith.muli %scan3A_39, %mul3A_236 : i32
        %swap3A_238 = arith.index_cast %scan3A_208 : i32 to index
        %swap3A_239 = arith.index_cast %mul3A_237 : i32 to index
        %swap3A_240 = tpu.vector_load %arg7[%swap3A_238, %swap3A_239] {strides = array<i32>} : memref<64x256xf32, #tpu.memory_space<vmem>>, vector<1x16xf32>,
        %swap3A_241 = vector.shape_cast %swap3A_240 : vector<1x16xf32> to vector<16xf32>
        %swap3A_242 = vector.shape_cast %select_n3A_235 : vector<16xf32> to vector<1x16xf32>
        tpu.vector_store %arg7[%swap3A_238, %swap3A_239], %swap3A_242 {strides = array<i32>} : memref<64x256xf32, #tpu.memory_space<vmem>>, vector<1x16xf32>,
        %scan3A_243 = arith.constant 5 : i32
        %scan3A_244 = arith.addi %scan3A_68, %scan3A_243 : i32
        %mul3A_245 = arith.constant 16 : i32
        %mul3A_246 = arith.muli %scan3A_39, %mul3A_245 : i32
        %get3A_247 = arith.index_cast %scan3A_244 : i32 to index
        %get3A_248 = arith.index_cast %mul3A_246 : i32 to index
        %get3A_249 = tpu.vector_load %arg5[%get3A_247, %get3A_248] {strides = array<i32>} : memref<64x256xf32, #tpu.memory_space<vmem>>, vector<1x16xf32>,
        %get3A_250 = vector.shape_cast %get3A_249 : vector<1x16xf32> to vector<16xf32>
        %get3A_251 = arith.index_cast %scan3A_244 : i32 to index
        %get3A_252 = arith.constant 0 : index
        %get3A_253 = tpu.vector_load %arg6[%get3A_251, %get3A_252] {strides = array<i32>} : memref<64x16xf32, #tpu.memory_space<vmem>>, vector<1x16xf32>,
        %get3A_254 = vector.shape_cast %get3A_253 : vector<1x16xf32> to vector<16xf32>
        %add3A_255 = arith.addf %get3A_250, %get3A_254 : vector<16xf32>
        %abs3A_256 = math.absf %add3A_255 : vector<16xf32>
        %eq3A_257 = arith.cmpf oeq, %abs3A_256, %scan3A_46#7 : vector<16xf32>
        %lt3A_258 = arith.cmpi slt, %add3A_229, %sub3A_58 : vector<16xi32>
        %and3A_259 = arith.andi %eq3A_257, %lt3A_258 : vector<16xi1>
        %jit3A_260 = arith.constant 1 : i32
        %jit3A_261 = arith.constant 0 : i32
        %broadcast_in_dim3A_262 = vector.broadcast %jit3A_260 : i32 to vector<16xi32>
        %broadcast_in_dim3A_263 = vector.broadcast %jit3A_261 : i32 to vector<16xi32>
        %select_n3A_264 = arith.select %and3A_259, %broadcast_in_dim3A_262, %broadcast_in_dim3A_263 : vector<16xi1>, vector<16xi32>
        %add3A_265 = arith.addi %add3A_229, %select_n3A_264 : vector<16xi32>
        %gt3A_266 = arith.cmpf ogt, %abs3A_256, %scan3A_46#7 : vector<16xf32>
        %or3A_267 = arith.ori %gt3A_266, %and3A_259 : vector<16xi1>
        %add3A_268 = arith.addf %get3A_250, %get3A_250 : vector<16xf32>
        %jit3A_269 = arith.constant 0.000000e+00 : f32
        %broadcast_in_dim3A_270 = vector.broadcast %jit3A_269 : f32 to vector<16xf32>
        %select_n3A_271 = arith.select %or3A_267, %add3A_268, %broadcast_in_dim3A_270 : vector<16xi1>, vector<16xf32>
        %mul3A_272 = arith.constant 16 : i32
        %mul3A_273 = arith.muli %scan3A_39, %mul3A_272 : i32
        %swap3A_274 = arith.index_cast %scan3A_244 : i32 to index
        %swap3A_275 = arith.index_cast %mul3A_273 : i32 to index
        %swap3A_276 = tpu.vector_load %arg7[%swap3A_274, %swap3A_275] {strides = array<i32>} : memref<64x256xf32, #tpu.memory_space<vmem>>, vector<1x16xf32>,
        %swap3A_277 = vector.shape_cast %swap3A_276 : vector<1x16xf32> to vector<16xf32>
        %swap3A_278 = vector.shape_cast %select_n3A_271 : vector<16xf32> to vector<1x16xf32>
        tpu.vector_store %arg7[%swap3A_274, %swap3A_275], %swap3A_278 {strides = array<i32>} : memref<64x256xf32, #tpu.memory_space<vmem>>, vector<1x16xf32>,
        %scan3A_279 = arith.constant 6 : i32
        %scan3A_280 = arith.addi %scan3A_68, %scan3A_279 : i32
        %mul3A_281 = arith.constant 16 : i32
        %mul3A_282 = arith.muli %scan3A_39, %mul3A_281 : i32
        %get3A_283 = arith.index_cast %scan3A_280 : i32 to index
        %get3A_284 = arith.index_cast %mul3A_282 : i32 to index
        %get3A_285 = tpu.vector_load %arg5[%get3A_283, %get3A_284] {strides = array<i32>} : memref<64x256xf32, #tpu.memory_space<vmem>>, vector<1x16xf32>,
        %get3A_286 = vector.shape_cast %get3A_285 : vector<1x16xf32> to vector<16xf32>
        %get3A_287 = arith.index_cast %scan3A_280 : i32 to index
        %get3A_288 = arith.constant 0 : index
        %get3A_289 = tpu.vector_load %arg6[%get3A_287, %get3A_288] {strides = array<i32>} : memref<64x16xf32, #tpu.memory_space<vmem>>, vector<1x16xf32>,
        %get3A_290 = vector.shape_cast %get3A_289 : vector<1x16xf32> to vector<16xf32>
        %add3A_291 = arith.addf %get3A_286, %get3A_290 : vector<16xf32>
        %abs3A_292 = math.absf %add3A_291 : vector<16xf32>
        %eq3A_293 = arith.cmpf oeq, %abs3A_292, %scan3A_46#7 : vector<16xf32>
        %lt3A_294 = arith.cmpi slt, %add3A_265, %sub3A_58 : vector<16xi32>
        %and3A_295 = arith.andi %eq3A_293, %lt3A_294 : vector<16xi1>
        %jit3A_296 = arith.constant 1 : i32
        %jit3A_297 = arith.constant 0 : i32
        %broadcast_in_dim3A_298 = vector.broadcast %jit3A_296 : i32 to vector<16xi32>
        %broadcast_in_dim3A_299 = vector.broadcast %jit3A_297 : i32 to vector<16xi32>
        %select_n3A_300 = arith.select %and3A_295, %broadcast_in_dim3A_298, %broadcast_in_dim3A_299 : vector<16xi1>, vector<16xi32>
        %add3A_301 = arith.addi %add3A_265, %select_n3A_300 : vector<16xi32>
        %gt3A_302 = arith.cmpf ogt, %abs3A_292, %scan3A_46#7 : vector<16xf32>
        %or3A_303 = arith.ori %gt3A_302, %and3A_295 : vector<16xi1>
        %add3A_304 = arith.addf %get3A_286, %get3A_286 : vector<16xf32>
        %jit3A_305 = arith.constant 0.000000e+00 : f32
        %broadcast_in_dim3A_306 = vector.broadcast %jit3A_305 : f32 to vector<16xf32>
        %select_n3A_307 = arith.select %or3A_303, %add3A_304, %broadcast_in_dim3A_306 : vector<16xi1>, vector<16xf32>
        %mul3A_308 = arith.constant 16 : i32
        %mul3A_309 = arith.muli %scan3A_39, %mul3A_308 : i32
        %swap3A_310 = arith.index_cast %scan3A_280 : i32 to index
        %swap3A_311 = arith.index_cast %mul3A_309 : i32 to index
        %swap3A_312 = tpu.vector_load %arg7[%swap3A_310, %swap3A_311] {strides = array<i32>} : memref<64x256xf32, #tpu.memory_space<vmem>>, vector<1x16xf32>,
        %swap3A_313 = vector.shape_cast %swap3A_312 : vector<1x16xf32> to vector<16xf32>
        %swap3A_314 = vector.shape_cast %select_n3A_307 : vector<16xf32> to vector<1x16xf32>
        tpu.vector_store %arg7[%swap3A_310, %swap3A_311], %swap3A_314 {strides = array<i32>} : memref<64x256xf32, #tpu.memory_space<vmem>>, vector<1x16xf32>,
        %scan3A_315 = arith.constant 7 : i32
        %scan3A_316 = arith.addi %scan3A_68, %scan3A_315 : i32
        %mul3A_317 = arith.constant 16 : i32
        %mul3A_318 = arith.muli %scan3A_39, %mul3A_317 : i32
        %get3A_319 = arith.index_cast %scan3A_316 : i32 to index
        %get3A_320 = arith.index_cast %mul3A_318 : i32 to index
        %get3A_321 = tpu.vector_load %arg5[%get3A_319, %get3A_320] {strides = array<i32>} : memref<64x256xf32, #tpu.memory_space<vmem>>, vector<1x16xf32>,
        %get3A_322 = vector.shape_cast %get3A_321 : vector<1x16xf32> to vector<16xf32>
        %get3A_323 = arith.index_cast %scan3A_316 : i32 to index
        %get3A_324 = arith.constant 0 : index
        %get3A_325 = tpu.vector_load %arg6[%get3A_323, %get3A_324] {strides = array<i32>} : memref<64x16xf32, #tpu.memory_space<vmem>>, vector<1x16xf32>,
        %get3A_326 = vector.shape_cast %get3A_325 : vector<1x16xf32> to vector<16xf32>
        %add3A_327 = arith.addf %get3A_322, %get3A_326 : vector<16xf32>
        %abs3A_328 = math.absf %add3A_327 : vector<16xf32>
        %eq3A_329 = arith.cmpf oeq, %abs3A_328, %scan3A_46#7 : vector<16xf32>
        %lt3A_330 = arith.cmpi slt, %add3A_301, %sub3A_58 : vector<16xi32>
        %and3A_331 = arith.andi %eq3A_329, %lt3A_330 : vector<16xi1>
        %jit3A_332 = arith.constant 1 : i32
        %jit3A_333 = arith.constant 0 : i32
        %broadcast_in_dim3A_334 = vector.broadcast %jit3A_332 : i32 to vector<16xi32>
        %broadcast_in_dim3A_335 = vector.broadcast %jit3A_333 : i32 to vector<16xi32>
        %select_n3A_336 = arith.select %and3A_331, %broadcast_in_dim3A_334, %broadcast_in_dim3A_335 : vector<16xi1>, vector<16xi32>
        %add3A_337 = arith.addi %add3A_301, %select_n3A_336 : vector<16xi32>
        %gt3A_338 = arith.cmpf ogt, %abs3A_328, %scan3A_46#7 : vector<16xf32>
        %or3A_339 = arith.ori %gt3A_338, %and3A_331 : vector<16xi1>
        %add3A_340 = arith.addf %get3A_322, %get3A_322 : vector<16xf32>
        %jit3A_341 = arith.constant 0.000000e+00 : f32
        %broadcast_in_dim3A_342 = vector.broadcast %jit3A_341 : f32 to vector<16xf32>
        %select_n3A_343 = arith.select %or3A_339, %add3A_340, %broadcast_in_dim3A_342 : vector<16xi1>, vector<16xf32>
        %mul3A_344 = arith.constant 16 : i32
        %mul3A_345 = arith.muli %scan3A_39, %mul3A_344 : i32
        %swap3A_346 = arith.index_cast %scan3A_316 : i32 to index
        %swap3A_347 = arith.index_cast %mul3A_345 : i32 to index
        %swap3A_348 = tpu.vector_load %arg7[%swap3A_346, %swap3A_347] {strides = array<i32>} : memref<64x256xf32, #tpu.memory_space<vmem>>, vector<1x16xf32>,
        %swap3A_349 = vector.shape_cast %swap3A_348 : vector<1x16xf32> to vector<16xf32>
        %swap3A_350 = vector.shape_cast %select_n3A_343 : vector<16xf32> to vector<1x16xf32>
        tpu.vector_store %arg7[%swap3A_346, %swap3A_347], %swap3A_350 {strides = array<i32>} : memref<64x256xf32, #tpu.memory_space<vmem>>, vector<1x16xf32>,
        scf.yield %add3A_337 : vector<16xi32>
      }
      %scan3A_66 = arith.constant 64 : i32
      %scan3A_67 = arith.constant 0 : i32
      scf.yield %scan3A_67 : i32
    }
    %scan3A_38 = arith.constant 16 : i32
    "tpu.region"() ({
      %run_scoped3A = tpu.sem_alloc : memref<!tpu.dma_semaphore, #tpu.memory_space<semaphore_mem>>
      %dma_start3A = arith.constant 0 : i32
      %dma_start3A_39 = tpu.memref_slice %arg4[%select_n3A, %dma_start3A, %mul3A_32] : memref<16x64x512xf32, #tpu.memory_space<hbm>> -> memref<1x64x256xf32, #tpu.memory_space<hbm>>
      %dma_start3A_40 = tpu.memref_squeeze %dma_start3A_39 : memref<1x64x256xf32, #tpu.memory_space<hbm>> -> memref<64x256xf32, #tpu.memory_space<hbm>>
      %dma_start3A_41 = arith.constant 0 : i32
      %dma_start3A_42 = tpu.memref_slice %arg4[%select_n3A, %dma_start3A_41, %mul3A_32] : memref<16x64x512xf32, #tpu.memory_space<hbm>> -> memref<1x64x256xf32, #tpu.memory_space<hbm>>
      %dma_start3A_43 = tpu.memref_squeeze %dma_start3A_42 : memref<1x64x256xf32, #tpu.memory_space<hbm>> -> memref<64x256xf32, #tpu.memory_space<hbm>>
      tpu.enqueue_dma source(%arg7 : memref<64x256xf32, #tpu.memory_space<vmem>>) target(%dma_start3A_43 : memref<64x256xf32, #tpu.memory_space<hbm>>) target_semaphore(%run_scoped3A : memref<!tpu.dma_semaphore, #tpu.memory_space<semaphore_mem>>)
      %dma_wait3A = arith.constant 0 : i32
      %dma_wait3A_44 = tpu.memref_slice %arg4[%select_n3A, %dma_wait3A, %mul3A_32] : memref<16x64x512xf32, #tpu.memory_space<hbm>> -> memref<1x64x256xf32, #tpu.memory_space<hbm>>
      %dma_wait3A_45 = tpu.memref_squeeze %dma_wait3A_44 : memref<1x64x256xf32, #tpu.memory_space<hbm>> -> memref<64x256xf32, #tpu.memory_space<hbm>>
      %dma_wait3A_46 = arith.constant 0 : i32
      %dma_wait3A_47 = tpu.memref_slice %arg4[%select_n3A, %dma_wait3A_46, %mul3A_32] : memref<16x64x512xf32, #tpu.memory_space<hbm>> -> memref<1x64x256xf32, #tpu.memory_space<hbm>>
      %dma_wait3A_48 = tpu.memref_squeeze %dma_wait3A_47 : memref<1x64x256xf32, #tpu.memory_space<hbm>> -> memref<64x256xf32, #tpu.memory_space<hbm>>
      tpu.wait_dma2 semaphore(%run_scoped3A : memref<!tpu.dma_semaphore, #tpu.memory_space<semaphore_mem>>) src(%arg7 : memref<64x256xf32, #tpu.memory_space<vmem>>) dst(%dma_wait3A_48 : memref<64x256xf32, #tpu.memory_space<hbm>>)
      tpu.yield
    }) : () -> ()
    return
  }
}

module attributes {stable_mosaic.version = 14 : i64} {
  func.func @_mm1_body(%arg0: i32, %arg1: memref<512x4096xf32, #tpu.memory_space<vmem>>, %arg2: memref<64x4096xf32, #tpu.memory_space<vmem>>, %arg3: memref<1x64x512xf32, #tpu.memory_space<vmem>>) attributes {dimension_semantics = [#tpu.dimension_semantics<parallel>], iteration_bounds = array<i64: 16>, scalar_prefetch = 0 : i64, scratch_operands = 0 : i64, tpu.core_type = #tpu.core_type<tc>, window_params = [{transform_indices = @transform_0, window_bounds = array<i64: 512, 4096>}, {pipeline_mode = #tpu.pipeline_mode<synchronous>, transform_indices = @transform_1, window_bounds = array<i64: 64, 4096>}, {transform_indices = @transform_2, window_bounds = array<i64: 1, 64, 512>}]} {
    %get3A = arith.constant 0 : index
    %get3A_0 = arith.constant 0 : index
    %get3A_1 = vector.load %arg1[%get3A, %get3A_0] : memref<512x4096xf32, #tpu.memory_space<vmem>>, vector<512x4096xf32>
    %get3A_2 = arith.constant 0 : index
    %get3A_3 = arith.constant 0 : index
    %get3A_4 = vector.load %arg2[%get3A_2, %get3A_3] : memref<64x4096xf32, #tpu.memory_space<vmem>>, vector<64x4096xf32>
    %dot_general3A = arith.constant dense<0.000000e+00> : vector<512x64xf32>
    %dot_general3A_5 = tpu.matmul %get3A_1, %get3A_4, %dot_general3A {dimension_numbers = #tpu.dot_dimension_numbers<[1], [1], [0], [0], [0, 0, 1, 0], [], []>, transpose_lhs_hint = false} : vector<512x4096xf32>, vector<64x4096xf32>, vector<512x64xf32> -> vector<512x64xf32>
    %transpose3A = tpu.transpose %dot_general3A_5, [1, 0] : vector<512x64xf32> -> vector<64x512xf32>
    %swap3A = arith.constant 0 : index
    %swap3A_6 = arith.constant 0 : index
    %swap3A_7 = arith.constant 0 : index
    %swap3A_8 = vector.load %arg3[%swap3A, %swap3A_6, %swap3A_7] : memref<1x64x512xf32, #tpu.memory_space<vmem>>, vector<1x64x512xf32>
    %swap3A_9 = vector.shape_cast %swap3A_8 : vector<1x64x512xf32> to vector<64x512xf32>
    %swap3A_10 = vector.shape_cast %transpose3A : vector<64x512xf32> to vector<1x64x512xf32>
    tpu.vector_store %arg3[%swap3A, %swap3A_6, %swap3A_7], %swap3A_10 {strides = array<i32>} : memref<1x64x512xf32, #tpu.memory_space<vmem>>, vector<1x64x512xf32>,
    return
  }
  func.func @transform_0(%arg0: i32) -> (i32, i32) {
    %add3A = arith.constant 0 : i32
    %add3A_0 = arith.addi %arg0, %add3A : i32
    %c0_i32 = arith.constant 0 : i32
    %c0_i32_1 = arith.constant 0 : i32
    return %add3A_0, %c0_i32 : i32, i32
  }
  func.func @transform_1(%arg0: i32) -> (i32, i32) {
    %c0_i32 = arith.constant 0 : i32
    %c0_i32_0 = arith.constant 0 : i32
    %c0_i32_1 = arith.constant 0 : i32
    return %c0_i32, %c0_i32_0 : i32, i32
  }
  func.func @transform_2(%arg0: i32) -> (i32, i32, i32) {
    %c0_i32 = arith.constant 0 : i32
    %c0_i32_0 = arith.constant 0 : i32
    %c0_i32_1 = arith.constant 0 : i32
    return %arg0, %c0_i32, %c0_i32_0 : i32, i32, i32
  }
}

module attributes {stable_mosaic.version = 14 : i64} {
  func.func @_mm1_body(%arg0: i32, %arg1: memref<512x4096xf32, #tpu.memory_space<vmem>>, %arg2: memref<64x4096xf32, #tpu.memory_space<vmem>>, %arg3: memref<1x64x512xf32, #tpu.memory_space<vmem>>) attributes {dimension_semantics = [#tpu.dimension_semantics<parallel>], iteration_bounds = array<i64: 16>, scalar_prefetch = 0 : i64, scratch_operands = 0 : i64, tpu.core_type = #tpu.core_type<tc>, window_params = [{transform_indices = @transform_0, window_bounds = array<i64: 512, 4096>}, {pipeline_mode = #tpu.pipeline_mode<synchronous>, transform_indices = @transform_1, window_bounds = array<i64: 64, 4096>}, {transform_indices = @transform_2, window_bounds = array<i64: 1, 64, 512>}]} {
    %get3A = arith.constant 0 : index
    %get3A_0 = arith.constant 0 : index
    %get3A_1 = vector.load %arg1[%get3A, %get3A_0] : memref<512x4096xf32, #tpu.memory_space<vmem>>, vector<512x4096xf32>
    %get3A_2 = arith.constant 0 : index
    %get3A_3 = arith.constant 0 : index
    %get3A_4 = vector.load %arg2[%get3A_2, %get3A_3] : memref<64x4096xf32, #tpu.memory_space<vmem>>, vector<64x4096xf32>
    %dot_general3A = arith.constant dense<0.000000e+00> : vector<512x64xf32>
    %dot_general3A_5 = tpu.matmul %get3A_1, %get3A_4, %dot_general3A {dimension_numbers = #tpu.dot_dimension_numbers<[1], [1], [0], [0], [0, 0, 1, 0], [], []>, transpose_lhs_hint = false} : vector<512x4096xf32>, vector<64x4096xf32>, vector<512x64xf32> -> vector<512x64xf32>
    %transpose3A = tpu.transpose %dot_general3A_5, [1, 0] : vector<512x64xf32> -> vector<64x512xf32>
    %swap3A = arith.constant 0 : index
    %swap3A_6 = arith.constant 0 : index
    %swap3A_7 = arith.constant 0 : index
    %swap3A_8 = vector.load %arg3[%swap3A, %swap3A_6, %swap3A_7] : memref<1x64x512xf32, #tpu.memory_space<vmem>>, vector<1x64x512xf32>
    %swap3A_9 = vector.shape_cast %swap3A_8 : vector<1x64x512xf32> to vector<64x512xf32>
    %swap3A_10 = vector.shape_cast %transpose3A : vector<64x512xf32> to vector<1x64x512xf32>
    tpu.vector_store %arg3[%swap3A, %swap3A_6, %swap3A_7], %swap3A_10 {strides = array<i32>} : memref<1x64x512xf32, #tpu.memory_space<vmem>>, vector<1x64x512xf32>,
    return
  }
  func.func @transform_0(%arg0: i32) -> (i32, i32) {
    %add3A = arith.constant 16 : i32
    %add3A_0 = arith.addi %arg0, %add3A : i32
    %c0_i32 = arith.constant 0 : i32
    %c0_i32_1 = arith.constant 0 : i32
    return %add3A_0, %c0_i32 : i32, i32
  }
  func.func @transform_1(%arg0: i32) -> (i32, i32) {
    %c0_i32 = arith.constant 0 : i32
    %c0_i32_0 = arith.constant 0 : i32
    %c0_i32_1 = arith.constant 0 : i32
    return %c0_i32, %c0_i32_0 : i32, i32
  }
  func.func @transform_2(%arg0: i32) -> (i32, i32, i32) {
    %c0_i32 = arith.constant 0 : i32
    %c0_i32_0 = arith.constant 0 : i32
    %c0_i32_1 = arith.constant 0 : i32
    return %arg0, %c0_i32, %c0_i32_0 : i32, i32, i32
  }
}

module attributes {stable_mosaic.version = 14 : i64} {
  func.func @_mm2_body(%arg0: i32, %arg1: memref<1x64x512xf32, #tpu.memory_space<vmem>>, %arg2: memref<1x64x512xf32, #tpu.memory_space<vmem>>, %arg3: memref<4096x64xbf16, #tpu.memory_space<vmem>>, %arg4: memref<512x4096xf32, #tpu.memory_space<vmem>>) attributes {dimension_semantics = [#tpu.dimension_semantics<parallel>], iteration_bounds = array<i64: 32>, scalar_prefetch = 0 : i64, scratch_operands = 0 : i64, tpu.core_type = #tpu.core_type<tc>, window_params = [{transform_indices = @transform_0, window_bounds = array<i64: 1, 64, 512>}, {transform_indices = @transform_1, window_bounds = array<i64: 1, 64, 512>}, {pipeline_mode = #tpu.pipeline_mode<synchronous>, transform_indices = @transform_2, window_bounds = array<i64: 4096, 64>}, {transform_indices = @transform_3, window_bounds = array<i64: 512, 4096>}]} {
    %lt3A = arith.constant 16 : i32
    %lt3A_0 = arith.cmpi slt, %arg0, %lt3A : i32
    %get3A = arith.constant 0 : index
    %get3A_1 = arith.constant 0 : index
    %get3A_2 = arith.constant 0 : index
    %get3A_3 = vector.load %arg1[%get3A, %get3A_1, %get3A_2] : memref<1x64x512xf32, #tpu.memory_space<vmem>>, vector<1x64x512xf32>
    %get3A_4 = vector.shape_cast %get3A_3 : vector<1x64x512xf32> to vector<64x512xf32>
    %get3A_5 = arith.constant 0 : index
    %get3A_6 = arith.constant 0 : index
    %get3A_7 = arith.constant 0 : index
    %get3A_8 = vector.load %arg2[%get3A_5, %get3A_6, %get3A_7] : memref<1x64x512xf32, #tpu.memory_space<vmem>>, vector<1x64x512xf32>
    %get3A_9 = vector.shape_cast %get3A_8 : vector<1x64x512xf32> to vector<64x512xf32>
    %select_n3A = arith.select %lt3A_0, %get3A_4, %get3A_9 : vector<64x512xf32>
    %convert_element_type3A = arith.truncf %select_n3A : vector<64x512xf32> to vector<64x512xbf16>
    %get3A_10 = arith.constant 0 : index
    %get3A_11 = arith.constant 0 : index
    %get3A_12 = vector.load %arg3[%get3A_10, %get3A_11] : memref<4096x64xbf16, #tpu.memory_space<vmem>>, vector<4096x64xbf16>
    %dot_general3A = arith.constant dense<0.000000e+00> : vector<512x4096xf32>
    %dot_general3A_13 = tpu.matmul %convert_element_type3A, %get3A_12, %dot_general3A {dimension_numbers = #tpu.dot_dimension_numbers<[0], [1], [1], [0], [0, 1, 1, 0], [], []>, transpose_lhs_hint = false} : vector<64x512xbf16>, vector<4096x64xbf16>, vector<512x4096xf32> -> vector<512x4096xf32>
    %swap3A = arith.constant 0 : index
    %swap3A_14 = arith.constant 0 : index
    %swap3A_15 = vector.load %arg4[%swap3A, %swap3A_14] : memref<512x4096xf32, #tpu.memory_space<vmem>>, vector<512x4096xf32>
    tpu.vector_store %arg4[%swap3A, %swap3A_14], %dot_general3A_13 {strides = array<i32>} : memref<512x4096xf32, #tpu.memory_space<vmem>>, vector<512x4096xf32>,
    return
  }
  func.func @transform_0(%arg0: i32) -> (i32, i32, i32) {
    %min3A = arith.constant 15 : i32
    %min3A_0 = arith.minsi %arg0, %min3A : i32
    %c0_i32 = arith.constant 0 : i32
    %c0_i32_1 = arith.constant 0 : i32
    %c0_i32_2 = arith.constant 0 : i32
    return %min3A_0, %c0_i32, %c0_i32_1 : i32, i32, i32
  }
  func.func @transform_1(%arg0: i32) -> (i32, i32, i32) {
    %sub3A = arith.constant 16 : i32
    %sub3A_0 = arith.subi %arg0, %sub3A : i32
    %max3A = arith.constant 0 : i32
    %max3A_1 = arith.maxsi %sub3A_0, %max3A : i32
    %c0_i32 = arith.constant 0 : i32
    %c0_i32_2 = arith.constant 0 : i32
    %c0_i32_3 = arith.constant 0 : i32
    return %max3A_1, %c0_i32, %c0_i32_2 : i32, i32, i32
  }
  func.func @transform_2(%arg0: i32) -> (i32, i32) {
    %c0_i32 = arith.constant 0 : i32
    %c0_i32_0 = arith.constant 0 : i32
    %c0_i32_1 = arith.constant 0 : i32
    return %c0_i32, %c0_i32_0 : i32, i32
  }
  func.func @transform_3(%arg0: i32) -> (i32, i32) {
    %c0_i32 = arith.constant 0 : i32
    %c0_i32_0 = arith.constant 0 : i32
    return %arg0, %c0_i32 : i32, i32
  }
}

</mosaic_0001>

<sc_bundles>
// kernel: kernel.10.cloned.1.call-start
scs
__scs_entry_jumppad:
0x0: {  	(pc) =	sbr.rel $0x88, $3  }
0x1: {  	(tag) =	ssettag $0x0;
	lr =	simm.s32 $0x1  }
0x2: {  	[smem:$0x3F9D] =	sst lr;
	_ =	strace $0xD0000000  }
0x3: {  	_ = 	snop  }
0x4: {  	_ = 	snop  }
0x5: {  	_ = 	snop  }
0x6: {  	_ = 	snop  }
0x7: {  	_ = 	snop  }
__scs_overlays_trampoline_lowered:
0x8: {  	[smem:$0x3FAC] =	sst s0  }
0x9: {  	[smem:$0x3FAD] =	sst s1  }
0xa: {  	[smem:$0x3FAE] =	sst s2  }
0xb: {  	[smem:$0x3FAF] =	sst s3  }
0xc: {  	[smem:$0x3FB0] =	sst s4  }
0xd: {  	[smem:$0x3FB1] =	sst s5  }
0xe: {  	[smem:$0x3FB2] =	sst s6  }
0xf: {  	[smem:$0x3FB3] =	sst s7  }
0x10: {  	[smem:$0x3FB4] =	sst s8  }
0x11: {  	[smem:$0x3FB5] =	sst s9;
	s0 =	simm.s32 @!p0 $0x0  }
0x12: {  	s1 =	sld [smem:$0x3F9B];
	s0 =	simm.s32 @p0 $0x1  }
0x13: {  	[smem:$0x3FB6] =	sst s0;
	s0 =	simm.s32 @!p1 $0x0  }
0x14: {  	s2 =	sld [smem:$0x3F9A];
	s0 =	simm.s32 @p1 $0x1  }
0x15: {  	[smem:$0x3FB7] =	sst s0;
	s0 =	simm.s32 @!p2 $0x0  }
0x16: {  	s3 =	sld [smem:$0x3FDB];
	s0 =	simm.s32 @p2 $0x1  }
0x17: {  	s4 =	simm.s32 $0x1BF5;
	[smem:$0x3FB9] =	sst s0  }
0x18: {  	s0 =	sld [smem:$0x3F9C];
	_ =	swait.ge [sflag:s4], $0x0  }
0x19: {  	s7 =	sld [smem:$0x3F9D]  }
0x1a: {  	s8 =	sadd.s32 $0xFFFFE003, lr  }
0x1b: {  	s9 =	sadd.s32 $0xFFFFFEF7, lr;
	s5 =	simm.s32 $0xFFFFFFFF;
	p2 =	slt.u32 s8, $0xFFFFF086  }
0x1c: {  	p1 =	slt.u32 s9, $0xF7A;
	s5 =	simm.s32 @!p2 $0x0  }
0x1d: {  	s5 =	simm.s32 @p1 $0x1;
	p0 =	seq.s32 s7, s2  }
0x1e: {  	s7 =	smul.u32 @!p0 $0xF7A, s2;
	p2 =	seq.s32 @!p0 s5, $0x0  }
0x1f: {  	s9 =	smul.u32 $0xF7A, s1;
	s8 =	simm.s32 @!p0 $0x1BF5;
	p2 =	por !p2, p0  }
0x20: {  	[sflag:s8] =	ssyncset.s32 @!p0 $0xFFFFF086;
	s6 =	sadd.s32 @!p0 s3, s7;
	s7 =	simm.s32 @!p0 $0x108  }
0x21: {  	s3 =	sadd.s32 s3, s9;
	s6 =	sadd.s32 @!p0 $0x88, s6;
	s7 =	simm.s32 @p2 $0x1082  }
0x22: {  	[simem:s7], [sflag:s8] =	dma.local @!p0 [hbm:s6], $0xF7A  }
0x23: {  	s9 =	sor.u32 $0xD0000000, s2;
	s6 =	simm.s32 $0x108;
	_ =	swait.ge @!p0 [sflag:s8], $0x0  }
0x24: {  	s3 =	sadd.s32 $0x88, s3;
	s6 =	simm.s32 @!p1 $0x1082;
	[sflag:s4] =	ssyncset.s32 $0xFFFFF086  }
0x25: {  	[simem:s6], [sflag:s4] =	dma.local [hbm:s3], $0xF7A  }
0x26: {  	[smem:$0x3F9D] =	sst s1;
	(tag) =	ssettag s2;
	_ =	strace s9  }
0x27: {  	s1 =	sld [smem:$0x3FAD]  }
0x28: {  	s2 =	sld [smem:$0x3FAE]  }
0x29: {  	s4 =	sld [smem:$0x3FB0]  }
0x2a: {  	p0 =	seq.s32 s5, $0x0;
	s5 =	sld [smem:$0x3FB1]  }
0x2b: {  	s6 =	sld [smem:$0x3FB2]  }
0x2c: {  	s7 =	sld [smem:$0x3FB3]  }
0x2d: {  	s3 =	simm.s32 $0x108;
	s8 =	sld [smem:$0x3FB4]  }
0x2e: {  	s3 =	simm.s32 @!p0 $0x1082;
	s9 =	sld [smem:$0x3FB5]  }
0x2f: {  	lr =	sadd.s32 s0, s3;
	s0 =	sld [smem:$0x3FAC]  }
0x30: {  	s3 =	sld [smem:$0x3FAF]  }
0x31: {  	[smem:$0x3FB8] =	sst s10  }
0x32: {  	s10 =	sld [smem:$0x3FB6];
	_ =	sdelay $0x3  }
0x33: {  	p0 =	seq.s32 s10, $0x1;
	s10 =	sld [smem:$0x3FB8];
	_ =	sdelay $0x3  }
0x34: {  	[smem:$0x3FB8] =	sst s10  }
0x35: {  	s10 =	sld [smem:$0x3FB7];
	_ =	sdelay $0x3  }
0x36: {  	p1 =	seq.s32 s10, $0x1;
	s10 =	sld [smem:$0x3FB8];
	_ =	sdelay $0x3  }
0x37: {  	[smem:$0x3FB8] =	sst s10  }
0x38: {  	s10 =	sld [smem:$0x3FB9]  }
0x39: {  	_ = 	snop;
	(pc) =	sbr.ind lr, $3  }
0x3a: {  	_ = 	snop  }
0x3b: {  	_ = 	snop  }
0x3c: {  	p2 =	seq.s32 s10, $0x1;
	s10 =	sld [smem:$0x3FB8]  }
0x3d: {  	_ =	shalt  }
0x3e: {  	_ =	shalt  }
0x3f: {  	_ =	shalt  }
0x40: {  	_ =	shalt  }
0x41: {  	_ =	shalt  }
0x42: {  	_ =	shalt  }
0x43: {  	_ =	shalt  }
0x44: {  	_ =	shalt  }
0x45: {  	_ =	shalt  }
0x46: {  	_ =	shalt  }
0x47: {  	_ =	shalt  }
0x48: {  	_ =	shalt  }
0x49: {  	_ =	shalt  }
0x4a: {  	_ =	shalt  }
0x4b: {  	_ =	shalt  }
0x4c: {  	_ =	shalt  }
0x4d: {  	_ =	shalt  }
0x4e: {  	_ =	shalt  }
0x4f: {  	_ =	shalt  }
0x50: {  	_ =	shalt  }
0x51: {  	_ =	shalt  }
0x52: {  	_ =	shalt  }
0x53: {  	_ =	shalt  }
0x54: {  	_ =	shalt  }
0x55: {  	_ =	shalt  }
0x56: {  	_ =	shalt  }
0x57: {  	_ =	shalt  }
0x58: {  	_ =	shalt  }
0x59: {  	_ =	shalt  }
0x5a: {  	_ =	shalt  }
0x5b: {  	_ =	shalt  }
0x5c: {  	_ =	shalt  }
0x5d: {  	_ =	shalt  }
0x5e: {  	_ =	shalt  }
0x5f: {  	_ =	shalt  }
0x60: {  	_ =	shalt  }
0x61: {  	_ =	shalt  }
0x62: {  	_ =	shalt  }
0x63: {  	_ =	shalt  }
0x64: {  	_ =	shalt  }
0x65: {  	_ =	shalt  }
0x66: {  	_ =	shalt  }
0x67: {  	_ =	shalt  }
0x68: {  	_ =	shalt  }
0x69: {  	_ =	shalt  }
0x6a: {  	_ =	shalt  }
0x6b: {  	_ =	shalt  }
0x6c: {  	_ =	shalt  }
0x6d: {  	_ =	shalt  }
0x6e: {  	_ =	shalt  }
0x6f: {  	_ =	shalt  }
0x70: {  	_ =	shalt  }
0x71: {  	_ =	shalt  }
0x72: {  	_ =	shalt  }
0x73: {  	_ =	shalt  }
0x74: {  	_ =	shalt  }
0x75: {  	_ =	shalt  }
0x76: {  	_ =	shalt  }
0x77: {  	_ =	shalt  }
0x78: {  	_ =	shalt  }
0x79: {  	_ =	shalt  }
0x7a: {  	_ =	shalt  }
0x7b: {  	_ =	shalt  }
0x7c: {  	_ =	shalt  }
0x7d: {  	_ =	shalt  }
0x7e: {  	_ =	shalt  }
0x7f: {  	_ =	shalt  }
0x80: {  	_ =	shalt  }
0x81: {  	_ =	shalt  }
0x82: {  	_ =	shalt  }
0x83: {  	_ =	shalt  }
0x84: {  	_ =	shalt  }
0x85: {  	_ =	shalt  }
0x86: {  	_ =	shalt  }
0x87: {  	_ =	shalt  }
.Lfunc_end0:
.L_simem_size_0:
called_computation.1_lowered:
.L_overlay_start_0:
0x88: {  	s2 =	sld [smem:$0x3FD9]  }
0x89: {  	s3 =	sld [smem:$0x3FFE];
	_ =	sdelay $0x1  }
0x8a: {  	s1 =	srdreg.scid  }
0x8b: {  	s0 =	sand.u32 $0x1, s1  }
0x8c: {  	s17 =	sshll.u32 s0, $0xA;
	s2 =	sadd.s32 s3, s2  }
0x8d: {  	s2 =	sadd.s32 s2, s17  }
0x8e: {  	[smem:$0x3FC4] =	sst s2  }
0x8f: {  	_ = 	snop  }
0x90: {  	(tm) =	ssettm $0x1  }
0x91: {  	s18 =	sld [smem:$0x3FFB];
	_ =	sdelay $0x3  }
0x92: {  	_ =	strace s18  }
0x93: {  	s2 =	sld [smem:$0x3FFC];
	_ =	sdelay $0x3  }
0x94: {  	_ =	strace s2  }
0x95: {  	s2 =	sld [smem:$0x3FFD];
	_ =	sdelay $0x3  }
0x96: {  	_ =	strace s2  }
0x97: {  	_ =	strace $0x8FFFFFFF  }
0x98: {  	s19 =	sld [smem:$0x3FDB];
	_ =	sdelay $0x1  }
0x99: {  	s20 =	simm.s32 $_scs_section_size  }
0x9a: {  	s4 =	simm.s32 $_size__tile_overlayer_lowered;
	s5 =	simm.s32 $_tile_overlayer_lowered  }
0x9b: {  	s6 =	simm.s32 $0x1BFF;
	s21 =	sshll.u32 s5, $0x1;
	s3 =	sadd.s32 s20, s19  }
0x9c: {  	s22 =	simm.s32 $0x0;
	s4 =	sshll.u32 s4, $0x1;
	s5 =	sadd.s32 s21, s3  }
0x9d: {  	[timem:s22], [sflag:s6] =	dma.local [hbm:s5], s4  }
0x9e: {  	_ =	swait.ge [sflag:s6], s4  }
0x9f: {  	s4 =	ssub.s32 $0x0, s4;
	[sflag:s6] =	ssyncset.done $0x0  }
0xa0: {  	[sflag:s6] =	ssyncadd.s32 s4;
	_ =	sdelay $0x1  }
0xa1: {  	s23 =	simm.s32 $0x1B8B  }
0xa2: {  	_ =	swait.ge [sflag:s23], $0x1  }
0xa3: {  	[sflag:s23] =	ssyncset.done $0x0  }
0xa4: {  	[sflag:s23] =	ssyncadd.s32 $0xFFFFFFFF  }
0xa5: {  	s4 =	sld [smem:$0x0]  }
0xa6: {  	s5 =	sand.u32 $0xFFFFFFFE, s1  }
0xa7: {  	p0 =	sne.s32 s1, s5  }
0xa8: {  	s5 =	sshll.u32 @p0 s5, $0xE  }
0xa9: {  	s5 =	sadd.s32 @p0 $0x11B8D, s5;
	s6 =	sshll.u32 @p0 s4, $0x11  }
0xaa: {  	s5 =	sor.u32 @p0 s6, s5  }
0xab: {  	[sflag:s5] =	ssyncadd.remote.s32 @p0 $0x1;
	_ =	sdelay $0x1  }
0xac: {  	s5 =	simm.s32 @p0 $0x1B8D  }
0xad: {  	_ =	swait.eq @p0 [sflag:s5], $0x1  }
0xae: {  	[sflag:s5] =	ssyncadd.s32 @p0 $0xFFFFFFFF  }
0xaf: {  	s6 =	sshll.u32 @!p0 s1, $0xE  }
0xb0: {  	s6 =	sor.u32 @!p0 $0x4000, s6;
	s5 =	simm.s32 @!p0 $0x1B8D  }
0xb1: {  	s4 =	sshll.u32 @!p0 s4, $0x11;
	s6 =	sadd.s32 @!p0 $0x11B8D, s6;
	_ =	swait.eq @!p0 [sflag:s5], $0x1  }
0xb2: {  	s4 =	sor.u32 @!p0 s4, s6;
	[sflag:s5] =	ssyncadd.s32 @!p0 $0xFFFFFFFF  }
0xb3: {  	s25 =	simm.s32 $0x1B8E;
	s24 =	sld [smem:$0x3FFE];
	[sflag:s4] =	ssyncadd.remote.s32 @!p0 $0x1  }
0xb4: {  	s26 =	simm.s32 $execute0_lowered;
	[smem:$0x3FD2] =	sst s25  }
0xb5: {  	s5 =	sshll.u32 s26, $0x1;
	_ =	strace $0x80000049;
	[dreg:$0x1] =	wrdreg $0xFFFFFFFF  }
0xb6: {  	s28 =	simm.s32 $_size_execute0_lowered;
	s3 =	sadd.s32 s3, s5;
	[dreg:$0x0] =	wrdreg $0x0  }
0xb7: {  	s5 =	sshll.u32 s28, $0x1;
	[dreg:$0x2] =	wrdreg s3  }
0xb8: {  	[dreg:$0x3] =	wrdreg s5  }
0xb9: {  	[dreg:$0x4] =	wrdreg $0xC0  }
0xba: {  	_ =	task [dreg:s22], $0x5FFFF  }
0xbb: {  	[dreg:$0x1] =	wrdreg $0xFFFFFFFF  }
0xbc: {  	[dreg:$0x0] =	wrdreg $0x60  }
0xbd: {  	[dreg:$0x2] =	wrdreg s24  }
0xbe: {  	[dreg:$0x3] =	wrdreg $0xA  }
0xbf: {  	_ =	task.clear_ibuf [dreg:s22], $0x4FFFF;
	_ =	strace $0x90000049  }
0xc0: {  	s29 =	simm.s32 $0xA;
	_ =	strace $0x8000004B  }
0xc1: {  	_ =	swait.ge [sflag:s29], $0x1  }
0xc2: {  	[sflag:s29] =	ssyncadd.s32 $0xFFFFFFFF  }
0xc3: {  	_ =	strace $0x9000004B  }
0xc4: {  	_ =	sfence  }
0xc5: {  	s30 =	sld [smem:$0x0];
	_ =	sdelay $0x2  }
0xc6: {  	s31 =	sshll.u32 s1, $0xD;
	s1 =	sshrl.u32 s1, $0x2  }
0xc7: {  	s4 =	sand.u32 $0x4000, s31;
	s1 =	sadd.s32 s1, s30  }
0xc8: {  	s0 =	sor.u32 s4, s0;
	s1 =	sshll.u32 s1, $0x11  }
0xc9: {  	s0 =	sor.u32 s1, s0  }
0xca: {  	s0 =	sadd.s32 $0x8F2B, s0  }
0xcb: {  	[sflag:s0] =	ssyncadd.remote.s32 $0x1  }
0xcc: {  	_ =	sfence.sel $0xFFFF  }
0xcd: {  	[dreg:$0x0] =	wrdreg $0xFFFFFFFF;
	(pc) =	sbr.abs _section_cstart, $3  }
0xce: {  	[dreg:$0x1] =	wrdreg $0xFFFFFFFF  }
0xcf: {  	_ =	task.clear_ibuf [dreg:s22], $0x2FFFF;
	_ =	strace $0x9FFFFFFF  }
0xd0: {  	(tm) =	ssettm $0x7FFFFFFF  }
0xd1: {  	_ =	shalt  }
tec
execute0_lowered:
.L_overlay_start_1:
0x0: {  	(tag) =	ssettag $0x1  }
0x1: {  	s1 =	srdreg.scid  }
0x2: {  	s0 =	stileid.u32;
	s4 =	sand.u32 $0x1, s1  }
0x3: {  	s1 =	sor.u32 s4, s0  }
0x4: {  	s3 =	simm.s32 $0x1;
	p1 =	seq.s32 s4, $0x1;
	p0 =	seq.s32 s1, $0x0  }
0x5: {  	s5 =	rddreg [dreg:$0x0];
	s2 =	simm.s32 $0x0;
	p0 =	por !p0, !p1  }
0x6: {  	s8 =	simm.s32 $0x800;
	s9 =	simm.s32 $0x1000;
	p0 =	por !p0, !p0  }
0x7: {  	s10 =	simm.s32 $0x4000;
	s11 =	simm.s32 $0x6000;
	s3 =	simm.s32 @!p0 $0x0  }
0x8: {  	s12 =	simm.s32 $0x0;
	[smem:$0x7FF] =	sst s2;
	s3 =	ssub.s32 s0, s3  }
0x9: {  	s6 =	sshll.u32 s4, $0xB;
	s7 =	ssub.s32 $0x2, s4;
	s3 =	sshll.u32 s3, $0xF  }
0xa: {  	s4 =	simm.s32 $0x1;
	s31 =	sshrl.u32 s7, $0x1;
	s6 =	sor.u32 s6, s3  }
0xb: {  	s1 =	rddreg [dreg:$0x1];
	s7 =	ssub.s32 s7, s31;
	s6 =	sshrl.u32 s6, $0x3  }
0xc: {  	_ =	strace $0x8000004A;
	s7 =	smax.u32 s7, $0x1;
	s6 =	sadd.s32 s6, s5  }
0xd: {  	v0 =	vimm.s32 $0x0;
	s3 =	sadd.s32 $0x1600, s5;
	s5 =	sadd.s32 $0x11A00, s6;
	s6 =	sadd.s32 $0x21A00, s6  }
.LBB2_1:
0xe: {  	[tilespmem:s2], [sflag:$0x1] =	stream.strided.gather [hbm4b:s5+s8], $0x4000, s9, s8, $0x38;
	[tilespmem:$0xA000] =	vst v63  }
0xf: {  	_ =	swait.ge [sflag:s4], $0x4000  }
0x10: {  	[sflag:s4] =	ssyncset.done $0x0  }
0x11: {  	[sflag:s4] =	ssyncadd.s32 $0xFFFFC000  }
0x12: {  	[tilespmem:s10], [sflag:$0x1] =	stream.linear.gather [hbm4b:s3+s2], $0x2000, $0x38;
	[tilespmem:$0xA000] =	vst v63  }
0x13: {  	_ =	swait.ge [sflag:s4], $0x2000  }
0x14: {  	s13 =	simm.s32 $0x0;
	s14 =	simm.s32 $0x0;
	[sflag:s4] =	ssyncset.done $0x0  }
0x15: {  	s15 =	simm.s32 $0x0;
	s16 =	simm.s32 $0x0;
	[sflag:s4] =	ssyncadd.s32 $0xFFFFE000  }
.LBB2_2:
0x16: {  	s22 =	simm.s32 $0x4200  }
0x17: {  	s17 =	sshll.u32 s15, $0x2;
	s18 =	sand.u32 $0x7, s14;
	v2 =	vld [tilespmem:s22+$0x180]  }
0x18: {  	s17 =	sand.u32 $0xFFFFF000, s17;
	s18 =	sshll.u32 s18, $0x6;
	v4 =	vld [tilespmem:s22+$0xFFFFFF00]  }
0x19: {  	v5 =	vld [tilespmem:s22+$0xFFFFFE00];
	s17 =	sor.u32 s18, s17  }
0x1a: {  	v6 =	vld [tilespmem:s22+$0xFFFFFE80];
	s18 =	sshrl.u32 s17, $0x2  }
0x1b: {  	v9 =	vld [tilespmem:s22+$0xFFFFFF80];
	s17 =	sor.u32 $0x200, s18  }
0x1c: {  	v1 =	vld [tilespmem:s17+$0x180]  }
0x1d: {  	v3 =	vld [tilespmem:s17+$0xFFFFFE00]  }
0x1e: {  	v7 =	vld [tilespmem:s17+$0xFFFFFE80]  }
0x1f: {  	v8 =	vld [tilespmem:s17+$0xFFFFFF00]  }
0x20: {  	v10 =	vld [tilespmem:s17+$0xFFFFFF80];
	_ =	sdelay $0x2  }
0x21: {  	v5 =	vadd.f32 v5, v3;
	v1 =	vadd.f32 v2, v1  }
0x22: {  	v3 =	vimm.f32 $-Inf;
	v2 =	vadd.f32 v6, v7;
	v6 =	vld [tilespmem:s17+$0x0];
	v4 =	vadd.f32 v4, v8  }
0x23: {  	v8 =	vld [tilespmem:s22+$0x0];
	v9 =	vadd.f32 v9, v10;
	v5 =	vand.u32 $0x7FFFFFFF, v5;
	v1 =	vand.u32 $0x7FFFFFFF, v1  }
0x24: {  	v2 =	vand.u32 $0x7FFFFFFF, v2;
	v4 =	vand.u32 $0x7FFFFFFF, v4;
	v7 =	vmin.f32 v3, v5  }
0x25: {  	v9 =	vand.u32 $0x7FFFFFFF, v9;
	v5 =	vmax.f32 v3, v5;
	v11 =	vmax.f32 v3, v7  }
0x26: {  	v12 =	vmax.f32 v5, v2;
	v2 =	vmin.f32 v5, v2;
	v7 =	vmin.f32 v3, v7  }
0x27: {  	v5 =	vmax.f32 v11, v2;
	v2 =	vmin.f32 v11, v2;
	v10 =	vmin.f32 v12, v4  }
0x28: {  	v4 =	vmax.f32 v12, v4;
	v11 =	vmax.f32 v3, v7;
	v6 =	vadd.f32 v8, v6  }
0x29: {  	v17 =	vld [tilespmem:s22+$0x80];
	v13 =	vmin.f32 v3, v7;
	v12 =	vmax.f32 v5, v10;
	v5 =	vmin.f32 v5, v10  }
0x2a: {  	v14 =	vld [tilespmem:s17+$0x80];
	v8 =	vmin.f32 v4, v9;
	v4 =	vmax.f32 v4, v9;
	v10 =	vmax.f32 v11, v2  }
0x2b: {  	v20 =	vld [tilespmem:s17+$0x100];
	v19 =	vmax.f32 v12, v8;
	v7 =	vand.u32 $0x7FFFFFFF, v6;
	v6 =	vmin.f32 v11, v2  }
0x2c: {  	v2 =	vld [tilespmem:s22+$0x100];
	v11 =	vmin.f32 v3, v13;
	v9 =	vmax.f32 v10, v5;
	v16 =	vmin.f32 v12, v8  }
0x2d: {  	v10 =	vmin.f32 v10, v5;
	v5 =	vimm.f32 $-Inf;
	v8 =	vmax.f32 v4, v7  }
0x2e: {  	v18 =	vmin.f32 v3, v11;
	v12 =	vmax.f32 v9, v16;
	v4 =	vmin.f32 v4, v7  }
0x2f: {  	s19 =	sand.u32 $0xFFFFFC00, s15;
	s20 =	sshll.u32 s16, $0x4;
	v9 =	vmin.f32 v9, v16;
	v11 =	vmax.f32 v3, v11;
	v15 =	vmin.f32 v3, v18  }
0x30: {  	s21 =	sshll.u32 s16, $0x7;
	s23 =	simm.s32 $0x0;
	s25 =	simm.s32 $0x4200;
	v16 =	vmin.f32 v19, v4;
	v7 =	vmax.f32 v3, v18;
	v18 =	vadd.f32 v17, v14  }
0x31: {  	s19 =	sadd.s32 s19, s13;
	s18 =	sadd.s32 $0x6200, s18;
	s24 =	smov.u32 s17;
	v14 =	vmax.f32 v19, v4;
	v4 =	vimm.f32 $-Inf;
	v17 =	vadd.f32 v2, v20  }
.LBB2_3:
0x32: {  	s23 =	sadd.s32 $0x8, s23;
	v2 =	vmax.f32 v3, v13;
	v3 =	vmin.f32 v12, v16;
	v13 =	vand.u32 $0x7FFFFFFF, v18;
	s24 =	sadd.s32 $0x800, s24;
	s25 =	sadd.s32 $0x400, s25  }
0x33: {  	v19 =	vmin.f32 v4, v15;
	v18 =	vld [tilespmem:s24+$0x180];
	p0 =	slt.u32 s23, $0x38;
	v20 =	vmax.f32 v2, v6;
	v21 =	vmin.f32 v8, v13  }
0x34: {  	v5 =	vmax.f32 v5, v19;
	v22 =	vld [tilespmem:s25+$0x180];
	v19 =	vmax.f32 v20, v10;
	v23 =	vmin.f32 v14, v21  }
0x35: {  	v4 =	vmax.f32 v4, v15;
	v12 =	vmax.f32 v12, v16;
	v15 =	vmax.f32 v19, v9  }
0x36: {  	v8 =	vmax.f32 v8, v13;
	v16 =	vand.u32 $0x7FFFFFFF, v17;
	v13 =	vmax.f32 v12, v23  }
0x37: {  	v2 =	vmin.f32 v2, v6;
	v6 =	vmin.f32 v19, v9;
	v9 =	vmin.f32 v8, v16  }
0x38: {  	v17 =	vmax.f32 v11, v2;
	v10 =	vmin.f32 v20, v10;
	v14 =	vmax.f32 v14, v21  }
0x39: {  	v2 =	vmin.f32 v11, v2;
	v11 =	vmax.f32 v17, v10;
	v8 =	vmax.f32 v8, v16  }
0x3a: {  	v16 =	vmax.f32 v7, v2;
	v2 =	vmin.f32 v7, v2;
	v7 =	vmax.f32 v14, v9  }
0x3b: {  	v19 =	vmin.f32 v4, v2;
	v20 =	vmax.f32 v11, v6;
	v21 =	vmin.f32 v8, v1  }
0x3c: {  	v2 =	vmax.f32 v4, v2;
	v4 =	vmax.f32 v5, v19;
	v5 =	vmin.f32 v17, v10  }
0x3d: {  	v10 =	vmax.f32 v16, v5;
	v5 =	vmin.f32 v16, v5;
	v16 =	vmin.f32 v7, v21  }
0x3e: {  	v9 =	vmin.f32 v14, v9;
	v19 =	vmin.f32 v15, v3;
	v17 =	vmin.f32 v2, v5  }
0x3f: {  	v6 =	vmin.f32 v11, v6;
	v11 =	vmin.f32 v12, v23;
	v3 =	vmax.f32 v15, v3  }
0x40: {  	v12 =	vmax.f32 v13, v9;
	v2 =	vmax.f32 v2, v5;
	v5 =	vmax.f32 v3, v11  }
0x41: {  	v9 =	vmin.f32 v13, v9;
	v13 =	vmin.f32 v12, v16;
	v4 =	vmax.f32 v4, v17  }
0x42: {  	v15 =	vmax.f32 v20, v19;
	v14 =	vmax.f32 v10, v6;
	v17 =	vmax.f32 v5, v9  }
0x43: {  	v19 =	vmin.f32 v20, v19;
	v3 =	vmin.f32 v3, v11;
	v11 =	vmin.f32 v17, v13  }
0x44: {  	v20 =	vmax.f32 v14, v19;
	v23 =	vmax.f32 v15, v3;
	v15 =	vmin.f32 v15, v3  }
0x45: {  	v5 =	vmin.f32 v5, v9;
	v24 =	vmax.f32 v20, v15;
	v3 =	vmax.f32 v17, v13  }
0x46: {  	v12 =	vmax.f32 v12, v16;
	v9 =	vmax.f32 v23, v5;
	v5 =	vmin.f32 v23, v5  }
0x47: {  	v6 =	vmin.f32 v10, v6;
	v10 =	vmin.f32 v20, v15;
	v13 =	vmin.f32 v9, v11  }
0x48: {  	v15 =	vmax.f32 v2, v6;
	v2 =	vmin.f32 v2, v6;
	v6 =	vmin.f32 v14, v19  }
0x49: {  	v2 =	vmax.f32 v4, v2;
	v4 =	vmax.f32 v15, v6;
	v6 =	vmin.f32 v15, v6  }
0x4a: {  	v14 =	vmin.f32 v24, v5;
	v2 =	vmax.f32 v2, v6;
	v6 =	vmax.f32 v4, v10  }
0x4b: {  	v5 =	vmax.f32 v24, v5;
	v11 =	vmax.f32 v9, v11;
	v15 =	vmax.f32 v6, v14  }
0x4c: {  	v4 =	vmin.f32 v4, v10;
	v9 =	vmin.f32 v5, v13;
	v6 =	vmin.f32 v6, v14  }
0x4d: {  	v2 =	vmax.f32 v2, v4;
	v4 =	vmax.f32 v15, v9;
	v9 =	vmin.f32 v15, v9;
	v10 =	vld [tilespmem:s25+$0xFFFFFF00]  }
0x4e: {  	v2 =	vmax.f32 v2, v6;
	v6 =	vmax.f32 v7, v21;
	v7 =	vmax.f32 v5, v13;
	v14 =	vld [tilespmem:s25+$0xFFFFFE80]  }
0x4f: {  	v8 =	vmax.f32 v8, v1;
	v15 =	vadd.f32 v22, v18;
	v5 =	vmax.f32 v2, v9;
	v13 =	vld [tilespmem:s24+$0xFFFFFE00]  }
0x50: {  	v1 =	vld [tilespmem:s25+$0xFFFFFE00]  }
0x51: {  	v2 =	vld [tilespmem:s24+$0xFFFFFE80]  }
0x52: {  	v9 =	vld [tilespmem:s24+$0xFFFFFF00]  }
0x53: {  	v16 =	vld [tilespmem:s25+$0xFFFFFF80]  }
0x54: {  	v17 =	vld [tilespmem:s24+$0xFFFFFF80]  }
0x55: {  	v1 =	vadd.f32 v1, v13  }
0x56: {  	v2 =	vadd.f32 v14, v2;
	v13 =	vld [tilespmem:s24+$0x0]  }
0x57: {  	v14 =	vand.u32 $0x7FFFFFFF, v1;
	v9 =	vadd.f32 v10, v9;
	v1 =	vand.u32 $0x7FFFFFFF, v15  }
0x58: {  	v10 =	vmax.f32 v8, v14;
	v8 =	vmin.f32 v8, v14;
	v2 =	vand.u32 $0x7FFFFFFF, v2;
	v14 =	vld [tilespmem:s25+$0x0]  }
0x59: {  	v15 =	vmax.f32 v6, v8;
	v18 =	vmax.f32 v10, v2;
	v16 =	vadd.f32 v16, v17  }
0x5a: {  	v10 =	vmin.f32 v10, v2;
	v9 =	vand.u32 $0x7FFFFFFF, v9;
	v2 =	vimm.s32 $0x0  }
0x5b: {  	v17 =	vmax.f32 v15, v10;
	v10 =	vmin.f32 v15, v10;
	v15 =	vand.u32 $0x7FFFFFFF, v16  }
0x5c: {  	v6 =	vmin.f32 v6, v8;
	v8 =	vmax.f32 v18, v9;
	v9 =	vmin.f32 v18, v9  }
0x5d: {  	v16 =	vmax.f32 v12, v6;
	v18 =	vmax.f32 v17, v9;
	v14 =	vadd.f32 v14, v13;
	v19 =	vld [tilespmem:s24+$0x80]  }
0x5e: {  	v17 =	vmin.f32 v17, v9;
	v9 =	vmax.f32 v8, v15;
	v15 =	vmin.f32 v8, v15;
	v20 =	vld [tilespmem:s25+$0x80]  }
0x5f: {  	v13 =	vmin.f32 v12, v6;
	v21 =	vmax.f32 v18, v15;
	v14 =	vand.u32 $0x7FFFFFFF, v14;
	v22 =	vld [tilespmem:s24+$0x100]  }
0x60: {  	v23 =	vmax.f32 v16, v10;
	v6 =	vmin.f32 v16, v10;
	v8 =	vmax.f32 v9, v14;
	v24 =	vld [tilespmem:s25+$0x100]  }
.Ltmp0:
0x61: {  	v10 =	vmax.f32 v23, v17;
	v16 =	vmin.f32 v18, v15;
	v25 =	vmin.f32 v3, v13;
	(pc) =	sbr.rel @p0 .LBB2_3-.Ltmp0, $4  }
0x62: {  	v12 =	vmax.f32 v10, v16;
	v18 =	vmin.f32 v11, v25;
	v14 =	vmin.f32 v9, v14  }
0x63: {  	v15 =	vmin.f32 v7, v18;
	v9 =	vmin.f32 v10, v16;
	v16 =	vmin.f32 v21, v14  }
0x64: {  	v7 =	vmax.f32 v7, v18;
	v10 =	vmin.f32 v23, v17;
	v18 =	vadd.f32 v20, v19  }
0x65: {  	v11 =	vmax.f32 v11, v25;
	v14 =	vmax.f32 v21, v14;
	v17 =	vadd.f32 v24, v22  }
0x66: {  	v3 =	vmax.f32 v3, v13  }
0x67: {  	v13 =	vmin.f32 v12, v16;
	v18 =	vand.u32 $0x7FFFFFFF, v18;
	v19 =	vmin.f32 v4, v15  }
0x68: {  	v4 =	vmax.f32 v4, v15;
	v12 =	vmax.f32 v12, v16;
	v20 =	vmax.f32 v3, v6  }
0x69: {  	v21 =	vmin.f32 v8, v18;
	v5 =	vmax.f32 v5, v19;
	v8 =	vmax.f32 v8, v18  }
0x6a: {  	v17 =	vand.u32 $0x7FFFFFFF, v17;
	v3 =	vmin.f32 v3, v6;
	v19 =	vmax.f32 v20, v10  }
0x6b: {  	v22 =	vmin.f32 v14, v21;
	v18 =	vmax.f32 v11, v3;
	v10 =	vmin.f32 v20, v10  }
0x6c: {  	v14 =	vmax.f32 v14, v21;
	v3 =	vmin.f32 v11, v3;
	v15 =	vmax.f32 v19, v9  }
0x6d: {  	v16 =	vmax.f32 v12, v22;
	v6 =	vmin.f32 v19, v9;
	v9 =	vmin.f32 v8, v17  }
0x6e: {  	v11 =	vmax.f32 v18, v10;
	v8 =	vmax.f32 v8, v17;
	v17 =	vmin.f32 v7, v3  }
0x6f: {  	v3 =	vmax.f32 v7, v3;
	v12 =	vmin.f32 v12, v22;
	v7 =	vmax.f32 v14, v9  }
0x70: {  	v19 =	vmin.f32 v4, v17;
	v20 =	vmax.f32 v11, v6;
	v1 =	vmin.f32 v8, v1  }
0x71: {  	v8 =	vmin.f32 v18, v10;
	v4 =	vmax.f32 v4, v17;
	v9 =	vmin.f32 v14, v9  }
0x72: {  	v11 =	vmin.f32 v11, v6;
	v5 =	vmax.f32 v5, v19;
	v10 =	vmin.f32 v3, v8  }
0x73: {  	v17 =	vmax.f32 v3, v8;
	v1 =	vmin.f32 v7, v1;
	v8 =	vmin.f32 v15, v13;
	v3 =	vld [tilespmem:s17+$0x180]  }
0x74: {  	v6 =	vmax.f32 v16, v9;
	v7 =	vmin.f32 v4, v10;
	v14 =	vmax.f32 v4, v10;
	v4 =	vld [tilespmem:s22+$0x180]  }
0x75: {  	v13 =	vmax.f32 v15, v13;
	v9 =	vmin.f32 v16, v9;
	v1 =	vmin.f32 v6, v1;
	v6 =	vld [tilespmem:s22+$0x100]  }
0x76: {  	v10 =	vmax.f32 v13, v12;
	v18 =	vmax.f32 v20, v8;
	v20 =	vmin.f32 v20, v8;
	v8 =	vld [tilespmem:s22+$0x80]  }
0x77: {  	v16 =	vmax.f32 v17, v11;
	v12 =	vmin.f32 v13, v12;
	v17 =	vmin.f32 v17, v11;
	v11 =	vld [tilespmem:s17+$0xFFFFFF80]  }
0x78: {  	v15 =	vmax.f32 v5, v7;
	v5 =	vld [tilespmem:s17+$0x100];
	v19 =	vmax.f32 v10, v9;
	v13 =	vmax.f32 v16, v20  }
0x79: {  	v7 =	vld [tilespmem:s17+$0x80];
	v1 =	vmin.f32 v19, v1;
	v19 =	vmax.f32 v18, v12;
	v12 =	vmin.f32 v18, v12  }
0x7a: {  	v10 =	vmin.f32 v10, v9;
	v9 =	vld [tilespmem:s17+$0x0];
	v16 =	vmin.f32 v16, v20;
	v18 =	vmax.f32 v13, v12  }
0x7b: {  	v61 =	vmax.f32 v19, v10;
	v19 =	vmin.f32 v19, v10;
	v10 =	vld [tilespmem:s22+$0x0];
	v62 =	vmin.f32 v13, v12  }
0x7c: {  	v13 =	vmax.f32 v14, v17;
	v14 =	vmin.f32 v14, v17;
	v12 =	vld [tilespmem:s22+$0xFFFFFF80];
	v1 =	vmin.f32 v61, v1  }
0x7d: {  	v14 =	vmax.f32 v15, v14;
	v15 =	vmax.f32 v13, v16;
	v16 =	vmin.f32 v13, v16;
	v13 =	vld [tilespmem:s17+$0xFFFFFF00]  }
0x7e: {  	v20 =	vmin.f32 v18, v19;
	v18 =	vmax.f32 v18, v19;
	v16 =	vmax.f32 v14, v16;
	v14 =	vld [tilespmem:s22+$0xFFFFFF00]  }
0x7f: {  	v17 =	vmax.f32 v15, v62;
	v63 =	vmin.f32 v15, v62;
	v15 =	vld [tilespmem:s17+$0xFFFFFE80];
	v1 =	vmin.f32 v18, v1  }
0x80: {  	v19 =	vmax.f32 v17, v20;
	v17 =	vmin.f32 v17, v20;
	v18 =	vmax.f32 v16, v63;
	v16 =	vld [tilespmem:s17+$0xFFFFFE00]  }
0x81: {  	v1 =	vmin.f32 v19, v1;
	v18 =	vmax.f32 v18, v17;
	v17 =	vld [tilespmem:s22+$0xFFFFFE00]  }
0x82: {  	s23 =	simm.s32 $0x0;
	s24 =	sadd.s32 $0x800, s17;
	v1 =	vmax.f32 v18, v1;
	v18 =	vld [tilespmem:s22+$0xFFFFFE80]  }
.LBB2_5:
0x83: {  	v19 =	vadd.f32 v4, v3;
	v3 =	vld [tilespmem:s24+$0x180];
	s22 =	sadd.s32 $0x400, s22  }
0x84: {  	v20 =	vadd.f32 v8, v7;
	v8 =	vadd.f32 v6, v5;
	v4 =	vld [tilespmem:s22+$0x180]  }
0x85: {  	v11 =	vadd.f32 v12, v11;
	v9 =	vadd.f32 v10, v9;
	v5 =	vld [tilespmem:s24+$0x100]  }
0x86: {  	v12 =	vadd.f32 v14, v13;
	v6 =	vld [tilespmem:s22+$0x100];
	v10 =	vadd.f32 v17, v16  }
0x87: {  	v16 =	vand.u32 $0x7FFFFFFF, v8;
	v17 =	vand.u32 $0x7FFFFFFF, v19;
	v7 =	vld [tilespmem:s24+$0x80];
	v13 =	vadd.f32 v18, v15  }
0x88: {  	v14 =	vand.u32 $0x7FFFFFFF, v9;
	v15 =	vand.u32 $0x7FFFFFFF, v20;
	v8 =	vld [tilespmem:s22+$0x80];
	v10 =	vand.u32 $0x7FFFFFFF, v10  }
0x89: {  	v18 =	vand.u32 $0x7FFFFFFF, v11;
	v9 =	vld [tilespmem:s24+$0x0];
	vm0 =	vgt.f32 v10, v1;
	v13 =	vand.u32 $0x7FFFFFFF, v13  }
0x8a: {  	v12 =	vand.u32 $0x7FFFFFFF, v12;
	v10 =	vld [tilespmem:s22+$0x0];
	v19 =	vsel vm0, $0x1, v0;
	vm0 =	vgt.f32 v13, v1  }
0x8b: {  	v11 =	vld [tilespmem:s24+$0xFFFFFF80];
	v2 =	vadd.s32 v19, v2;
	v13 =	vsel vm0, $0x1, v0;
	vm0 =	vgt.f32 v12, v1  }
0x8c: {  	s23 =	sadd.s32 $0x8, s23;
	v12 =	vld [tilespmem:s22+$0xFFFFFF80];
	v2 =	vadd.s32 v13, v2;
	v19 =	vsel vm0, $0x1, v0;
	vm0 =	vgt.f32 v18, v1  }
0x8d: {  	p0 =	slt.u32 s23, $0x38;
	v13 =	vld [tilespmem:s24+$0xFFFFFF00];
	v2 =	vadd.s32 v19, v2;
	v18 =	vsel vm0, $0x1, v0;
	vm0 =	vgt.f32 v14, v1  }
.Ltmp1:
0x8e: {  	v14 =	vld [tilespmem:s22+$0xFFFFFF00];
	v2 =	vadd.s32 v18, v2;
	v18 =	vsel vm0, $0x1, v0;
	vm0 =	vgt.f32 v15, v1;
	(pc) =	sbr.rel @p0 .LBB2_5-.Ltmp1, $4  }
0x8f: {  	v15 =	vld [tilespmem:s24+$0xFFFFFE80];
	v2 =	vadd.s32 v18, v2;
	v18 =	vsel vm0, $0x1, v0;
	vm0 =	vgt.f32 v16, v1  }
0x90: {  	v16 =	vld [tilespmem:s24+$0xFFFFFE00];
	v2 =	vadd.s32 v18, v2;
	v18 =	vsel vm0, $0x1, v0;
	vm0 =	vgt.f32 v17, v1  }
0x91: {  	v17 =	vld [tilespmem:s22+$0xFFFFFE00];
	v2 =	vadd.s32 v18, v2;
	v19 =	vsel vm0, $0x1, v0  }
0x92: {  	s24 =	sadd.s32 $0x800, s24;
	v18 =	vld [tilespmem:s22+$0xFFFFFE80];
	v2 =	vadd.s32 v19, v2  }
0x93: {  	v3 =	vadd.f32 v4, v3  }
0x94: {  	v4 =	vadd.f32 v8, v7;
	v5 =	vadd.f32 v6, v5  }
0x95: {  	v6 =	vadd.f32 v12, v11;
	v7 =	vadd.f32 v10, v9  }
0x96: {  	v58 =	vadd.f32 v14, v13;
	v8 =	vadd.f32 v17, v16  }
0x97: {  	v5 =	vand.u32 $0x7FFFFFFF, v5;
	v3 =	vand.u32 $0x7FFFFFFF, v3;
	v59 =	vadd.f32 v18, v15  }
0x98: {  	v7 =	vand.u32 $0x7FFFFFFF, v7;
	v4 =	vand.u32 $0x7FFFFFFF, v4;
	v8 =	vand.u32 $0x7FFFFFFF, v8  }
0x99: {  	v6 =	vand.u32 $0x7FFFFFFF, v6;
	vm0 =	vgt.f32 v8, v1;
	v8 =	vand.u32 $0x7FFFFFFF, v59  }
0x9a: {  	v60 =	vsel vm0, $0x1, v0;
	vm0 =	vgt.f32 v8, v1;
	v8 =	vand.u32 $0x7FFFFFFF, v58  }
0x9b: {  	s22 =	simm.s32 $0x4200;
	v2 =	vadd.s32 v60, v2;
	v61 =	vsel vm0, $0x1, v0;
	vm0 =	vgt.f32 v8, v1;
	v8 =	vld [tilespmem:s17+$0xFFFFFE00]  }
0x9c: {  	v2 =	vadd.s32 v61, v2;
	v62 =	vsel vm0, $0x1, v0;
	vm0 =	vgt.f32 v6, v1;
	v6 =	vld [tilespmem:s22+$0xFFFFFE00]  }
0x9d: {  	v2 =	vadd.s32 v62, v2;
	v63 =	vsel vm0, $0x1, v0;
	vm0 =	vgt.f32 v7, v1  }
0x9e: {  	v2 =	vadd.s32 v63, v2;
	v7 =	vsel vm0, $0x1, v0;
	vm0 =	vgt.f32 v4, v1  }
0x9f: {  	v2 =	vadd.s32 v7, v2;
	v4 =	vsel vm0, $0x1, v0;
	vm0 =	vgt.f32 v5, v1  }
0xa0: {  	v2 =	vadd.s32 v4, v2;
	v4 =	vsel vm0, $0x1, v0;
	vm0 =	vgt.f32 v3, v1  }
0xa1: {  	v2 =	vadd.s32 v4, v2;
	v3 =	vsel vm0, $0x1, v0;
	v4 =	vadd.f32 v6, v8  }
0xa2: {  	v2 =	vadd.s32 v3, v2  }
0xa3: {  	v3 =	vimm.s32 $0x0;
	v2 =	vsub.s32 $0x8, v2;
	v4 =	vand.u32 $0x7FFFFFFF, v4  }
0xa4: {  	vm0 =	veq.f32 v4, v1;
	vm1 =	vlt.s32 v3, v2  }
0xa5: {  	vm0 =	vmand vm1, vm0;
	vm1 =	vgt.f32 v4, v1;
	v4 =	vadd.f32 v8, v8  }
0xa6: {  	vm1 =	vmor vm1, vm0  }
0xa7: {  	s23 =	sadd.s32 $0x0, s19;
	v4 =	vnsel vm1, $0x0, v4  }
0xa8: {  	s24 =	sor.u32 $0x80, s23;
	[tilespmem:s18+$0xFFFFFE00] =	vst v4  }
0xa9: {  	v4 =	vld [tilespmem:s24+$0x0]  }
0xaa: {  	v5 =	vld [tilespmem:s22+$0xFFFFFE80];
	_ =	sdelay $0x4  }
0xab: {  	v5 =	vadd.f32 v5, v4  }
0xac: {  	v6 =	vsel vm0, $0x1, v0  }
0xad: {  	v3 =	vadd.s32 v6, v3;
	v5 =	vand.u32 $0x7FFFFFFF, v5  }
0xae: {  	vm0 =	vlt.s32 v3, v2;
	vm1 =	veq.f32 v5, v1  }
0xaf: {  	v4 =	vadd.f32 v4, v4;
	vm2 =	vgt.f32 v5, v1;
	vm0 =	vmand vm1, vm0  }
0xb0: {  	vm1 =	vmor vm2, vm0  }
0xb1: {  	v4 =	vnsel vm1, $0x0, v4  }
0xb2: {  	[tilespmem:s24+$0x6000] =	vst v4  }
0xb3: {  	v4 =	vld [tilespmem:s17+$0xFFFFFF00]  }
0xb4: {  	v5 =	vld [tilespmem:s22+$0xFFFFFF00];
	_ =	sdelay $0x4  }
0xb5: {  	v5 =	vadd.f32 v5, v4  }
0xb6: {  	v6 =	vsel vm0, $0x1, v0  }
0xb7: {  	v3 =	vadd.s32 v6, v3;
	v5 =	vand.u32 $0x7FFFFFFF, v5  }
0xb8: {  	vm0 =	vlt.s32 v3, v2;
	vm1 =	veq.f32 v5, v1  }
0xb9: {  	v4 =	vadd.f32 v4, v4;
	vm2 =	vgt.f32 v5, v1;
	vm0 =	vmand vm1, vm0  }
0xba: {  	vm1 =	vmor vm2, vm0  }
0xbb: {  	v4 =	vnsel vm1, $0x0, v4  }
0xbc: {  	s30 =	sor.u32 $0x180, s23;
	[tilespmem:s18+$0xFFFFFF00] =	vst v4  }
0xbd: {  	v4 =	vld [tilespmem:s30+$0x0]  }
0xbe: {  	v5 =	vld [tilespmem:s22+$0xFFFFFF80];
	_ =	sdelay $0x4  }
0xbf: {  	v5 =	vadd.f32 v5, v4  }
0xc0: {  	v6 =	vsel vm0, $0x1, v0  }
0xc1: {  	v3 =	vadd.s32 v6, v3;
	v5 =	vand.u32 $0x7FFFFFFF, v5  }
0xc2: {  	vm0 =	vlt.s32 v3, v2;
	vm1 =	veq.f32 v5, v1  }
0xc3: {  	v4 =	vadd.f32 v4, v4;
	vm2 =	vgt.f32 v5, v1;
	vm0 =	vmand vm1, vm0  }
0xc4: {  	vm1 =	vmor vm2, vm0  }
0xc5: {  	v4 =	vnsel vm1, $0x0, v4  }
0xc6: {  	[tilespmem:s30+$0x6000] =	vst v4  }
0xc7: {  	v4 =	vld [tilespmem:s17+$0x0]  }
0xc8: {  	v5 =	vld [tilespmem:s22+$0x0];
	_ =	sdelay $0x4  }
0xc9: {  	v5 =	vadd.f32 v5, v4  }
0xca: {  	v6 =	vsel vm0, $0x1, v0  }
0xcb: {  	v3 =	vadd.s32 v6, v3;
	v5 =	vand.u32 $0x7FFFFFFF, v5  }
0xcc: {  	vm0 =	vlt.s32 v3, v2;
	vm1 =	veq.f32 v5, v1  }
0xcd: {  	v4 =	vadd.f32 v4, v4;
	vm2 =	vgt.f32 v5, v1;
	vm0 =	vmand vm1, vm0  }
0xce: {  	vm1 =	vmor vm2, vm0  }
0xcf: {  	v4 =	vnsel vm1, $0x0, v4  }
0xd0: {  	s23 =	sor.u32 $0x280, s23;
	[tilespmem:s18+$0x0] =	vst v4  }
0xd1: {  	v4 =	vld [tilespmem:s23+$0x0]  }
0xd2: {  	v5 =	vld [tilespmem:s22+$0x80];
	_ =	sdelay $0x4  }
0xd3: {  	v5 =	vadd.f32 v5, v4  }
0xd4: {  	v6 =	vsel vm0, $0x1, v0  }
0xd5: {  	v3 =	vadd.s32 v6, v3;
	v5 =	vand.u32 $0x7FFFFFFF, v5  }
0xd6: {  	vm0 =	vlt.s32 v3, v2;
	vm1 =	veq.f32 v5, v1  }
0xd7: {  	v4 =	vadd.f32 v4, v4;
	vm2 =	vgt.f32 v5, v1;
	vm0 =	vmand vm1, vm0  }
0xd8: {  	vm1 =	vmor vm2, vm0  }
0xd9: {  	v4 =	vnsel vm1, $0x0, v4  }
0xda: {  	[tilespmem:s23+$0x6000] =	vst v4  }
0xdb: {  	v4 =	vld [tilespmem:s17+$0x100]  }
0xdc: {  	v5 =	vld [tilespmem:s22+$0x100];
	_ =	sdelay $0x4  }
0xdd: {  	v5 =	vadd.f32 v5, v4  }
0xde: {  	v6 =	vsel vm0, $0x1, v0  }
0xdf: {  	v3 =	vadd.s32 v6, v3;
	v5 =	vand.u32 $0x7FFFFFFF, v5  }
0xe0: {  	vm0 =	vlt.s32 v3, v2;
	vm1 =	veq.f32 v5, v1  }
0xe1: {  	v4 =	vadd.f32 v4, v4;
	vm2 =	vgt.f32 v5, v1;
	vm0 =	vmand vm1, vm0  }
0xe2: {  	s20 =	sor.u32 s20, s21;
	vm1 =	vmor vm2, vm0  }
0xe3: {  	s31 =	simm.s32 $0x0;
	s20 =	sor.u32 $0x380, s20;
	v4 =	vnsel vm1, $0x0, v4  }
0xe4: {  	s24 =	sor.u32 s20, s31;
	[tilespmem:s18+$0x100] =	vst v4  }
0xe5: {  	v5 =	vld [tilespmem:s24+$0x0]  }
0xe6: {  	v6 =	vld [tilespmem:s22+$0x180];
	_ =	sdelay $0x1  }
0xe7: {  	v4 =	vsel vm0, $0x1, v0  }
0xe8: {  	v3 =	vadd.s32 v4, v3  }
0xe9: {  	s21 =	simm.s32 $0x0;
	s23 =	simm.s32 $0x4600;
	s22 =	simm.s32 $0x800;
	vm0 =	vlt.s32 v3, v2;
	v4 =	vadd.f32 v5, v5  }
.LBB2_7:
0xea: {  	s21 =	sadd.s32 $0x8, s21;
	v5 =	vadd.f32 v6, v5;
	s17 =	sadd.s32 $0x800, s17;
	s18 =	sadd.s32 $0x800, s18  }
0xeb: {  	p0 =	slt.u32 s21, $0x38  }
0xec: {  	v5 =	vand.u32 $0x7FFFFFFF, v5  }
0xed: {  	vm1 =	veq.f32 v5, v1;
	vm2 =	vgt.f32 v5, v1  }
0xee: {  	vm0 =	vmand vm1, vm0  }
0xef: {  	v5 =	vsel vm0, $0x1, v0;
	vm0 =	vmor vm2, vm0  }
0xf0: {  	v3 =	vadd.s32 v5, v3;
	v4 =	vnsel vm0, $0x0, v4  }
0xf1: {  	[tilespmem:s24+$0x6000] =	vst v4  }
0xf2: {  	v4 =	vld [tilespmem:s17+$0xFFFFFE00]  }
0xf3: {  	v5 =	vld [tilespmem:s23+$0xFFFFFE00];
	_ =	sdelay $0x4  }
0xf4: {  	v5 =	vadd.f32 v5, v4;
	_ =	sdelay $0x1  }
0xf5: {  	v5 =	vand.u32 $0x7FFFFFFF, v5  }
0xf6: {  	vm1 =	vlt.s32 v3, v2;
	vm0 =	veq.f32 v5, v1  }
0xf7: {  	v4 =	vadd.f32 v4, v4;
	vm0 =	vmand vm1, vm0;
	vm1 =	vgt.f32 v5, v1  }
0xf8: {  	v5 =	vsel vm0, $0x1, v0;
	vm0 =	vmor vm1, vm0  }
0xf9: {  	s24 =	sadd.s32 s22, s19;
	v4 =	vnsel vm0, $0x0, v4  }
0xfa: {  	s25 =	sor.u32 $0x80, s24;
	[tilespmem:s18+$0xFFFFFE00] =	vst v4  }
0xfb: {  	v4 =	vld [tilespmem:s25+$0x0]  }
0xfc: {  	v6 =	vld [tilespmem:s23+$0xFFFFFE80];
	_ =	sdelay $0x4  }
0xfd: {  	v6 =	vadd.f32 v6, v4  }
0xfe: {  	v3 =	vadd.s32 v5, v3  }
0xff: {  	vm0 =	vlt.s32 v3, v2;
	v5 =	vand.u32 $0x7FFFFFFF, v6  }
0x100: {  	v4 =	vadd.f32 v4, v4;
	vm1 =	veq.f32 v5, v1;
	vm2 =	vgt.f32 v5, v1  }
0x101: {  	vm0 =	vmand vm1, vm0  }
0x102: {  	v5 =	vsel vm0, $0x1, v0;
	vm0 =	vmor vm2, vm0  }
0x103: {  	v4 =	vnsel vm0, $0x0, v4  }
0x104: {  	[tilespmem:s25+$0x6000] =	vst v4  }
0x105: {  	v4 =	vld [tilespmem:s17+$0xFFFFFF00]  }
0x106: {  	v6 =	vld [tilespmem:s23+$0xFFFFFF00];
	_ =	sdelay $0x4  }
0x107: {  	v3 =	vadd.s32 v5, v3;
	v5 =	vadd.f32 v6, v4  }
0x108: {  	vm0 =	vlt.s32 v3, v2  }
0x109: {  	v4 =	vadd.f32 v4, v4;
	v5 =	vand.u32 $0x7FFFFFFF, v5  }
0x10a: {  	vm1 =	veq.f32 v5, v1;
	vm2 =	vgt.f32 v5, v1  }
0x10b: {  	vm0 =	vmand vm1, vm0  }
0x10c: {  	v5 =	vsel vm0, $0x1, v0;
	vm0 =	vmor vm2, vm0  }
0x10d: {  	v4 =	vnsel vm0, $0x0, v4  }
0x10e: {  	s25 =	sor.u32 $0x180, s24;
	[tilespmem:s18+$0xFFFFFF00] =	vst v4  }
0x10f: {  	v4 =	vld [tilespmem:s25+$0x0]  }
0x110: {  	v6 =	vld [tilespmem:s23+$0xFFFFFF80];
	_ =	sdelay $0x3  }
0x111: {  	v3 =	vadd.s32 v5, v3  }
0x112: {  	vm0 =	vlt.s32 v3, v2;
	v5 =	vadd.f32 v6, v4  }
0x113: {  	v4 =	vadd.f32 v4, v4  }
0x114: {  	v5 =	vand.u32 $0x7FFFFFFF, v5  }
0x115: {  	vm1 =	veq.f32 v5, v1;
	vm2 =	vgt.f32 v5, v1  }
0x116: {  	vm0 =	vmand vm1, vm0  }
0x117: {  	v5 =	vsel vm0, $0x1, v0;
	vm0 =	vmor vm2, vm0  }
0x118: {  	v4 =	vnsel vm0, $0x0, v4  }
0x119: {  	[tilespmem:s25+$0x6000] =	vst v4  }
0x11a: {  	v4 =	vld [tilespmem:s17+$0x0]  }
0x11b: {  	v6 =	vld [tilespmem:s23+$0x0];
	_ =	sdelay $0x2  }
0x11c: {  	v3 =	vadd.s32 v5, v3  }
0x11d: {  	vm0 =	vlt.s32 v3, v2  }
0x11e: {  	v5 =	vadd.f32 v6, v4;
	v4 =	vadd.f32 v4, v4;
	_ =	sdelay $0x1  }
0x11f: {  	v5 =	vand.u32 $0x7FFFFFFF, v5  }
0x120: {  	vm1 =	veq.f32 v5, v1;
	vm2 =	vgt.f32 v5, v1  }
0x121: {  	vm0 =	vmand vm1, vm0  }
0x122: {  	v5 =	vsel vm0, $0x1, v0;
	vm0 =	vmor vm2, vm0  }
0x123: {  	v4 =	vnsel vm0, $0x0, v4  }
0x124: {  	s24 =	sor.u32 $0x280, s24;
	[tilespmem:s18+$0x0] =	vst v4  }
0x125: {  	v4 =	vld [tilespmem:s24+$0x0]  }
0x126: {  	v6 =	vld [tilespmem:s23+$0x80];
	_ =	sdelay $0x1  }
0x127: {  	v3 =	vadd.s32 v5, v3  }
0x128: {  	vm0 =	vlt.s32 v3, v2  }
0x129: {  	v5 =	vadd.f32 v4, v4  }
0x12a: {  	v4 =	vadd.f32 v6, v4;
	_ =	sdelay $0x1  }
0x12b: {  	v4 =	vand.u32 $0x7FFFFFFF, v4  }
0x12c: {  	vm1 =	veq.f32 v4, v1;
	vm2 =	vgt.f32 v4, v1  }
0x12d: {  	vm0 =	vmand vm1, vm0  }
0x12e: {  	v4 =	vsel vm0, $0x1, v0;
	vm0 =	vmor vm2, vm0  }
0x12f: {  	v5 =	vnsel vm0, $0x0, v5  }
0x130: {  	[tilespmem:s24+$0x6000] =	vst v5  }
0x131: {  	v5 =	vld [tilespmem:s17+$0x100]  }
0x132: {  	v6 =	vld [tilespmem:s23+$0x100]  }
0x133: {  	v3 =	vadd.s32 v4, v3  }
0x134: {  	vm0 =	vlt.s32 v3, v2;
	_ =	sdelay $0x1  }
0x135: {  	v4 =	vadd.f32 v5, v5  }
0x136: {  	v5 =	vadd.f32 v6, v5;
	_ =	sdelay $0x1  }
0x137: {  	v5 =	vand.u32 $0x7FFFFFFF, v5  }
0x138: {  	vm1 =	veq.f32 v5, v1;
	vm2 =	vgt.f32 v5, v1  }
0x139: {  	vm0 =	vmand vm1, vm0  }
0x13a: {  	v6 =	vsel vm0, $0x1, v0;
	vm0 =	vmor vm2, vm0  }
0x13b: {  	v4 =	vnsel vm0, $0x0, v4  }
0x13c: {  	s24 =	sor.u32 s20, s22;
	[tilespmem:s18+$0x100] =	vst v4  }
0x13d: {  	v5 =	vld [tilespmem:s24+$0x0]  }
.Ltmp2:
0x13e: {  	v3 =	vadd.s32 v6, v3;
	v6 =	vld [tilespmem:s23+$0x180];
	(pc) =	sbr.rel @p0 .LBB2_7-.Ltmp2, $2  }
0x13f: {  	vm0 =	vlt.s32 v3, v2;
	_ =	sdelay $0x2  }
0x140: {  	s22 =	sadd.s32 $0x800, s22;
	s23 =	sadd.s32 $0x400, s23;
	v4 =	vadd.f32 v5, v5  }
0x141: {  	v2 =	vadd.f32 v6, v5  }
0x142: {  	s16 =	sadd.s32 $0x1, s16  }
0x143: {  	p0 =	sne.s32 s16, $0x10;
	v2 =	vand.u32 $0x7FFFFFFF, v2  }
.Ltmp3:
0x144: {  	vm1 =	veq.f32 v2, v1;
	(pc) =	sbr.rel @p0 .LBB2_2-.Ltmp3, $4  }
0x145: {  	vm2 =	vgt.f32 v2, v1;
	vm0 =	vmand vm1, vm0  }
0x146: {  	vm0 =	vmor vm2, vm0  }
0x147: {  	v1 =	vnsel vm0, $0x0, v4  }
0x148: {  	s15 =	sadd.s32 $0x80, s15;
	s14 =	sadd.s32 $0x1, s14;
	s13 =	sadd.s32 $0x10, s13;
	[tilespmem:s24+$0x6000] =	vst v1  }
0x149: {  	s12 =	sadd.s32 $0x1, s12  }
0x14a: {  	p0 =	sne.s32 s12, s7  }
.Ltmp4:
0x14b: {  	_ = 	snop;
	(pc) =	sbr.rel @p0 .LBB2_1-.Ltmp4, $4  }
0x14c: {  	[hbm4b:s6+s8] =	stream.strided.scatter [tilespmem:s11], [sflag:$0x1], $0x4000, s9, s8, $0x38;
	[tilespmem:$0xA000] =	vst v63  }
0x14d: {  	_ =	swait.ge [sflag:s4], $0x4000  }
0x14e: {  	[sflag:s4] =	ssyncset.done $0x0  }
0x14f: {  	[sflag:s4] =	ssyncadd.s32 $0xFFFFC000  }
0x150: {  	_ =	sfence.sel $0x180000  }
0x151: {  	[bflag:$0x0] =	sbarrier.arrive $0xFFFF  }
0x152: {  	p0 =	sne.s32 s0, $0x0;
	_ =	strace $0x9000004A  }
0x153: {  	s0 =	sadd.s32 @!p0 $0x100000, s1;
	[bflag:$0x2] =	sbarrier.arrive $0xFFFF  }
0x154: {  	[sflag:s0] =	ssyncadd.tile.s32 @!p0 $0x1;
	_ =	shalt  }
.Lfunc_end2:
_tile_overlayer_lowered:
.L_overlay_start_2:
0x155: {  	(tag) =	ssettag $0x2  }
0x156: {  	s0 =	rddreg [dreg:$0x0];
	s2 =	stileid.u32  }
0x157: {  	s1 =	rddreg [dreg:$0x1];
	p0 =	sne.s32 s2, $0x0  }
0x158: {  	s3 =	rddreg [dreg:$0x2];
	[bflag:$0x3] =	sbarrier.arrive $0xFFFF;
	s2 =	simm.s32 @!p0 $0x1C01  }
0x159: {  	[timem:s3], [sflag:s2] =	dma.local @!p0 [hbm:s0], s1  }
0x15a: {  	s0 =	simm.s32 @!p0 $0x1  }
0x15b: {  	_ =	swait.ge @!p0 [sflag:s0], s1  }
0x15c: {  	s1 =	ssub.s32 @!p0 $0x0, s1;
	[sflag:s0] =	ssyncset.done @!p0 $0x0  }
0x15d: {  	[sflag:s0] =	ssyncadd.s32 @!p0 s1  }
0x15e: {  	[bflag:$0x3] =	sbarrier.arrive $0xFFFF  }
0x15f: {  	_ =	shalt  }

// kernel: kernel.7.cloned.1.call-start
scs
__scs_entry_jumppad:
0x0: {  	(pc) =	sbr.rel $0x88, $3  }
0x1: {  	(tag) =	ssettag $0x0;
	lr =	simm.s32 $0x1  }
0x2: {  	[smem:$0x3F9D] =	sst lr;
	_ =	strace $0xD0000000  }
0x3: {  	_ = 	snop  }
0x4: {  	_ = 	snop  }
0x5: {  	_ = 	snop  }
0x6: {  	_ = 	snop  }
0x7: {  	_ = 	snop  }
__scs_overlays_trampoline_lowered:
0x8: {  	[smem:$0x3FAC] =	sst s0  }
0x9: {  	[smem:$0x3FAD] =	sst s1  }
0xa: {  	[smem:$0x3FAE] =	sst s2  }
0xb: {  	[smem:$0x3FAF] =	sst s3  }
0xc: {  	[smem:$0x3FB0] =	sst s4  }
0xd: {  	[smem:$0x3FB1] =	sst s5  }
0xe: {  	[smem:$0x3FB2] =	sst s6  }
0xf: {  	[smem:$0x3FB3] =	sst s7  }
0x10: {  	[smem:$0x3FB4] =	sst s8  }
0x11: {  	[smem:$0x3FB5] =	sst s9;
	s0 =	simm.s32 @!p0 $0x0  }
0x12: {  	s1 =	sld [smem:$0x3F9B];
	s0 =	simm.s32 @p0 $0x1  }
0x13: {  	[smem:$0x3FB6] =	sst s0;
	s0 =	simm.s32 @!p1 $0x0  }
0x14: {  	s2 =	sld [smem:$0x3F9A];
	s0 =	simm.s32 @p1 $0x1  }
0x15: {  	[smem:$0x3FB7] =	sst s0;
	s0 =	simm.s32 @!p2 $0x0  }
0x16: {  	s3 =	sld [smem:$0x3FDB];
	s0 =	simm.s32 @p2 $0x1  }
0x17: {  	s4 =	simm.s32 $0x1BF5;
	[smem:$0x3FB9] =	sst s0  }
0x18: {  	s0 =	sld [smem:$0x3F9C];
	_ =	swait.ge [sflag:s4], $0x0  }
0x19: {  	s7 =	sld [smem:$0x3F9D]  }
0x1a: {  	s8 =	sadd.s32 $0xFFFFE003, lr  }
0x1b: {  	s9 =	sadd.s32 $0xFFFFFEF7, lr;
	s5 =	simm.s32 $0xFFFFFFFF;
	p2 =	slt.u32 s8, $0xFFFFF086  }
0x1c: {  	p1 =	slt.u32 s9, $0xF7A;
	s5 =	simm.s32 @!p2 $0x0  }
0x1d: {  	s5 =	simm.s32 @p1 $0x1;
	p0 =	seq.s32 s7, s2  }
0x1e: {  	s7 =	smul.u32 @!p0 $0xF7A, s2;
	p2 =	seq.s32 @!p0 s5, $0x0  }
0x1f: {  	s9 =	smul.u32 $0xF7A, s1;
	s8 =	simm.s32 @!p0 $0x1BF5;
	p2 =	por !p2, p0  }
0x20: {  	[sflag:s8] =	ssyncset.s32 @!p0 $0xFFFFF086;
	s6 =	sadd.s32 @!p0 s3, s7;
	s7 =	simm.s32 @!p0 $0x108  }
0x21: {  	s3 =	sadd.s32 s3, s9;
	s6 =	sadd.s32 @!p0 $0x88, s6;
	s7 =	simm.s32 @p2 $0x1082  }
0x22: {  	[simem:s7], [sflag:s8] =	dma.local @!p0 [hbm:s6], $0xF7A  }
0x23: {  	s9 =	sor.u32 $0xD0000000, s2;
	s6 =	simm.s32 $0x108;
	_ =	swait.ge @!p0 [sflag:s8], $0x0  }
0x24: {  	s3 =	sadd.s32 $0x88, s3;
	s6 =	simm.s32 @!p1 $0x1082;
	[sflag:s4] =	ssyncset.s32 $0xFFFFF086  }
0x25: {  	[simem:s6], [sflag:s4] =	dma.local [hbm:s3], $0xF7A  }
0x26: {  	[smem:$0x3F9D] =	sst s1;
	(tag) =	ssettag s2;
	_ =	strace s9  }
0x27: {  	s1 =	sld [smem:$0x3FAD]  }
0x28: {  	s2 =	sld [smem:$0x3FAE]  }
0x29: {  	s4 =	sld [smem:$0x3FB0]  }
0x2a: {  	p0 =	seq.s32 s5, $0x0;
	s5 =	sld [smem:$0x3FB1]  }
0x2b: {  	s6 =	sld [smem:$0x3FB2]  }
0x2c: {  	s7 =	sld [smem:$0x3FB3]  }
0x2d: {  	s3 =	simm.s32 $0x108;
	s8 =	sld [smem:$0x3FB4]  }
0x2e: {  	s3 =	simm.s32 @!p0 $0x1082;
	s9 =	sld [smem:$0x3FB5]  }
0x2f: {  	lr =	sadd.s32 s0, s3;
	s0 =	sld [smem:$0x3FAC]  }
0x30: {  	s3 =	sld [smem:$0x3FAF]  }
0x31: {  	[smem:$0x3FB8] =	sst s10  }
0x32: {  	s10 =	sld [smem:$0x3FB6];
	_ =	sdelay $0x3  }
0x33: {  	p0 =	seq.s32 s10, $0x1;
	s10 =	sld [smem:$0x3FB8];
	_ =	sdelay $0x3  }
0x34: {  	[smem:$0x3FB8] =	sst s10  }
0x35: {  	s10 =	sld [smem:$0x3FB7];
	_ =	sdelay $0x3  }
0x36: {  	p1 =	seq.s32 s10, $0x1;
	s10 =	sld [smem:$0x3FB8];
	_ =	sdelay $0x3  }
0x37: {  	[smem:$0x3FB8] =	sst s10  }
0x38: {  	s10 =	sld [smem:$0x3FB9]  }
0x39: {  	_ = 	snop;
	(pc) =	sbr.ind lr, $3  }
0x3a: {  	_ = 	snop  }
0x3b: {  	_ = 	snop  }
0x3c: {  	p2 =	seq.s32 s10, $0x1;
	s10 =	sld [smem:$0x3FB8]  }
0x3d: {  	_ =	shalt  }
0x3e: {  	_ =	shalt  }
0x3f: {  	_ =	shalt  }
0x40: {  	_ =	shalt  }
0x41: {  	_ =	shalt  }
0x42: {  	_ =	shalt  }
0x43: {  	_ =	shalt  }
0x44: {  	_ =	shalt  }
0x45: {  	_ =	shalt  }
0x46: {  	_ =	shalt  }
0x47: {  	_ =	shalt  }
0x48: {  	_ =	shalt  }
0x49: {  	_ =	shalt  }
0x4a: {  	_ =	shalt  }
0x4b: {  	_ =	shalt  }
0x4c: {  	_ =	shalt  }
0x4d: {  	_ =	shalt  }
0x4e: {  	_ =	shalt  }
0x4f: {  	_ =	shalt  }
0x50: {  	_ =	shalt  }
0x51: {  	_ =	shalt  }
0x52: {  	_ =	shalt  }
0x53: {  	_ =	shalt  }
0x54: {  	_ =	shalt  }
0x55: {  	_ =	shalt  }
0x56: {  	_ =	shalt  }
0x57: {  	_ =	shalt  }
0x58: {  	_ =	shalt  }
0x59: {  	_ =	shalt  }
0x5a: {  	_ =	shalt  }
0x5b: {  	_ =	shalt  }
0x5c: {  	_ =	shalt  }
0x5d: {  	_ =	shalt  }
0x5e: {  	_ =	shalt  }
0x5f: {  	_ =	shalt  }
0x60: {  	_ =	shalt  }
0x61: {  	_ =	shalt  }
0x62: {  	_ =	shalt  }
0x63: {  	_ =	shalt  }
0x64: {  	_ =	shalt  }
0x65: {  	_ =	shalt  }
0x66: {  	_ =	shalt  }
0x67: {  	_ =	shalt  }
0x68: {  	_ =	shalt  }
0x69: {  	_ =	shalt  }
0x6a: {  	_ =	shalt  }
0x6b: {  	_ =	shalt  }
0x6c: {  	_ =	shalt  }
0x6d: {  	_ =	shalt  }
0x6e: {  	_ =	shalt  }
0x6f: {  	_ =	shalt  }
0x70: {  	_ =	shalt  }
0x71: {  	_ =	shalt  }
0x72: {  	_ =	shalt  }
0x73: {  	_ =	shalt  }
0x74: {  	_ =	shalt  }
0x75: {  	_ =	shalt  }
0x76: {  	_ =	shalt  }
0x77: {  	_ =	shalt  }
0x78: {  	_ =	shalt  }
0x79: {  	_ =	shalt  }
0x7a: {  	_ =	shalt  }
0x7b: {  	_ =	shalt  }
0x7c: {  	_ =	shalt  }
0x7d: {  	_ =	shalt  }
0x7e: {  	_ =	shalt  }
0x7f: {  	_ =	shalt  }
0x80: {  	_ =	shalt  }
0x81: {  	_ =	shalt  }
0x82: {  	_ =	shalt  }
0x83: {  	_ =	shalt  }
0x84: {  	_ =	shalt  }
0x85: {  	_ =	shalt  }
0x86: {  	_ =	shalt  }
0x87: {  	_ =	shalt  }
.Lfunc_end0:
.L_simem_size_0:
called_computation_lowered:
.L_overlay_start_0:
0x88: {  	s2 =	sld [smem:$0x3FD9]  }
0x89: {  	s3 =	sld [smem:$0x3FFE];
	_ =	sdelay $0x1  }
0x8a: {  	s1 =	srdreg.scid  }
0x8b: {  	s0 =	sand.u32 $0x1, s1  }
0x8c: {  	s17 =	sshll.u32 s0, $0xA;
	s2 =	sadd.s32 s3, s2  }
0x8d: {  	s2 =	sadd.s32 s2, s17  }
0x8e: {  	[smem:$0x3FC4] =	sst s2  }
0x8f: {  	_ = 	snop  }
0x90: {  	s2 =	sld [smem:$0x3FD0];
	(tm) =	ssettm $0x1  }
0x91: {  	s18 =	sld [smem:$0x3FFB];
	_ =	sdelay $0x3  }
0x92: {  	_ =	strace s18  }
0x93: {  	s3 =	sld [smem:$0x3FFC];
	_ =	sdelay $0x3  }
0x94: {  	_ =	strace s3  }
0x95: {  	s3 =	sld [smem:$0x3FFD];
	_ =	sdelay $0x3  }
0x96: {  	_ =	strace s3  }
0x97: {  	_ =	strace $0x8FFFFFFF  }
0x98: {  	s19 =	sld [smem:$0x3FDB];
	_ =	sdelay $0x1  }
0x99: {  	s4 =	simm.s32 $_scs_section_size  }
0x9a: {  	s5 =	simm.s32 $_size__tile_overlayer_lowered;
	s6 =	simm.s32 $_tile_overlayer_lowered  }
0x9b: {  	s22 =	simm.s32 $0x1BFF;
	s21 =	sshll.u32 s6, $0x1;
	s3 =	sadd.s32 s4, s19  }
0x9c: {  	s7 =	simm.s32 $0x0;
	s20 =	sshll.u32 s5, $0x1;
	s5 =	sadd.s32 s21, s3  }
0x9d: {  	[timem:s7], [sflag:s22] =	dma.local [hbm:s5], s20  }
0x9e: {  	_ =	swait.ge [sflag:s22], s20  }
0x9f: {  	s4 =	ssub.s32 $0x0, s20;
	[sflag:s22] =	ssyncset.done $0x0  }
0xa0: {  	[sflag:s22] =	ssyncadd.s32 s4;
	_ =	sdelay $0x1  }
0xa1: {  	s23 =	simm.s32 $0x1B8B  }
0xa2: {  	_ =	swait.ge [sflag:s23], $0x1  }
0xa3: {  	[sflag:s23] =	ssyncset.done $0x0  }
0xa4: {  	s25 =	simm.s32 $0x1B8E;
	s24 =	sld [smem:$0x3FFE];
	[sflag:s23] =	ssyncadd.s32 $0xFFFFFFFF  }
0xa5: {  	s26 =	simm.s32 $execute0_lowered;
	[smem:$0x3FD2] =	sst s25  }
0xa6: {  	s5 =	sshll.u32 s26, $0x1;
	_ =	strace $0x80000046;
	[dreg:$0x1] =	wrdreg $0xFFFFFFFF  }
0xa7: {  	s28 =	simm.s32 $_size_execute0_lowered;
	s3 =	sadd.s32 s3, s5;
	[dreg:$0x0] =	wrdreg $0x0  }
0xa8: {  	s5 =	sshll.u32 s28, $0x1;
	[dreg:$0x2] =	wrdreg s3  }
0xa9: {  	[dreg:$0x3] =	wrdreg s5  }
0xaa: {  	[dreg:$0x4] =	wrdreg $0xC0  }
0xab: {  	_ =	task [dreg:s7], $0x5FFFF  }
0xac: {  	[dreg:$0x1] =	wrdreg $0xFFFFFFFF  }
0xad: {  	[dreg:$0x0] =	wrdreg $0x60  }
0xae: {  	[dreg:$0x2] =	wrdreg s2  }
0xaf: {  	[dreg:$0x3] =	wrdreg s24  }
0xb0: {  	[dreg:$0x4] =	wrdreg $0x9  }
0xb1: {  	_ =	task.clear_ibuf [dreg:s7], $0x5FFFF;
	_ =	strace $0x90000046  }
0xb2: {  	s29 =	simm.s32 $0x9;
	_ =	strace $0x80000048  }
0xb3: {  	_ =	swait.ge [sflag:s29], $0x1  }
0xb4: {  	[sflag:s29] =	ssyncadd.s32 $0xFFFFFFFF  }
0xb5: {  	_ =	strace $0x90000048  }
0xb6: {  	_ =	sfence  }
0xb7: {  	s30 =	sld [smem:$0x0];
	_ =	sdelay $0x2  }
0xb8: {  	s31 =	sshll.u32 s1, $0xD;
	s1 =	sshrl.u32 s1, $0x2  }
0xb9: {  	s3 =	sand.u32 $0x4000, s31;
	s1 =	sadd.s32 s1, s30  }
0xba: {  	s0 =	sor.u32 s3, s0;
	s1 =	sshll.u32 s1, $0x11  }
0xbb: {  	s0 =	sor.u32 s1, s0  }
0xbc: {  	s0 =	sadd.s32 $0x8F2B, s0  }
0xbd: {  	[sflag:s0] =	ssyncadd.remote.s32 $0x1  }
0xbe: {  	_ =	sfence.sel $0xFFFF  }
0xbf: {  	[dreg:$0x0] =	wrdreg $0xFFFFFFFF;
	(pc) =	sbr.abs _section_cstart, $3  }
0xc0: {  	[dreg:$0x1] =	wrdreg $0xFFFFFFFF  }
0xc1: {  	_ =	task.clear_ibuf [dreg:s7], $0x2FFFF;
	_ =	strace $0x9FFFFFFF  }
0xc2: {  	(tm) =	ssettm $0x7FFFFFFF  }
0xc3: {  	_ =	shalt  }
tec
execute0_lowered:
.L_overlay_start_1:
0x0: {  	(tag) =	ssettag $0x1  }
0x1: {  	s1 =	srdreg.scid  }
0x2: {  	s0 =	stileid.u32;
	s4 =	sand.u32 $0x1, s1  }
0x3: {  	s5 =	rddreg [dreg:$0x0];
	s1 =	sor.u32 s4, s0  }
0x4: {  	s3 =	simm.s32 $0x1;
	p1 =	seq.s32 s4, $0x1;
	p0 =	seq.s32 s1, $0x0  }
0x5: {  	s6 =	rddreg [dreg:$0x1];
	s2 =	simm.s32 $0x0;
	p0 =	por !p0, !p1  }
0x6: {  	s10 =	simm.s32 $0x4000;
	s11 =	simm.s32 $0x6000;
	p0 =	por !p0, !p0  }
0x7: {  	s12 =	simm.s32 $0x0;
	[smem:$0x7FF] =	sst s2;
	s3 =	simm.s32 @!p0 $0x0  }
0x8: {  	s7 =	sshll.u32 s4, $0xB;
	s8 =	ssub.s32 $0x2, s4;
	s3 =	ssub.s32 s0, s3  }
0x9: {  	s4 =	simm.s32 $0x1;
	s1 =	rddreg [dreg:$0x2];
	s3 =	sshll.u32 s3, $0xF  }
0xa: {  	_ =	strace $0x80000047;
	s9 =	sshrl.u32 s8, $0x1;
	s7 =	sor.u32 s7, s3  }
0xb: {  	s8 =	ssub.s32 s8, s9;
	s9 =	simm.s32 $0x1000;
	s7 =	sshrl.u32 s7, $0x3  }
0xc: {  	s3 =	sadd.s32 $0x1600, s6;
	s6 =	sadd.s32 s7, s6;
	s5 =	sadd.s32 s5, s7  }
0xd: {  	v0 =	vimm.s32 $0x0;
	s7 =	smax.u32 s8, $0x1;
	s8 =	simm.s32 $0x800;
	s6 =	sadd.s32 $0x1A00, s6  }
.LBB2_1:
0xe: {  	[tilespmem:s2], [sflag:$0x1] =	stream.strided.gather [hbm4b:s5+s8], $0x4000, s9, s8, $0x38;
	[tilespmem:$0xA000] =	vst v63  }
0xf: {  	_ =	swait.ge [sflag:s4], $0x4000  }
0x10: {  	[sflag:s4] =	ssyncset.done $0x0  }
0x11: {  	[sflag:s4] =	ssyncadd.s32 $0xFFFFC000  }
0x12: {  	[tilespmem:s10], [sflag:$0x1] =	stream.linear.gather [hbm4b:s3+s2], $0x2000, $0x38;
	[tilespmem:$0xA000] =	vst v63  }
0x13: {  	_ =	swait.ge [sflag:s4], $0x2000  }
0x14: {  	s13 =	simm.s32 $0x0;
	s14 =	simm.s32 $0x0;
	[sflag:s4] =	ssyncset.done $0x0  }
0x15: {  	s15 =	simm.s32 $0x0;
	s16 =	simm.s32 $0x0;
	[sflag:s4] =	ssyncadd.s32 $0xFFFFE000  }
.LBB2_2:
0x16: {  	s22 =	simm.s32 $0x4200  }
0x17: {  	s17 =	sshll.u32 s15, $0x2;
	s18 =	sand.u32 $0x7, s14;
	v2 =	vld [tilespmem:s22+$0x180]  }
0x18: {  	s17 =	sand.u32 $0xFFFFF000, s17;
	s18 =	sshll.u32 s18, $0x6;
	v4 =	vld [tilespmem:s22+$0xFFFFFF00]  }
0x19: {  	v5 =	vld [tilespmem:s22+$0xFFFFFE00];
	s17 =	sor.u32 s18, s17  }
0x1a: {  	v6 =	vld [tilespmem:s22+$0xFFFFFE80];
	s18 =	sshrl.u32 s17, $0x2  }
0x1b: {  	v9 =	vld [tilespmem:s22+$0xFFFFFF80];
	s17 =	sor.u32 $0x200, s18  }
0x1c: {  	v1 =	vld [tilespmem:s17+$0x180]  }
0x1d: {  	v3 =	vld [tilespmem:s17+$0xFFFFFE00]  }
0x1e: {  	v7 =	vld [tilespmem:s17+$0xFFFFFE80]  }
0x1f: {  	v8 =	vld [tilespmem:s17+$0xFFFFFF00]  }
0x20: {  	v10 =	vld [tilespmem:s17+$0xFFFFFF80];
	_ =	sdelay $0x2  }
0x21: {  	v5 =	vadd.f32 v5, v3;
	v1 =	vadd.f32 v2, v1  }
0x22: {  	v3 =	vimm.f32 $-Inf;
	v2 =	vadd.f32 v6, v7;
	v6 =	vld [tilespmem:s17+$0x0];
	v4 =	vadd.f32 v4, v8  }
0x23: {  	v8 =	vld [tilespmem:s22+$0x0];
	v9 =	vadd.f32 v9, v10;
	v5 =	vand.u32 $0x7FFFFFFF, v5;
	v1 =	vand.u32 $0x7FFFFFFF, v1  }
0x24: {  	v2 =	vand.u32 $0x7FFFFFFF, v2;
	v4 =	vand.u32 $0x7FFFFFFF, v4;
	v7 =	vmin.f32 v3, v5  }
0x25: {  	v9 =	vand.u32 $0x7FFFFFFF, v9;
	v5 =	vmax.f32 v3, v5;
	v11 =	vmax.f32 v3, v7  }
0x26: {  	v12 =	vmax.f32 v5, v2;
	v2 =	vmin.f32 v5, v2;
	v7 =	vmin.f32 v3, v7  }
0x27: {  	v5 =	vmax.f32 v11, v2;
	v2 =	vmin.f32 v11, v2;
	v10 =	vmin.f32 v12, v4  }
0x28: {  	v4 =	vmax.f32 v12, v4;
	v11 =	vmax.f32 v3, v7;
	v6 =	vadd.f32 v8, v6  }
0x29: {  	v17 =	vld [tilespmem:s22+$0x80];
	v13 =	vmin.f32 v3, v7;
	v12 =	vmax.f32 v5, v10;
	v5 =	vmin.f32 v5, v10  }
0x2a: {  	v14 =	vld [tilespmem:s17+$0x80];
	v8 =	vmin.f32 v4, v9;
	v4 =	vmax.f32 v4, v9;
	v10 =	vmax.f32 v11, v2  }
0x2b: {  	v20 =	vld [tilespmem:s17+$0x100];
	v19 =	vmax.f32 v12, v8;
	v7 =	vand.u32 $0x7FFFFFFF, v6;
	v6 =	vmin.f32 v11, v2  }
0x2c: {  	v2 =	vld [tilespmem:s22+$0x100];
	v11 =	vmin.f32 v3, v13;
	v9 =	vmax.f32 v10, v5;
	v16 =	vmin.f32 v12, v8  }
0x2d: {  	v10 =	vmin.f32 v10, v5;
	v5 =	vimm.f32 $-Inf;
	v8 =	vmax.f32 v4, v7  }
0x2e: {  	v18 =	vmin.f32 v3, v11;
	v12 =	vmax.f32 v9, v16;
	v4 =	vmin.f32 v4, v7  }
0x2f: {  	s19 =	sand.u32 $0xFFFFFC00, s15;
	s20 =	sshll.u32 s16, $0x4;
	v9 =	vmin.f32 v9, v16;
	v11 =	vmax.f32 v3, v11;
	v15 =	vmin.f32 v3, v18  }
0x30: {  	s21 =	sshll.u32 s16, $0x7;
	s23 =	simm.s32 $0x0;
	s25 =	simm.s32 $0x4200;
	v16 =	vmin.f32 v19, v4;
	v7 =	vmax.f32 v3, v18;
	v18 =	vadd.f32 v17, v14  }
0x31: {  	s19 =	sadd.s32 s19, s13;
	s18 =	sadd.s32 $0x6200, s18;
	s24 =	smov.u32 s17;
	v14 =	vmax.f32 v19, v4;
	v4 =	vimm.f32 $-Inf;
	v17 =	vadd.f32 v2, v20  }
.LBB2_3:
0x32: {  	s23 =	sadd.s32 $0x8, s23;
	v2 =	vmax.f32 v3, v13;
	v3 =	vmin.f32 v12, v16;
	v13 =	vand.u32 $0x7FFFFFFF, v18;
	s24 =	sadd.s32 $0x800, s24;
	s25 =	sadd.s32 $0x400, s25  }
0x33: {  	v19 =	vmin.f32 v4, v15;
	v18 =	vld [tilespmem:s24+$0x180];
	p0 =	slt.u32 s23, $0x38;
	v20 =	vmax.f32 v2, v6;
	v21 =	vmin.f32 v8, v13  }
0x34: {  	v5 =	vmax.f32 v5, v19;
	v22 =	vld [tilespmem:s25+$0x180];
	v19 =	vmax.f32 v20, v10;
	v23 =	vmin.f32 v14, v21  }
0x35: {  	v4 =	vmax.f32 v4, v15;
	v12 =	vmax.f32 v12, v16;
	v15 =	vmax.f32 v19, v9  }
0x36: {  	v8 =	vmax.f32 v8, v13;
	v16 =	vand.u32 $0x7FFFFFFF, v17;
	v13 =	vmax.f32 v12, v23  }
0x37: {  	v2 =	vmin.f32 v2, v6;
	v6 =	vmin.f32 v19, v9;
	v9 =	vmin.f32 v8, v16  }
0x38: {  	v17 =	vmax.f32 v11, v2;
	v10 =	vmin.f32 v20, v10;
	v14 =	vmax.f32 v14, v21  }
0x39: {  	v2 =	vmin.f32 v11, v2;
	v11 =	vmax.f32 v17, v10;
	v8 =	vmax.f32 v8, v16  }
0x3a: {  	v16 =	vmax.f32 v7, v2;
	v2 =	vmin.f32 v7, v2;
	v7 =	vmax.f32 v14, v9  }
0x3b: {  	v19 =	vmin.f32 v4, v2;
	v20 =	vmax.f32 v11, v6;
	v21 =	vmin.f32 v8, v1  }
0x3c: {  	v2 =	vmax.f32 v4, v2;
	v4 =	vmax.f32 v5, v19;
	v5 =	vmin.f32 v17, v10  }
0x3d: {  	v10 =	vmax.f32 v16, v5;
	v5 =	vmin.f32 v16, v5;
	v16 =	vmin.f32 v7, v21  }
0x3e: {  	v9 =	vmin.f32 v14, v9;
	v19 =	vmin.f32 v15, v3;
	v17 =	vmin.f32 v2, v5  }
0x3f: {  	v6 =	vmin.f32 v11, v6;
	v11 =	vmin.f32 v12, v23;
	v3 =	vmax.f32 v15, v3  }
0x40: {  	v12 =	vmax.f32 v13, v9;
	v2 =	vmax.f32 v2, v5;
	v5 =	vmax.f32 v3, v11  }
0x41: {  	v9 =	vmin.f32 v13, v9;
	v13 =	vmin.f32 v12, v16;
	v4 =	vmax.f32 v4, v17  }
0x42: {  	v15 =	vmax.f32 v20, v19;
	v14 =	vmax.f32 v10, v6;
	v17 =	vmax.f32 v5, v9  }
0x43: {  	v19 =	vmin.f32 v20, v19;
	v3 =	vmin.f32 v3, v11;
	v11 =	vmin.f32 v17, v13  }
0x44: {  	v20 =	vmax.f32 v14, v19;
	v23 =	vmax.f32 v15, v3;
	v15 =	vmin.f32 v15, v3  }
0x45: {  	v5 =	vmin.f32 v5, v9;
	v24 =	vmax.f32 v20, v15;
	v3 =	vmax.f32 v17, v13  }
0x46: {  	v12 =	vmax.f32 v12, v16;
	v9 =	vmax.f32 v23, v5;
	v5 =	vmin.f32 v23, v5  }
0x47: {  	v6 =	vmin.f32 v10, v6;
	v10 =	vmin.f32 v20, v15;
	v13 =	vmin.f32 v9, v11  }
0x48: {  	v15 =	vmax.f32 v2, v6;
	v2 =	vmin.f32 v2, v6;
	v6 =	vmin.f32 v14, v19  }
0x49: {  	v2 =	vmax.f32 v4, v2;
	v4 =	vmax.f32 v15, v6;
	v6 =	vmin.f32 v15, v6  }
0x4a: {  	v14 =	vmin.f32 v24, v5;
	v2 =	vmax.f32 v2, v6;
	v6 =	vmax.f32 v4, v10  }
0x4b: {  	v5 =	vmax.f32 v24, v5;
	v11 =	vmax.f32 v9, v11;
	v15 =	vmax.f32 v6, v14  }
0x4c: {  	v4 =	vmin.f32 v4, v10;
	v9 =	vmin.f32 v5, v13;
	v6 =	vmin.f32 v6, v14  }
0x4d: {  	v2 =	vmax.f32 v2, v4;
	v4 =	vmax.f32 v15, v9;
	v9 =	vmin.f32 v15, v9;
	v10 =	vld [tilespmem:s25+$0xFFFFFF00]  }
0x4e: {  	v2 =	vmax.f32 v2, v6;
	v6 =	vmax.f32 v7, v21;
	v7 =	vmax.f32 v5, v13;
	v14 =	vld [tilespmem:s25+$0xFFFFFE80]  }
0x4f: {  	v8 =	vmax.f32 v8, v1;
	v15 =	vadd.f32 v22, v18;
	v5 =	vmax.f32 v2, v9;
	v13 =	vld [tilespmem:s24+$0xFFFFFE00]  }
0x50: {  	v1 =	vld [tilespmem:s25+$0xFFFFFE00]  }
0x51: {  	v2 =	vld [tilespmem:s24+$0xFFFFFE80]  }
0x52: {  	v9 =	vld [tilespmem:s24+$0xFFFFFF00]  }
0x53: {  	v16 =	vld [tilespmem:s25+$0xFFFFFF80]  }
0x54: {  	v17 =	vld [tilespmem:s24+$0xFFFFFF80]  }
0x55: {  	v1 =	vadd.f32 v1, v13  }
0x56: {  	v2 =	vadd.f32 v14, v2;
	v13 =	vld [tilespmem:s24+$0x0]  }
0x57: {  	v14 =	vand.u32 $0x7FFFFFFF, v1;
	v9 =	vadd.f32 v10, v9;
	v1 =	vand.u32 $0x7FFFFFFF, v15  }
0x58: {  	v10 =	vmax.f32 v8, v14;
	v8 =	vmin.f32 v8, v14;
	v2 =	vand.u32 $0x7FFFFFFF, v2;
	v14 =	vld [tilespmem:s25+$0x0]  }
0x59: {  	v15 =	vmax.f32 v6, v8;
	v18 =	vmax.f32 v10, v2;
	v16 =	vadd.f32 v16, v17  }
0x5a: {  	v10 =	vmin.f32 v10, v2;
	v9 =	vand.u32 $0x7FFFFFFF, v9;
	v2 =	vimm.s32 $0x0  }
0x5b: {  	v17 =	vmax.f32 v15, v10;
	v10 =	vmin.f32 v15, v10;
	v15 =	vand.u32 $0x7FFFFFFF, v16  }
0x5c: {  	v6 =	vmin.f32 v6, v8;
	v8 =	vmax.f32 v18, v9;
	v9 =	vmin.f32 v18, v9  }
0x5d: {  	v16 =	vmax.f32 v12, v6;
	v18 =	vmax.f32 v17, v9;
	v14 =	vadd.f32 v14, v13;
	v19 =	vld [tilespmem:s24+$0x80]  }
0x5e: {  	v17 =	vmin.f32 v17, v9;
	v9 =	vmax.f32 v8, v15;
	v15 =	vmin.f32 v8, v15;
	v20 =	vld [tilespmem:s25+$0x80]  }
0x5f: {  	v13 =	vmin.f32 v12, v6;
	v21 =	vmax.f32 v18, v15;
	v14 =	vand.u32 $0x7FFFFFFF, v14;
	v22 =	vld [tilespmem:s24+$0x100]  }
0x60: {  	v23 =	vmax.f32 v16, v10;
	v6 =	vmin.f32 v16, v10;
	v8 =	vmax.f32 v9, v14;
	v24 =	vld [tilespmem:s25+$0x100]  }
.Ltmp0:
0x61: {  	v10 =	vmax.f32 v23, v17;
	v16 =	vmin.f32 v18, v15;
	v25 =	vmin.f32 v3, v13;
	(pc) =	sbr.rel @p0 .LBB2_3-.Ltmp0, $4  }
0x62: {  	v12 =	vmax.f32 v10, v16;
	v18 =	vmin.f32 v11, v25;
	v14 =	vmin.f32 v9, v14  }
0x63: {  	v15 =	vmin.f32 v7, v18;
	v9 =	vmin.f32 v10, v16;
	v16 =	vmin.f32 v21, v14  }
0x64: {  	v7 =	vmax.f32 v7, v18;
	v10 =	vmin.f32 v23, v17;
	v18 =	vadd.f32 v20, v19  }
0x65: {  	v11 =	vmax.f32 v11, v25;
	v14 =	vmax.f32 v21, v14;
	v17 =	vadd.f32 v24, v22  }
0x66: {  	v3 =	vmax.f32 v3, v13  }
0x67: {  	v13 =	vmin.f32 v12, v16;
	v18 =	vand.u32 $0x7FFFFFFF, v18;
	v19 =	vmin.f32 v4, v15  }
0x68: {  	v4 =	vmax.f32 v4, v15;
	v12 =	vmax.f32 v12, v16;
	v20 =	vmax.f32 v3, v6  }
0x69: {  	v21 =	vmin.f32 v8, v18;
	v5 =	vmax.f32 v5, v19;
	v8 =	vmax.f32 v8, v18  }
0x6a: {  	v17 =	vand.u32 $0x7FFFFFFF, v17;
	v3 =	vmin.f32 v3, v6;
	v19 =	vmax.f32 v20, v10  }
0x6b: {  	v22 =	vmin.f32 v14, v21;
	v18 =	vmax.f32 v11, v3;
	v10 =	vmin.f32 v20, v10  }
0x6c: {  	v14 =	vmax.f32 v14, v21;
	v3 =	vmin.f32 v11, v3;
	v15 =	vmax.f32 v19, v9  }
0x6d: {  	v16 =	vmax.f32 v12, v22;
	v6 =	vmin.f32 v19, v9;
	v9 =	vmin.f32 v8, v17  }
0x6e: {  	v11 =	vmax.f32 v18, v10;
	v8 =	vmax.f32 v8, v17;
	v17 =	vmin.f32 v7, v3  }
0x6f: {  	v3 =	vmax.f32 v7, v3;
	v12 =	vmin.f32 v12, v22;
	v7 =	vmax.f32 v14, v9  }
0x70: {  	v19 =	vmin.f32 v4, v17;
	v20 =	vmax.f32 v11, v6;
	v1 =	vmin.f32 v8, v1  }
0x71: {  	v8 =	vmin.f32 v18, v10;
	v4 =	vmax.f32 v4, v17;
	v9 =	vmin.f32 v14, v9  }
0x72: {  	v11 =	vmin.f32 v11, v6;
	v5 =	vmax.f32 v5, v19;
	v10 =	vmin.f32 v3, v8  }
0x73: {  	v17 =	vmax.f32 v3, v8;
	v1 =	vmin.f32 v7, v1;
	v8 =	vmin.f32 v15, v13;
	v3 =	vld [tilespmem:s17+$0x180]  }
0x74: {  	v6 =	vmax.f32 v16, v9;
	v7 =	vmin.f32 v4, v10;
	v14 =	vmax.f32 v4, v10;
	v4 =	vld [tilespmem:s22+$0x180]  }
0x75: {  	v13 =	vmax.f32 v15, v13;
	v9 =	vmin.f32 v16, v9;
	v1 =	vmin.f32 v6, v1;
	v6 =	vld [tilespmem:s22+$0x100]  }
0x76: {  	v10 =	vmax.f32 v13, v12;
	v18 =	vmax.f32 v20, v8;
	v20 =	vmin.f32 v20, v8;
	v8 =	vld [tilespmem:s22+$0x80]  }
0x77: {  	v16 =	vmax.f32 v17, v11;
	v12 =	vmin.f32 v13, v12;
	v17 =	vmin.f32 v17, v11;
	v11 =	vld [tilespmem:s17+$0xFFFFFF80]  }
0x78: {  	v15 =	vmax.f32 v5, v7;
	v5 =	vld [tilespmem:s17+$0x100];
	v19 =	vmax.f32 v10, v9;
	v13 =	vmax.f32 v16, v20  }
0x79: {  	v7 =	vld [tilespmem:s17+$0x80];
	v1 =	vmin.f32 v19, v1;
	v19 =	vmax.f32 v18, v12;
	v12 =	vmin.f32 v18, v12  }
0x7a: {  	v10 =	vmin.f32 v10, v9;
	v9 =	vld [tilespmem:s17+$0x0];
	v16 =	vmin.f32 v16, v20;
	v18 =	vmax.f32 v13, v12  }
0x7b: {  	v61 =	vmax.f32 v19, v10;
	v19 =	vmin.f32 v19, v10;
	v10 =	vld [tilespmem:s22+$0x0];
	v62 =	vmin.f32 v13, v12  }
0x7c: {  	v13 =	vmax.f32 v14, v17;
	v14 =	vmin.f32 v14, v17;
	v12 =	vld [tilespmem:s22+$0xFFFFFF80];
	v1 =	vmin.f32 v61, v1  }
0x7d: {  	v14 =	vmax.f32 v15, v14;
	v15 =	vmax.f32 v13, v16;
	v16 =	vmin.f32 v13, v16;
	v13 =	vld [tilespmem:s17+$0xFFFFFF00]  }
0x7e: {  	v20 =	vmin.f32 v18, v19;
	v18 =	vmax.f32 v18, v19;
	v16 =	vmax.f32 v14, v16;
	v14 =	vld [tilespmem:s22+$0xFFFFFF00]  }
0x7f: {  	v17 =	vmax.f32 v15, v62;
	v63 =	vmin.f32 v15, v62;
	v15 =	vld [tilespmem:s17+$0xFFFFFE80];
	v1 =	vmin.f32 v18, v1  }
0x80: {  	v19 =	vmax.f32 v17, v20;
	v17 =	vmin.f32 v17, v20;
	v18 =	vmax.f32 v16, v63;
	v16 =	vld [tilespmem:s17+$0xFFFFFE00]  }
0x81: {  	v1 =	vmin.f32 v19, v1;
	v18 =	vmax.f32 v18, v17;
	v17 =	vld [tilespmem:s22+$0xFFFFFE00]  }
0x82: {  	s23 =	simm.s32 $0x0;
	s24 =	sadd.s32 $0x800, s17;
	v1 =	vmax.f32 v18, v1;
	v18 =	vld [tilespmem:s22+$0xFFFFFE80]  }
.LBB2_5:
0x83: {  	v19 =	vadd.f32 v4, v3;
	v3 =	vld [tilespmem:s24+$0x180];
	s22 =	sadd.s32 $0x400, s22  }
0x84: {  	v20 =	vadd.f32 v8, v7;
	v8 =	vadd.f32 v6, v5;
	v4 =	vld [tilespmem:s22+$0x180]  }
0x85: {  	v11 =	vadd.f32 v12, v11;
	v9 =	vadd.f32 v10, v9;
	v5 =	vld [tilespmem:s24+$0x100]  }
0x86: {  	v12 =	vadd.f32 v14, v13;
	v6 =	vld [tilespmem:s22+$0x100];
	v10 =	vadd.f32 v17, v16  }
0x87: {  	v16 =	vand.u32 $0x7FFFFFFF, v8;
	v17 =	vand.u32 $0x7FFFFFFF, v19;
	v7 =	vld [tilespmem:s24+$0x80];
	v13 =	vadd.f32 v18, v15  }
0x88: {  	v14 =	vand.u32 $0x7FFFFFFF, v9;
	v15 =	vand.u32 $0x7FFFFFFF, v20;
	v8 =	vld [tilespmem:s22+$0x80];
	v10 =	vand.u32 $0x7FFFFFFF, v10  }
0x89: {  	v18 =	vand.u32 $0x7FFFFFFF, v11;
	v9 =	vld [tilespmem:s24+$0x0];
	vm0 =	vgt.f32 v10, v1;
	v13 =	vand.u32 $0x7FFFFFFF, v13  }
0x8a: {  	v12 =	vand.u32 $0x7FFFFFFF, v12;
	v10 =	vld [tilespmem:s22+$0x0];
	v19 =	vsel vm0, $0x1, v0;
	vm0 =	vgt.f32 v13, v1  }
0x8b: {  	v11 =	vld [tilespmem:s24+$0xFFFFFF80];
	v2 =	vadd.s32 v19, v2;
	v13 =	vsel vm0, $0x1, v0;
	vm0 =	vgt.f32 v12, v1  }
0x8c: {  	s23 =	sadd.s32 $0x8, s23;
	v12 =	vld [tilespmem:s22+$0xFFFFFF80];
	v2 =	vadd.s32 v13, v2;
	v19 =	vsel vm0, $0x1, v0;
	vm0 =	vgt.f32 v18, v1  }
0x8d: {  	p0 =	slt.u32 s23, $0x38;
	v13 =	vld [tilespmem:s24+$0xFFFFFF00];
	v2 =	vadd.s32 v19, v2;
	v18 =	vsel vm0, $0x1, v0;
	vm0 =	vgt.f32 v14, v1  }
.Ltmp1:
0x8e: {  	v14 =	vld [tilespmem:s22+$0xFFFFFF00];
	v2 =	vadd.s32 v18, v2;
	v18 =	vsel vm0, $0x1, v0;
	vm0 =	vgt.f32 v15, v1;
	(pc) =	sbr.rel @p0 .LBB2_5-.Ltmp1, $4  }
0x8f: {  	v15 =	vld [tilespmem:s24+$0xFFFFFE80];
	v2 =	vadd.s32 v18, v2;
	v18 =	vsel vm0, $0x1, v0;
	vm0 =	vgt.f32 v16, v1  }
0x90: {  	v16 =	vld [tilespmem:s24+$0xFFFFFE00];
	v2 =	vadd.s32 v18, v2;
	v18 =	vsel vm0, $0x1, v0;
	vm0 =	vgt.f32 v17, v1  }
0x91: {  	v17 =	vld [tilespmem:s22+$0xFFFFFE00];
	v2 =	vadd.s32 v18, v2;
	v19 =	vsel vm0, $0x1, v0  }
0x92: {  	s24 =	sadd.s32 $0x800, s24;
	v18 =	vld [tilespmem:s22+$0xFFFFFE80];
	v2 =	vadd.s32 v19, v2  }
0x93: {  	v3 =	vadd.f32 v4, v3  }
0x94: {  	v4 =	vadd.f32 v8, v7;
	v5 =	vadd.f32 v6, v5  }
0x95: {  	v6 =	vadd.f32 v12, v11;
	v7 =	vadd.f32 v10, v9  }
0x96: {  	v58 =	vadd.f32 v14, v13;
	v8 =	vadd.f32 v17, v16  }
0x97: {  	v5 =	vand.u32 $0x7FFFFFFF, v5;
	v3 =	vand.u32 $0x7FFFFFFF, v3;
	v59 =	vadd.f32 v18, v15  }
0x98: {  	v7 =	vand.u32 $0x7FFFFFFF, v7;
	v4 =	vand.u32 $0x7FFFFFFF, v4;
	v8 =	vand.u32 $0x7FFFFFFF, v8  }
0x99: {  	v6 =	vand.u32 $0x7FFFFFFF, v6;
	vm0 =	vgt.f32 v8, v1;
	v8 =	vand.u32 $0x7FFFFFFF, v59  }
0x9a: {  	v60 =	vsel vm0, $0x1, v0;
	vm0 =	vgt.f32 v8, v1;
	v8 =	vand.u32 $0x7FFFFFFF, v58  }
0x9b: {  	s22 =	simm.s32 $0x4200;
	v2 =	vadd.s32 v60, v2;
	v61 =	vsel vm0, $0x1, v0;
	vm0 =	vgt.f32 v8, v1;
	v8 =	vld [tilespmem:s17+$0xFFFFFE00]  }
0x9c: {  	v2 =	vadd.s32 v61, v2;
	v62 =	vsel vm0, $0x1, v0;
	vm0 =	vgt.f32 v6, v1;
	v6 =	vld [tilespmem:s22+$0xFFFFFE00]  }
0x9d: {  	v2 =	vadd.s32 v62, v2;
	v63 =	vsel vm0, $0x1, v0;
	vm0 =	vgt.f32 v7, v1  }
0x9e: {  	v2 =	vadd.s32 v63, v2;
	v7 =	vsel vm0, $0x1, v0;
	vm0 =	vgt.f32 v4, v1  }
0x9f: {  	v2 =	vadd.s32 v7, v2;
	v4 =	vsel vm0, $0x1, v0;
	vm0 =	vgt.f32 v5, v1  }
0xa0: {  	v2 =	vadd.s32 v4, v2;
	v4 =	vsel vm0, $0x1, v0;
	vm0 =	vgt.f32 v3, v1  }
0xa1: {  	v2 =	vadd.s32 v4, v2;
	v3 =	vsel vm0, $0x1, v0;
	v4 =	vadd.f32 v6, v8  }
0xa2: {  	v2 =	vadd.s32 v3, v2  }
0xa3: {  	v3 =	vimm.s32 $0x0;
	v2 =	vsub.s32 $0x8, v2;
	v4 =	vand.u32 $0x7FFFFFFF, v4  }
0xa4: {  	vm0 =	veq.f32 v4, v1;
	vm1 =	vlt.s32 v3, v2  }
0xa5: {  	vm0 =	vmand vm1, vm0;
	vm1 =	vgt.f32 v4, v1;
	v4 =	vadd.f32 v8, v8  }
0xa6: {  	vm1 =	vmor vm1, vm0  }
0xa7: {  	s23 =	sadd.s32 $0x0, s19;
	v4 =	vnsel vm1, $0x0, v4  }
0xa8: {  	s24 =	sor.u32 $0x80, s23;
	[tilespmem:s18+$0xFFFFFE00] =	vst v4  }
0xa9: {  	v4 =	vld [tilespmem:s24+$0x0]  }
0xaa: {  	v5 =	vld [tilespmem:s22+$0xFFFFFE80];
	_ =	sdelay $0x4  }
0xab: {  	v5 =	vadd.f32 v5, v4  }
0xac: {  	v6 =	vsel vm0, $0x1, v0  }
0xad: {  	v3 =	vadd.s32 v6, v3;
	v5 =	vand.u32 $0x7FFFFFFF, v5  }
0xae: {  	vm0 =	vlt.s32 v3, v2;
	vm1 =	veq.f32 v5, v1  }
0xaf: {  	v4 =	vadd.f32 v4, v4;
	vm2 =	vgt.f32 v5, v1;
	vm0 =	vmand vm1, vm0  }
0xb0: {  	vm1 =	vmor vm2, vm0  }
0xb1: {  	v4 =	vnsel vm1, $0x0, v4  }
0xb2: {  	[tilespmem:s24+$0x6000] =	vst v4  }
0xb3: {  	v4 =	vld [tilespmem:s17+$0xFFFFFF00]  }
0xb4: {  	v5 =	vld [tilespmem:s22+$0xFFFFFF00];
	_ =	sdelay $0x4  }
0xb5: {  	v5 =	vadd.f32 v5, v4  }
0xb6: {  	v6 =	vsel vm0, $0x1, v0  }
0xb7: {  	v3 =	vadd.s32 v6, v3;
	v5 =	vand.u32 $0x7FFFFFFF, v5  }
0xb8: {  	vm0 =	vlt.s32 v3, v2;
	vm1 =	veq.f32 v5, v1  }
0xb9: {  	v4 =	vadd.f32 v4, v4;
	vm2 =	vgt.f32 v5, v1;
	vm0 =	vmand vm1, vm0  }
0xba: {  	vm1 =	vmor vm2, vm0  }
0xbb: {  	v4 =	vnsel vm1, $0x0, v4  }
0xbc: {  	s30 =	sor.u32 $0x180, s23;
	[tilespmem:s18+$0xFFFFFF00] =	vst v4  }
0xbd: {  	v4 =	vld [tilespmem:s30+$0x0]  }
0xbe: {  	v5 =	vld [tilespmem:s22+$0xFFFFFF80];
	_ =	sdelay $0x4  }
0xbf: {  	v5 =	vadd.f32 v5, v4  }
0xc0: {  	v6 =	vsel vm0, $0x1, v0  }
0xc1: {  	v3 =	vadd.s32 v6, v3;
	v5 =	vand.u32 $0x7FFFFFFF, v5  }
0xc2: {  	vm0 =	vlt.s32 v3, v2;
	vm1 =	veq.f32 v5, v1  }
0xc3: {  	v4 =	vadd.f32 v4, v4;
	vm2 =	vgt.f32 v5, v1;
	vm0 =	vmand vm1, vm0  }
0xc4: {  	vm1 =	vmor vm2, vm0  }
0xc5: {  	v4 =	vnsel vm1, $0x0, v4  }
0xc6: {  	[tilespmem:s30+$0x6000] =	vst v4  }
0xc7: {  	v4 =	vld [tilespmem:s17+$0x0]  }
0xc8: {  	v5 =	vld [tilespmem:s22+$0x0];
	_ =	sdelay $0x4  }
0xc9: {  	v5 =	vadd.f32 v5, v4  }
0xca: {  	v6 =	vsel vm0, $0x1, v0  }
0xcb: {  	v3 =	vadd.s32 v6, v3;
	v5 =	vand.u32 $0x7FFFFFFF, v5  }
0xcc: {  	vm0 =	vlt.s32 v3, v2;
	vm1 =	veq.f32 v5, v1  }
0xcd: {  	v4 =	vadd.f32 v4, v4;
	vm2 =	vgt.f32 v5, v1;
	vm0 =	vmand vm1, vm0  }
0xce: {  	vm1 =	vmor vm2, vm0  }
0xcf: {  	v4 =	vnsel vm1, $0x0, v4  }
0xd0: {  	s23 =	sor.u32 $0x280, s23;
	[tilespmem:s18+$0x0] =	vst v4  }
0xd1: {  	v4 =	vld [tilespmem:s23+$0x0]  }
0xd2: {  	v5 =	vld [tilespmem:s22+$0x80];
	_ =	sdelay $0x4  }
0xd3: {  	v5 =	vadd.f32 v5, v4  }
0xd4: {  	v6 =	vsel vm0, $0x1, v0  }
0xd5: {  	v3 =	vadd.s32 v6, v3;
	v5 =	vand.u32 $0x7FFFFFFF, v5  }
0xd6: {  	vm0 =	vlt.s32 v3, v2;
	vm1 =	veq.f32 v5, v1  }
0xd7: {  	v4 =	vadd.f32 v4, v4;
	vm2 =	vgt.f32 v5, v1;
	vm0 =	vmand vm1, vm0  }
0xd8: {  	vm1 =	vmor vm2, vm0  }
0xd9: {  	v4 =	vnsel vm1, $0x0, v4  }
0xda: {  	[tilespmem:s23+$0x6000] =	vst v4  }
0xdb: {  	v4 =	vld [tilespmem:s17+$0x100]  }
0xdc: {  	v5 =	vld [tilespmem:s22+$0x100];
	_ =	sdelay $0x4  }
0xdd: {  	v5 =	vadd.f32 v5, v4  }
0xde: {  	v6 =	vsel vm0, $0x1, v0  }
0xdf: {  	v3 =	vadd.s32 v6, v3;
	v5 =	vand.u32 $0x7FFFFFFF, v5  }
0xe0: {  	vm0 =	vlt.s32 v3, v2;
	vm1 =	veq.f32 v5, v1  }
0xe1: {  	v4 =	vadd.f32 v4, v4;
	vm2 =	vgt.f32 v5, v1;
	vm0 =	vmand vm1, vm0  }
0xe2: {  	s20 =	sor.u32 s20, s21;
	vm1 =	vmor vm2, vm0  }
0xe3: {  	s31 =	simm.s32 $0x0;
	s20 =	sor.u32 $0x380, s20;
	v4 =	vnsel vm1, $0x0, v4  }
0xe4: {  	s24 =	sor.u32 s20, s31;
	[tilespmem:s18+$0x100] =	vst v4  }
0xe5: {  	v5 =	vld [tilespmem:s24+$0x0]  }
0xe6: {  	v6 =	vld [tilespmem:s22+$0x180];
	_ =	sdelay $0x1  }
0xe7: {  	v4 =	vsel vm0, $0x1, v0  }
0xe8: {  	v3 =	vadd.s32 v4, v3  }
0xe9: {  	s21 =	simm.s32 $0x0;
	s23 =	simm.s32 $0x4600;
	s22 =	simm.s32 $0x800;
	vm0 =	vlt.s32 v3, v2;
	v4 =	vadd.f32 v5, v5  }
.LBB2_7:
0xea: {  	s21 =	sadd.s32 $0x8, s21;
	v5 =	vadd.f32 v6, v5;
	s17 =	sadd.s32 $0x800, s17;
	s18 =	sadd.s32 $0x800, s18  }
0xeb: {  	p0 =	slt.u32 s21, $0x38  }
0xec: {  	v5 =	vand.u32 $0x7FFFFFFF, v5  }
0xed: {  	vm1 =	veq.f32 v5, v1;
	vm2 =	vgt.f32 v5, v1  }
0xee: {  	vm0 =	vmand vm1, vm0  }
0xef: {  	v5 =	vsel vm0, $0x1, v0;
	vm0 =	vmor vm2, vm0  }
0xf0: {  	v3 =	vadd.s32 v5, v3;
	v4 =	vnsel vm0, $0x0, v4  }
0xf1: {  	[tilespmem:s24+$0x6000] =	vst v4  }
0xf2: {  	v4 =	vld [tilespmem:s17+$0xFFFFFE00]  }
0xf3: {  	v5 =	vld [tilespmem:s23+$0xFFFFFE00];
	_ =	sdelay $0x4  }
0xf4: {  	v5 =	vadd.f32 v5, v4;
	_ =	sdelay $0x1  }
0xf5: {  	v5 =	vand.u32 $0x7FFFFFFF, v5  }
0xf6: {  	vm1 =	vlt.s32 v3, v2;
	vm0 =	veq.f32 v5, v1  }
0xf7: {  	v4 =	vadd.f32 v4, v4;
	vm0 =	vmand vm1, vm0;
	vm1 =	vgt.f32 v5, v1  }
0xf8: {  	v5 =	vsel vm0, $0x1, v0;
	vm0 =	vmor vm1, vm0  }
0xf9: {  	s24 =	sadd.s32 s22, s19;
	v4 =	vnsel vm0, $0x0, v4  }
0xfa: {  	s25 =	sor.u32 $0x80, s24;
	[tilespmem:s18+$0xFFFFFE00] =	vst v4  }
0xfb: {  	v4 =	vld [tilespmem:s25+$0x0]  }
0xfc: {  	v6 =	vld [tilespmem:s23+$0xFFFFFE80];
	_ =	sdelay $0x4  }
0xfd: {  	v6 =	vadd.f32 v6, v4  }
0xfe: {  	v3 =	vadd.s32 v5, v3  }
0xff: {  	vm0 =	vlt.s32 v3, v2;
	v5 =	vand.u32 $0x7FFFFFFF, v6  }
0x100: {  	v4 =	vadd.f32 v4, v4;
	vm1 =	veq.f32 v5, v1;
	vm2 =	vgt.f32 v5, v1  }
0x101: {  	vm0 =	vmand vm1, vm0  }
0x102: {  	v5 =	vsel vm0, $0x1, v0;
	vm0 =	vmor vm2, vm0  }
0x103: {  	v4 =	vnsel vm0, $0x0, v4  }
0x104: {  	[tilespmem:s25+$0x6000] =	vst v4  }
0x105: {  	v4 =	vld [tilespmem:s17+$0xFFFFFF00]  }
0x106: {  	v6 =	vld [tilespmem:s23+$0xFFFFFF00];
	_ =	sdelay $0x4  }
0x107: {  	v3 =	vadd.s32 v5, v3;
	v5 =	vadd.f32 v6, v4  }
0x108: {  	vm0 =	vlt.s32 v3, v2  }
0x109: {  	v4 =	vadd.f32 v4, v4;
	v5 =	vand.u32 $0x7FFFFFFF, v5  }
0x10a: {  	vm1 =	veq.f32 v5, v1;
	vm2 =	vgt.f32 v5, v1  }
0x10b: {  	vm0 =	vmand vm1, vm0  }
0x10c: {  	v5 =	vsel vm0, $0x1, v0;
	vm0 =	vmor vm2, vm0  }
0x10d: {  	v4 =	vnsel vm0, $0x0, v4  }
0x10e: {  	s25 =	sor.u32 $0x180, s24;
	[tilespmem:s18+$0xFFFFFF00] =	vst v4  }
0x10f: {  	v4 =	vld [tilespmem:s25+$0x0]  }
0x110: {  	v6 =	vld [tilespmem:s23+$0xFFFFFF80];
	_ =	sdelay $0x3  }
0x111: {  	v3 =	vadd.s32 v5, v3  }
0x112: {  	vm0 =	vlt.s32 v3, v2;
	v5 =	vadd.f32 v6, v4  }
0x113: {  	v4 =	vadd.f32 v4, v4  }
0x114: {  	v5 =	vand.u32 $0x7FFFFFFF, v5  }
0x115: {  	vm1 =	veq.f32 v5, v1;
	vm2 =	vgt.f32 v5, v1  }
0x116: {  	vm0 =	vmand vm1, vm0  }
0x117: {  	v5 =	vsel vm0, $0x1, v0;
	vm0 =	vmor vm2, vm0  }
0x118: {  	v4 =	vnsel vm0, $0x0, v4  }
0x119: {  	[tilespmem:s25+$0x6000] =	vst v4  }
0x11a: {  	v4 =	vld [tilespmem:s17+$0x0]  }
0x11b: {  	v6 =	vld [tilespmem:s23+$0x0];
	_ =	sdelay $0x2  }
0x11c: {  	v3 =	vadd.s32 v5, v3  }
0x11d: {  	vm0 =	vlt.s32 v3, v2  }
0x11e: {  	v5 =	vadd.f32 v6, v4;
	v4 =	vadd.f32 v4, v4;
	_ =	sdelay $0x1  }
0x11f: {  	v5 =	vand.u32 $0x7FFFFFFF, v5  }
0x120: {  	vm1 =	veq.f32 v5, v1;
	vm2 =	vgt.f32 v5, v1  }
0x121: {  	vm0 =	vmand vm1, vm0  }
0x122: {  	v5 =	vsel vm0, $0x1, v0;
	vm0 =	vmor vm2, vm0  }
0x123: {  	v4 =	vnsel vm0, $0x0, v4  }
0x124: {  	s24 =	sor.u32 $0x280, s24;
	[tilespmem:s18+$0x0] =	vst v4  }
0x125: {  	v4 =	vld [tilespmem:s24+$0x0]  }
0x126: {  	v6 =	vld [tilespmem:s23+$0x80];
	_ =	sdelay $0x1  }
0x127: {  	v3 =	vadd.s32 v5, v3  }
0x128: {  	vm0 =	vlt.s32 v3, v2  }
0x129: {  	v5 =	vadd.f32 v4, v4  }
0x12a: {  	v4 =	vadd.f32 v6, v4;
	_ =	sdelay $0x1  }
0x12b: {  	v4 =	vand.u32 $0x7FFFFFFF, v4  }
0x12c: {  	vm1 =	veq.f32 v4, v1;
	vm2 =	vgt.f32 v4, v1  }
0x12d: {  	vm0 =	vmand vm1, vm0  }
0x12e: {  	v4 =	vsel vm0, $0x1, v0;
	vm0 =	vmor vm2, vm0  }
0x12f: {  	v5 =	vnsel vm0, $0x0, v5  }
0x130: {  	[tilespmem:s24+$0x6000] =	vst v5  }
0x131: {  	v5 =	vld [tilespmem:s17+$0x100]  }
0x132: {  	v6 =	vld [tilespmem:s23+$0x100]  }
0x133: {  	v3 =	vadd.s32 v4, v3  }
0x134: {  	vm0 =	vlt.s32 v3, v2;
	_ =	sdelay $0x1  }
0x135: {  	v4 =	vadd.f32 v5, v5  }
0x136: {  	v5 =	vadd.f32 v6, v5;
	_ =	sdelay $0x1  }
0x137: {  	v5 =	vand.u32 $0x7FFFFFFF, v5  }
0x138: {  	vm1 =	veq.f32 v5, v1;
	vm2 =	vgt.f32 v5, v1  }
0x139: {  	vm0 =	vmand vm1, vm0  }
0x13a: {  	v6 =	vsel vm0, $0x1, v0;
	vm0 =	vmor vm2, vm0  }
0x13b: {  	v4 =	vnsel vm0, $0x0, v4  }
0x13c: {  	s24 =	sor.u32 s20, s22;
	[tilespmem:s18+$0x100] =	vst v4  }
0x13d: {  	v5 =	vld [tilespmem:s24+$0x0]  }
.Ltmp2:
0x13e: {  	v3 =	vadd.s32 v6, v3;
	v6 =	vld [tilespmem:s23+$0x180];
	(pc) =	sbr.rel @p0 .LBB2_7-.Ltmp2, $2  }
0x13f: {  	vm0 =	vlt.s32 v3, v2;
	_ =	sdelay $0x2  }
0x140: {  	s22 =	sadd.s32 $0x800, s22;
	s23 =	sadd.s32 $0x400, s23;
	v4 =	vadd.f32 v5, v5  }
0x141: {  	v2 =	vadd.f32 v6, v5  }
0x142: {  	s16 =	sadd.s32 $0x1, s16  }
0x143: {  	p0 =	sne.s32 s16, $0x10;
	v2 =	vand.u32 $0x7FFFFFFF, v2  }
.Ltmp3:
0x144: {  	vm1 =	veq.f32 v2, v1;
	(pc) =	sbr.rel @p0 .LBB2_2-.Ltmp3, $4  }
0x145: {  	vm2 =	vgt.f32 v2, v1;
	vm0 =	vmand vm1, vm0  }
0x146: {  	vm0 =	vmor vm2, vm0  }
0x147: {  	v1 =	vnsel vm0, $0x0, v4  }
0x148: {  	s15 =	sadd.s32 $0x80, s15;
	s14 =	sadd.s32 $0x1, s14;
	s13 =	sadd.s32 $0x10, s13;
	[tilespmem:s24+$0x6000] =	vst v1  }
0x149: {  	s12 =	sadd.s32 $0x1, s12  }
0x14a: {  	p0 =	sne.s32 s12, s7  }
.Ltmp4:
0x14b: {  	_ = 	snop;
	(pc) =	sbr.rel @p0 .LBB2_1-.Ltmp4, $4  }
0x14c: {  	[hbm4b:s6+s8] =	stream.strided.scatter [tilespmem:s11], [sflag:$0x1], $0x4000, s9, s8, $0x38;
	[tilespmem:$0xA000] =	vst v63  }
0x14d: {  	_ =	swait.ge [sflag:s4], $0x4000  }
0x14e: {  	[sflag:s4] =	ssyncset.done $0x0  }
0x14f: {  	[sflag:s4] =	ssyncadd.s32 $0xFFFFC000  }
0x150: {  	_ =	sfence.sel $0x180000  }
0x151: {  	[bflag:$0x0] =	sbarrier.arrive $0xFFFF  }
0x152: {  	p0 =	sne.s32 s0, $0x0;
	_ =	strace $0x90000047  }
0x153: {  	s0 =	sadd.s32 @!p0 $0x100000, s1;
	[bflag:$0x2] =	sbarrier.arrive $0xFFFF  }
0x154: {  	[sflag:s0] =	ssyncadd.tile.s32 @!p0 $0x1;
	_ =	shalt  }
.Lfunc_end2:
_tile_overlayer_lowered:
.L_overlay_start_2:
0x155: {  	(tag) =	ssettag $0x2  }
0x156: {  	s0 =	rddreg [dreg:$0x0];
	s2 =	stileid.u32  }
0x157: {  	s1 =	rddreg [dreg:$0x1];
	p0 =	sne.s32 s2, $0x0  }
0x158: {  	s3 =	rddreg [dreg:$0x2];
	[bflag:$0x3] =	sbarrier.arrive $0xFFFF;
	s2 =	simm.s32 @!p0 $0x1C01  }
0x159: {  	[timem:s3], [sflag:s2] =	dma.local @!p0 [hbm:s0], s1  }
0x15a: {  	s0 =	simm.s32 @!p0 $0x1  }
0x15b: {  	_ =	swait.ge @!p0 [sflag:s0], s1  }
0x15c: {  	s1 =	ssub.s32 @!p0 $0x0, s1;
	[sflag:s0] =	ssyncset.done @!p0 $0x0  }
0x15d: {  	[sflag:s0] =	ssyncadd.s32 @!p0 s1  }
0x15e: {  	[bflag:$0x3] =	sbarrier.arrive $0xFFFF  }
0x15f: {  	_ =	shalt  }

</sc_bundles>
